<compile_context>
chip_gen: v7x
topology: tpu7x:2x2x1
jax: 0.10.2.dev20260603
libtpu: 0.0.44.dev20260713+nightly
codegen_flags: <defaults>
</compile_context>

<pallas_src>
import functools

import jax
import jax.numpy as jnp
from jax import lax
from jax.experimental import pallas as pl
from jax.experimental.pallas import tpu as pltpu
from jax.experimental.pallas import tpu_sc as plsc

N = 50000
NPAD = 50176
E = 800000
EPAD = 819200
IDX_ROWS = EPAD // 128
NC, NS = 2, 16
TILE_ROWS = NPAD // NS
F32 = jnp.float32


def _sc_mesh():
    return plsc.VectorSubcoreMesh(core_axis_name="c", subcore_axis_name="s")


_SC_PARAMS = pltpu.CompilerParams(use_tc_tiling_on_sc=False)


def _init_chunk_for(ch):
    cap = ch * 128
    for c in (784, 448, 392, 224, 112, 56):
        if c <= cap:
            return c
    raise ValueError(ch)


def _deg_call(edge_idx, zeros_col, ones_rows):
    chunk_e = 1000
    edges_per_tile = E // (NC * NS)
    n_chunks = edges_per_tile // chunk_e

    @functools.partial(
        pl.kernel,
        out_type=jax.ShapeDtypeStruct((NC, NPAD, 1), F32),
        mesh=_sc_mesh(),
        compiler_params=_SC_PARAMS,
        scratch_types=[
            pltpu.VMEM((2, chunk_e), jnp.int32),
            pltpu.VMEM((chunk_e, 1), F32),
            pltpu.VMEM((TILE_ROWS, 1), F32),
            pltpu.VMEM_SHARED((NPAD, 1), F32),
            pltpu.SemaphoreType.DMA,
        ],
    )
    def deg_kernel(e_hbm, zero_hbm, ones_hbm, out_hbm,
                   dst_v, ones_v, stage_v, acc, sem):
        cid = lax.axis_index("c")
        sid = lax.axis_index("s")
        wid = cid * NS + sid
        base = sid * TILE_ROWS
        pltpu.sync_copy(zero_hbm.at[pl.ds(base, TILE_ROWS)], stage_v)
        pltpu.sync_copy(stage_v, acc.at[pl.ds(base, TILE_ROWS)])
        pltpu.sync_copy(ones_hbm, ones_v)
        plsc.subcore_barrier()

        e0 = wid * edges_per_tile

        def body(i, carry):
            off = e0 + i * chunk_e
            pltpu.sync_copy(e_hbm.at[1].at[pl.ds(off, chunk_e)], dst_v.at[0])
            pltpu.sync_copy(ones_v, acc.at[dst_v.at[0]], add=True)
            return carry

        lax.fori_loop(0, n_chunks, body, 0)
        plsc.subcore_barrier()
        pltpu.sync_copy(acc.at[pl.ds(base, TILE_ROWS)], stage_v)
        pltpu.sync_copy(stage_v, out_hbm.at[cid].at[pl.ds(base, TILE_ROWS)])

    return deg_kernel(edge_idx, zeros_col, ones_rows)


def _agg_call(table_pair, edge_idx, H, chunk_e):
    edges_per_tile = E // NS
    chunks_per_tile = edges_per_tile // chunk_e
    n_pairs = chunks_per_tile // 2

    @functools.partial(
        pl.kernel,
        out_type=jax.ShapeDtypeStruct((NC, NPAD, H), F32),
        mesh=_sc_mesh(),
        compiler_params=_SC_PARAMS,
        scratch_types=[
            pltpu.VMEM((2, chunk_e), jnp.int32),
            pltpu.VMEM((2, chunk_e), jnp.int32),
            pltpu.VMEM((chunk_e, H), F32),
            pltpu.VMEM((chunk_e, H), F32),
            pltpu.VMEM_SHARED((NPAD, H), F32),
            pltpu.SemaphoreType.DMA,
            pltpu.SemaphoreType.DMA,
            pltpu.SemaphoreType.DMA,
            pltpu.SemaphoreType.DMA,
        ],
    )
    def agg_kernel(table_hbm, e_hbm, out_hbm,
                   i0, i1, r0, r1, acc, g0, g1, s0, s1):
        cid = lax.axis_index("c")
        sid = lax.axis_index("s")
        base = sid * TILE_ROWS
        e0 = sid * edges_per_tile

        pltpu.sync_copy(table_hbm.at[cid].at[pl.ds(base, TILE_ROWS)],
                        acc.at[pl.ds(base, TILE_ROWS)])
        plsc.subcore_barrier()

        idx = (i0, i1)
        rows = (r0, r1)
        gsem = (g0, g1)
        ssem = (s0, s1)

        def load_i(b, c):
            off = e0 + c * chunk_e
            pltpu.sync_copy(e_hbm.at[0].at[pl.ds(off, chunk_e)], idx[b].at[0])
            pltpu.sync_copy(e_hbm.at[1].at[pl.ds(off, chunk_e)], idx[b].at[1])

        def fire_g(b):
            pltpu.async_copy(table_hbm.at[cid].at[idx[b].at[0]],
                             rows[b], gsem[b])

        def drain_g(b):
            pltpu.make_async_copy(table_hbm.at[cid].at[idx[b].at[0]],
                                  rows[b], gsem[b]).wait()

        def fire_s(b):
            pltpu.async_copy(rows[b], acc.at[idx[b].at[1]], ssem[b],
                             add=True)

        def drain_s(b):
            pltpu.make_async_copy(rows[b], acc.at[idx[b].at[1]],
                                  ssem[b]).wait()

        load_i(0, 0)
        fire_g(0)

        def body(p, carry):
            c = 2 * p
            load_i(1, c + 1)
            drain_g(0)
            fire_s(0)
            fire_g(1)
            drain_s(0)

            @pl.when(p + 1 < n_pairs)
            def _():
                load_i(0, c + 2)

            drain_g(1)
            fire_s(1)

            @pl.when(p + 1 < n_pairs)
            def _():
                fire_g(0)

            drain_s(1)
            return carry

        lax.fori_loop(0, n_pairs, body, 0)
        plsc.subcore_barrier()

        pltpu.sync_copy(acc.at[pl.ds(base, TILE_ROWS)],
                        out_hbm.at[cid].at[pl.ds(base, TILE_ROWS)])

    return agg_kernel(table_pair, edge_idx)


BR = 512
GRID = (NPAD // BR,)


def _row_spec(w):
    return pl.BlockSpec((BR, w), lambda i: (i, 0))


def _pair_spec(w):
    return pl.BlockSpec((2, BR, w), lambda i: (0, i, 0))


def _full_spec(a, b):
    return pl.BlockSpec((a, b), lambda i: (0, 0))


def _tc_prep(x_pad, deg0, deg1, W1):
    def body(x_ref, d0_ref, d1_ref, w_ref, dinv_ref, out_ref):
        deg = d0_ref[...] + d1_ref[...] + 1.0
        dv = lax.rsqrt(deg)
        h = jnp.dot(x_ref[...], w_ref[...], preferred_element_type=F32)
        hs = h * dv
        dinv_ref[...] = dv
        out_ref[0] = hs[:, :16]
        out_ref[1] = hs[:, 16:]

    return pl.pallas_call(
        body,
        grid=GRID,
        in_specs=[_row_spec(64), _row_spec(1), _row_spec(1), _full_spec(64, 32)],
        out_specs=[_row_spec(1), _pair_spec(16)],
        out_shape=[
            jax.ShapeDtypeStruct((NPAD, 1), F32),
            jax.ShapeDtypeStruct((2, NPAD, 16), F32),
        ],
    )(x_pad, deg0, deg1, W1)


BRN = 3584
GRIDN = (NPAD // BRN,)


def _tc_mid_t(aggT, deg0T, deg1T, biasT, WT_a, WT_b, Hin, Hout):
    def body(a_ref, d0_ref, d1_ref, b_ref, wa_ref, wb_ref, out_ref):
        dv = lax.rsqrt(d0_ref[...] + d1_ref[...] + 1.0)
        cat = jnp.concatenate([a_ref[0], a_ref[1]], axis=0)
        z = jnp.maximum(dv * cat + b_ref[...], 0.0)
        ha = jnp.dot(wa_ref[...], z, preferred_element_type=F32) * dv
        hb = jnp.dot(wb_ref[...], z, preferred_element_type=F32) * dv
        out_ref[0] = ha
        out_ref[1] = hb

    return pl.pallas_call(
        body,
        grid=GRIDN,
        in_specs=[
            pl.BlockSpec((2, Hin // 2, BRN), lambda i: (0, 0, i)),
            pl.BlockSpec((1, BRN), lambda i: (0, i)),
            pl.BlockSpec((1, BRN), lambda i: (0, i)),
            pl.BlockSpec((Hin, 1), lambda i: (0, 0)),
            pl.BlockSpec((Hout // 2, Hin), lambda i: (0, 0)),
            pl.BlockSpec((Hout // 2, Hin), lambda i: (0, 0)),
        ],
        out_specs=[pl.BlockSpec((2, Hout // 2, BRN), lambda i: (0, 0, i))],
        out_shape=[jax.ShapeDtypeStruct((2, Hout // 2, NPAD), F32)],
    )(aggT, deg0T, deg1T, biasT, WT_a, WT_b)[0]


def _tc_final_t(aggT, deg0T, deg1T, biasT):
    def body(a_ref, d0_ref, d1_ref, b_ref, out_ref):
        dv = lax.rsqrt(d0_ref[...] + d1_ref[...] + 1.0)
        cat = jnp.concatenate([a_ref[0], a_ref[1]], axis=0)
        emb = dv * cat + b_ref[...]
        nrm = jnp.sqrt(jnp.sum(emb * emb, axis=0, keepdims=True))
        out_ref[...] = emb / jnp.maximum(nrm, 1e-12)

    return pl.pallas_call(
        body,
        grid=GRIDN,
        in_specs=[
            pl.BlockSpec((2, 32, BRN), lambda i: (0, 0, i)),
            pl.BlockSpec((1, BRN), lambda i: (0, i)),
            pl.BlockSpec((1, BRN), lambda i: (0, i)),
            pl.BlockSpec((64, 1), lambda i: (0, 0)),
        ],
        out_specs=pl.BlockSpec((64, BRN), lambda i: (0, i)),
        out_shape=jax.ShapeDtypeStruct((64, NPAD), F32),
    )(aggT, deg0T, deg1T, biasT)


def kernel(x, edge_index, W1, b1, W2, b2, W3, b3):
    eidx = edge_index.astype(jnp.int32)
    x_pad = jnp.zeros((NPAD, 64), F32).at[:N].set(x)
    zeros_col = jnp.zeros((NPAD, 1), F32)
    ones_rows = jnp.ones((1000, 1), F32)

    deg_parts = _deg_call(eidx, zeros_col, ones_rows)
    d0T = deg_parts[0].reshape(1, NPAD)
    d1T = deg_parts[1].reshape(1, NPAD)
    dinv, hs1 = _tc_prep(x_pad, deg_parts[0], deg_parts[1], W1)
    agg1 = _agg_call(hs1, eidx, 16, 1000)
    hs2T = _tc_mid_t(jnp.transpose(agg1, (0, 2, 1)), d0T, d1T,
                     b1.reshape(32, 1), W2[:, :32].T, W2[:, 32:].T, 32, 64)
    hs2 = jnp.transpose(hs2T, (0, 2, 1))
    agg2 = _agg_call(hs2, eidx, 32, 200)
    hs3T = _tc_mid_t(jnp.transpose(agg2, (0, 2, 1)), d0T, d1T,
                     b2.reshape(64, 1), W3[:, :32].T, W3[:, 32:].T, 64, 64)
    hs3 = jnp.transpose(hs3T, (0, 2, 1))
    agg3 = _agg_call(hs3, eidx, 32, 200)
    embT = _tc_final_t(jnp.transpose(agg3, (0, 2, 1)), d0T, d1T,
                       b3.reshape(64, 1))
    return embT.T[:N]

# --- scband reference (transcript-rebuilt; emitter-appended) ---
"""Pipeline reference for scband-net-38998303048474 (READ-ONLY COPY).

The authoritative reference and input builder live on the scoring server;
editing this copy changes nothing except your own understanding.
"""

import jax, jax.numpy as jnp
import numpy as np

N_NODES = 50000
N_EDGES = 800000

def setup_inputs(seed: int = 0) -> dict:
    key = jax.random.key(seed)
    ks = jax.random.split(key, 8)
    x = jax.random.normal(ks[0], (N_NODES, 64), dtype=jnp.float32)
    edge_index = jax.random.randint(ks[1], (2, N_EDGES), 0, N_NODES, dtype=jnp.int64)
    def glorot(k, shape):
        lim = (6.0 / (shape[0] + shape[1])) ** 0.5
        return jax.random.uniform(k, shape, dtype=jnp.float32, minval=-lim, maxval=lim)
    W1 = glorot(ks[2], (64, 32)); b1 = jnp.zeros((32,), dtype=jnp.float32)
    W2 = glorot(ks[3], (32, 64)); b2 = jnp.zeros((64,), dtype=jnp.float32)
    W3 = glorot(ks[4], (64, 64)); b3 = jnp.zeros((64,), dtype=jnp.float32)
    return {"x": x, "edge_index": edge_index, "W1": W1, "b1": b1, "W2": W2, "b2": b2, "W3": W3, "b3": b3}

def _gcn_conv(x, W, b, src, dst, dinv, n):
    h = x @ W
    norm = dinv[src] * dinv[dst]
    msg = jnp.take(h, src, axis=0) * norm[:, None]
    out = jnp.zeros((n, W.shape[1]), dtype=h.dtype).at[dst].add(msg)
    return out + b

def reference(x, edge_index, W1, b1, W2, b2, W3, b3):
    n = x.shape[0]
    loops = jnp.arange(n, dtype=edge_index.dtype)
    src = jnp.concatenate([edge_index[0], loops])
    dst = jnp.concatenate([edge_index[1], loops])
    deg = jnp.zeros((n,), dtype=jnp.float32).at[dst].add(1.0)
    dinv = jnp.where(deg > 0, deg ** -0.5, 0.0)
    h = jax.nn.relu(_gcn_conv(x, W1, b1, src, dst, dinv, n))
    h = jax.nn.relu(_gcn_conv(h, W2, b2, src, dst, dinv, n))
    # F.dropout with training=self.training is identity in eval mode
    emb = _gcn_conv(h, W3, b3, src, dst, dinv, n)
    nrm = jnp.sqrt(jnp.sum(emb * emb, axis=-1, keepdims=True))
    emb = emb / jnp.maximum(nrm, 1e-12)
    return emb

if __name__ == "__main__":
    import jax
    _d = setup_inputs()
    print(jax.jit(kernel)(*tuple(_d.values())))

</pallas_src>

<mosaic_0001>
#map = affine_map<(d0, d1) -> (0, 0, 0)>
#map1 = affine_map<(d0, d1) -> (0, 0)>
module attributes {stable_mosaic.version = 14 : i64} {
  func.func @agg_kernel(%arg0: i32, %arg1: i32, %arg2: memref<2x50176x32xf32, #tpu.memory_space<hbm>>, %arg3: memref<2x800000xi32, #tpu.memory_space<hbm>>, %arg4: memref<2x50176x32xf32, #tpu.memory_space<hbm>>, %arg5: memref<2x200xi32, #tpu.memory_space<vmem>>, %arg6: memref<2x200xi32, #tpu.memory_space<vmem>>, %arg7: memref<200x32xf32, #tpu.memory_space<vmem>>, %arg8: memref<200x32xf32, #tpu.memory_space<vmem>>, %arg9: memref<50176x32xf32, #tpu.memory_space<vmem_shared>>, %arg10: memref<!tpu.dma_semaphore, #tpu.memory_space<semaphore_mem>>, %arg11: memref<!tpu.dma_semaphore, #tpu.memory_space<semaphore_mem>>, %arg12: memref<!tpu.dma_semaphore, #tpu.memory_space<semaphore_mem>>, %arg13: memref<!tpu.dma_semaphore, #tpu.memory_space<semaphore_mem>>) attributes {dimension_semantics = [#tpu.dimension_semantics<core_parallel>, #tpu.dimension_semantics<subcore_parallel>], iteration_bounds = array<i64: 2, 16>, scalar_prefetch = 0 : i64, scratch_operands = 9 : i64, tpu.core_type = #tpu.core_type<sc_vector_subcore>, window_params = [{transform_indices = #map}, {transform_indices = #map1}, {transform_indices = #map}]} {
    %mul3A = arith.constant 3136 : i32
    %mul3A_0 = arith.muli %arg1, %mul3A : i32
    %mul3A_1 = arith.constant 50000 : i32
    %mul3A_2 = arith.muli %arg1, %mul3A_1 : i32
    "tpu.region"() ({
      %run_scoped3A_23 = tpu.sem_alloc : memref<!tpu.dma_semaphore, #tpu.memory_space<semaphore_mem>>
      %dma_start3A_24 = arith.constant 0 : i32
      %dma_start3A_25 = tpu.memref_slice %arg9[%mul3A_0, %dma_start3A_24] : memref<50176x32xf32, #tpu.memory_space<vmem_shared>> -> memref<3136x32xf32, #tpu.memory_space<vmem_shared>>
      %dma_start3A_26 = arith.constant 0 : i32
      %dma_start3A_27 = arith.constant 0 : i32
      %dma_start3A_28 = tpu.memref_slice %arg2[%arg0, %dma_start3A_26, %dma_start3A_27] : memref<2x50176x32xf32, #tpu.memory_space<hbm>> -> memref<1x50176x32xf32, #tpu.memory_space<hbm>>
      %dma_start3A_29 = tpu.memref_squeeze %dma_start3A_28 : memref<1x50176x32xf32, #tpu.memory_space<hbm>> -> memref<50176x32xf32, #tpu.memory_space<hbm>>
      %dma_start3A_30 = arith.constant 0 : i32
      %dma_start3A_31 = tpu.memref_slice %dma_start3A_29[%mul3A_0, %dma_start3A_30] : memref<50176x32xf32, #tpu.memory_space<hbm>> -> memref<3136x32xf32, #tpu.memory_space<hbm>>
      tpu.enqueue_dma source(%dma_start3A_31 : memref<3136x32xf32, #tpu.memory_space<hbm>>) target(%dma_start3A_25 : memref<3136x32xf32, #tpu.memory_space<vmem_shared>>) target_semaphore(%run_scoped3A_23 : memref<!tpu.dma_semaphore, #tpu.memory_space<semaphore_mem>>)
      %dma_wait3A = arith.constant 0 : i32
      %dma_wait3A_32 = tpu.memref_slice %arg9[%mul3A_0, %dma_wait3A] : memref<50176x32xf32, #tpu.memory_space<vmem_shared>> -> memref<3136x32xf32, #tpu.memory_space<vmem_shared>>
      %dma_wait3A_33 = arith.constant 0 : i32
      %dma_wait3A_34 = arith.constant 0 : i32
      %dma_wait3A_35 = tpu.memref_slice %arg2[%arg0, %dma_wait3A_33, %dma_wait3A_34] : memref<2x50176x32xf32, #tpu.memory_space<hbm>> -> memref<1x50176x32xf32, #tpu.memory_space<hbm>>
      %dma_wait3A_36 = tpu.memref_squeeze %dma_wait3A_35 : memref<1x50176x32xf32, #tpu.memory_space<hbm>> -> memref<50176x32xf32, #tpu.memory_space<hbm>>
      %dma_wait3A_37 = arith.constant 0 : i32
      %dma_wait3A_38 = tpu.memref_slice %dma_wait3A_36[%mul3A_0, %dma_wait3A_37] : memref<50176x32xf32, #tpu.memory_space<hbm>> -> memref<3136x32xf32, #tpu.memory_space<hbm>>
      tpu.wait_dma2 semaphore(%run_scoped3A_23 : memref<!tpu.dma_semaphore, #tpu.memory_space<semaphore_mem>>) src(%dma_wait3A_38 : memref<3136x32xf32, #tpu.memory_space<hbm>>) dst(%dma_wait3A_32 : memref<3136x32xf32, #tpu.memory_space<vmem_shared>>)
      tpu.yield
    }) : () -> ()
    %barrier3A = arith.constant 0 : index
    tpu.barrier barrier_id(%barrier3A)
    %add3A = arith.constant 0 : i32
    %add3A_3 = arith.addi %mul3A_2, %add3A : i32
    %run_scoped3A = arith.constant 0 : i32
    %run_scoped3A_4 = arith.constant 0 : i32
    "tpu.region"() ({
      %run_scoped3A_23 = tpu.sem_alloc : memref<!tpu.dma_semaphore, #tpu.memory_space<semaphore_mem>>
      %dma_start3A_24 = arith.constant 0 : i32
      %dma_start3A_25 = tpu.memref_slice %arg5[%run_scoped3A_4, %dma_start3A_24] : memref<2x200xi32, #tpu.memory_space<vmem>> -> memref<1x200xi32, #tpu.memory_space<vmem>>
      %dma_start3A_26 = tpu.memref_squeeze %dma_start3A_25 : memref<1x200xi32, #tpu.memory_space<vmem>> -> memref<200xi32, #tpu.memory_space<vmem>>
      %dma_start3A_27 = arith.constant 0 : i32
      %dma_start3A_28 = tpu.memref_slice %arg3[%run_scoped3A, %dma_start3A_27] : memref<2x800000xi32, #tpu.memory_space<hbm>> -> memref<1x800000xi32, #tpu.memory_space<hbm>>
      %dma_start3A_29 = tpu.memref_squeeze %dma_start3A_28 : memref<1x800000xi32, #tpu.memory_space<hbm>> -> memref<800000xi32, #tpu.memory_space<hbm>>
      %dma_start3A_30 = tpu.memref_slice %dma_start3A_29[%add3A_3] : memref<800000xi32, #tpu.memory_space<hbm>> -> memref<200xi32, #tpu.memory_space<hbm>>
      %dma_start3A_31 = arith.constant 0 : i32
      %dma_start3A_32 = tpu.memref_slice %arg5[%run_scoped3A_4, %dma_start3A_31] : memref<2x200xi32, #tpu.memory_space<vmem>> -> memref<1x200xi32, #tpu.memory_space<vmem>>
      %dma_start3A_33 = tpu.memref_squeeze %dma_start3A_32 : memref<1x200xi32, #tpu.memory_space<vmem>> -> memref<200xi32, #tpu.memory_space<vmem>>
      %dma_start3A_34 = arith.constant 0 : i32
      %dma_start3A_35 = tpu.memref_slice %arg3[%run_scoped3A, %dma_start3A_34] : memref<2x800000xi32, #tpu.memory_space<hbm>> -> memref<1x800000xi32, #tpu.memory_space<hbm>>
      %dma_start3A_36 = tpu.memref_squeeze %dma_start3A_35 : memref<1x800000xi32, #tpu.memory_space<hbm>> -> memref<800000xi32, #tpu.memory_space<hbm>>
      %dma_start3A_37 = tpu.memref_slice %dma_start3A_36[%add3A_3] : memref<800000xi32, #tpu.memory_space<hbm>> -> memref<200xi32, #tpu.memory_space<hbm>>
      tpu.enqueue_dma source(%dma_start3A_37 : memref<200xi32, #tpu.memory_space<hbm>>) target(%dma_start3A_33 : memref<200xi32, #tpu.memory_space<vmem>>) target_semaphore(%run_scoped3A_23 : memref<!tpu.dma_semaphore, #tpu.memory_space<semaphore_mem>>)
      %dma_wait3A = arith.constant 0 : i32
      %dma_wait3A_38 = tpu.memref_slice %arg5[%run_scoped3A_4, %dma_wait3A] : memref<2x200xi32, #tpu.memory_space<vmem>> -> memref<1x200xi32, #tpu.memory_space<vmem>>
      %dma_wait3A_39 = tpu.memref_squeeze %dma_wait3A_38 : memref<1x200xi32, #tpu.memory_space<vmem>> -> memref<200xi32, #tpu.memory_space<vmem>>
      %dma_wait3A_40 = arith.constant 0 : i32
      %dma_wait3A_41 = tpu.memref_slice %arg3[%run_scoped3A, %dma_wait3A_40] : memref<2x800000xi32, #tpu.memory_space<hbm>> -> memref<1x800000xi32, #tpu.memory_space<hbm>>
      %dma_wait3A_42 = tpu.memref_squeeze %dma_wait3A_41 : memref<1x800000xi32, #tpu.memory_space<hbm>> -> memref<800000xi32, #tpu.memory_space<hbm>>
      %dma_wait3A_43 = tpu.memref_slice %dma_wait3A_42[%add3A_3] : memref<800000xi32, #tpu.memory_space<hbm>> -> memref<200xi32, #tpu.memory_space<hbm>>
      %dma_wait3A_44 = arith.constant 0 : i32
      %dma_wait3A_45 = tpu.memref_slice %arg5[%run_scoped3A_4, %dma_wait3A_44] : memref<2x200xi32, #tpu.memory_space<vmem>> -> memref<1x200xi32, #tpu.memory_space<vmem>>
      %dma_wait3A_46 = tpu.memref_squeeze %dma_wait3A_45 : memref<1x200xi32, #tpu.memory_space<vmem>> -> memref<200xi32, #tpu.memory_space<vmem>>
      %dma_wait3A_47 = arith.constant 0 : i32
      %dma_wait3A_48 = tpu.memref_slice %arg3[%run_scoped3A, %dma_wait3A_47] : memref<2x800000xi32, #tpu.memory_space<hbm>> -> memref<1x800000xi32, #tpu.memory_space<hbm>>
      %dma_wait3A_49 = tpu.memref_squeeze %dma_wait3A_48 : memref<1x800000xi32, #tpu.memory_space<hbm>> -> memref<800000xi32, #tpu.memory_space<hbm>>
      %dma_wait3A_50 = tpu.memref_slice %dma_wait3A_49[%add3A_3] : memref<800000xi32, #tpu.memory_space<hbm>> -> memref<200xi32, #tpu.memory_space<hbm>>
      tpu.wait_dma2 semaphore(%run_scoped3A_23 : memref<!tpu.dma_semaphore, #tpu.memory_space<semaphore_mem>>) src(%dma_wait3A_50 : memref<200xi32, #tpu.memory_space<hbm>>) dst(%dma_wait3A_46 : memref<200xi32, #tpu.memory_space<vmem>>)
      tpu.yield
    }) : () -> ()
    %run_scoped3A_5 = arith.constant 1 : i32
    %run_scoped3A_6 = arith.constant 1 : i32
    "tpu.region"() ({
      %run_scoped3A_23 = tpu.sem_alloc : memref<!tpu.dma_semaphore, #tpu.memory_space<semaphore_mem>>
      %dma_start3A_24 = arith.constant 0 : i32
      %dma_start3A_25 = tpu.memref_slice %arg5[%run_scoped3A_6, %dma_start3A_24] : memref<2x200xi32, #tpu.memory_space<vmem>> -> memref<1x200xi32, #tpu.memory_space<vmem>>
      %dma_start3A_26 = tpu.memref_squeeze %dma_start3A_25 : memref<1x200xi32, #tpu.memory_space<vmem>> -> memref<200xi32, #tpu.memory_space<vmem>>
      %dma_start3A_27 = arith.constant 0 : i32
      %dma_start3A_28 = tpu.memref_slice %arg3[%run_scoped3A_5, %dma_start3A_27] : memref<2x800000xi32, #tpu.memory_space<hbm>> -> memref<1x800000xi32, #tpu.memory_space<hbm>>
      %dma_start3A_29 = tpu.memref_squeeze %dma_start3A_28 : memref<1x800000xi32, #tpu.memory_space<hbm>> -> memref<800000xi32, #tpu.memory_space<hbm>>
      %dma_start3A_30 = tpu.memref_slice %dma_start3A_29[%add3A_3] : memref<800000xi32, #tpu.memory_space<hbm>> -> memref<200xi32, #tpu.memory_space<hbm>>
      %dma_start3A_31 = arith.constant 0 : i32
      %dma_start3A_32 = tpu.memref_slice %arg5[%run_scoped3A_6, %dma_start3A_31] : memref<2x200xi32, #tpu.memory_space<vmem>> -> memref<1x200xi32, #tpu.memory_space<vmem>>
      %dma_start3A_33 = tpu.memref_squeeze %dma_start3A_32 : memref<1x200xi32, #tpu.memory_space<vmem>> -> memref<200xi32, #tpu.memory_space<vmem>>
      %dma_start3A_34 = arith.constant 0 : i32
      %dma_start3A_35 = tpu.memref_slice %arg3[%run_scoped3A_5, %dma_start3A_34] : memref<2x800000xi32, #tpu.memory_space<hbm>> -> memref<1x800000xi32, #tpu.memory_space<hbm>>
      %dma_start3A_36 = tpu.memref_squeeze %dma_start3A_35 : memref<1x800000xi32, #tpu.memory_space<hbm>> -> memref<800000xi32, #tpu.memory_space<hbm>>
      %dma_start3A_37 = tpu.memref_slice %dma_start3A_36[%add3A_3] : memref<800000xi32, #tpu.memory_space<hbm>> -> memref<200xi32, #tpu.memory_space<hbm>>
      tpu.enqueue_dma source(%dma_start3A_37 : memref<200xi32, #tpu.memory_space<hbm>>) target(%dma_start3A_33 : memref<200xi32, #tpu.memory_space<vmem>>) target_semaphore(%run_scoped3A_23 : memref<!tpu.dma_semaphore, #tpu.memory_space<semaphore_mem>>)
      %dma_wait3A = arith.constant 0 : i32
      %dma_wait3A_38 = tpu.memref_slice %arg5[%run_scoped3A_6, %dma_wait3A] : memref<2x200xi32, #tpu.memory_space<vmem>> -> memref<1x200xi32, #tpu.memory_space<vmem>>
      %dma_wait3A_39 = tpu.memref_squeeze %dma_wait3A_38 : memref<1x200xi32, #tpu.memory_space<vmem>> -> memref<200xi32, #tpu.memory_space<vmem>>
      %dma_wait3A_40 = arith.constant 0 : i32
      %dma_wait3A_41 = tpu.memref_slice %arg3[%run_scoped3A_5, %dma_wait3A_40] : memref<2x800000xi32, #tpu.memory_space<hbm>> -> memref<1x800000xi32, #tpu.memory_space<hbm>>
      %dma_wait3A_42 = tpu.memref_squeeze %dma_wait3A_41 : memref<1x800000xi32, #tpu.memory_space<hbm>> -> memref<800000xi32, #tpu.memory_space<hbm>>
      %dma_wait3A_43 = tpu.memref_slice %dma_wait3A_42[%add3A_3] : memref<800000xi32, #tpu.memory_space<hbm>> -> memref<200xi32, #tpu.memory_space<hbm>>
      %dma_wait3A_44 = arith.constant 0 : i32
      %dma_wait3A_45 = tpu.memref_slice %arg5[%run_scoped3A_6, %dma_wait3A_44] : memref<2x200xi32, #tpu.memory_space<vmem>> -> memref<1x200xi32, #tpu.memory_space<vmem>>
      %dma_wait3A_46 = tpu.memref_squeeze %dma_wait3A_45 : memref<1x200xi32, #tpu.memory_space<vmem>> -> memref<200xi32, #tpu.memory_space<vmem>>
      %dma_wait3A_47 = arith.constant 0 : i32
      %dma_wait3A_48 = tpu.memref_slice %arg3[%run_scoped3A_5, %dma_wait3A_47] : memref<2x800000xi32, #tpu.memory_space<hbm>> -> memref<1x800000xi32, #tpu.memory_space<hbm>>
      %dma_wait3A_49 = tpu.memref_squeeze %dma_wait3A_48 : memref<1x800000xi32, #tpu.memory_space<hbm>> -> memref<800000xi32, #tpu.memory_space<hbm>>
      %dma_wait3A_50 = tpu.memref_slice %dma_wait3A_49[%add3A_3] : memref<800000xi32, #tpu.memory_space<hbm>> -> memref<200xi32, #tpu.memory_space<hbm>>
      tpu.wait_dma2 semaphore(%run_scoped3A_23 : memref<!tpu.dma_semaphore, #tpu.memory_space<semaphore_mem>>) src(%dma_wait3A_50 : memref<200xi32, #tpu.memory_space<hbm>>) dst(%dma_wait3A_46 : memref<200xi32, #tpu.memory_space<vmem>>)
      tpu.yield
    }) : () -> ()
    %dma_start3A = arith.constant 0 : i32
    %dma_start3A_7 = arith.constant 0 : i32
    %dma_start3A_8 = tpu.memref_slice %arg5[%dma_start3A, %dma_start3A_7] : memref<2x200xi32, #tpu.memory_space<vmem>> -> memref<1x200xi32, #tpu.memory_space<vmem>>
    %dma_start3A_9 = tpu.memref_squeeze %dma_start3A_8 : memref<1x200xi32, #tpu.memory_space<vmem>> -> memref<200xi32, #tpu.memory_space<vmem>>
    %dma_start3A_10 = arith.constant 0 : i32
    %dma_start3A_11 = arith.constant 0 : i32
    %dma_start3A_12 = tpu.memref_slice %arg2[%arg0, %dma_start3A_10, %dma_start3A_11] : memref<2x50176x32xf32, #tpu.memory_space<hbm>> -> memref<1x50176x32xf32, #tpu.memory_space<hbm>>
    %dma_start3A_13 = tpu.memref_squeeze %dma_start3A_12 : memref<1x50176x32xf32, #tpu.memory_space<hbm>> -> memref<50176x32xf32, #tpu.memory_space<hbm>>
    %dma_start3A_14 = arith.constant 0 : i32
    %dma_start3A_15 = arith.constant 0 : i32
    %dma_start3A_16 = tpu.memref_slice %dma_start3A_13[%dma_start3A_14, %dma_start3A_15] : memref<50176x32xf32, #tpu.memory_space<hbm>> -> memref<50176x32xf32, #tpu.memory_space<hbm>>
    tpu.enqueue_indirect_dma source(%dma_start3A_16 : memref<50176x32xf32, #tpu.memory_space<hbm>>) target(%arg7 : memref<200x32xf32, #tpu.memory_space<vmem>>) offsets(%dma_start3A_9 : memref<200xi32, #tpu.memory_space<vmem>>) semaphore(%arg10 : memref<!tpu.dma_semaphore, #tpu.memory_space<semaphore_mem>>)
    %scan3A = arith.constant 0 : i32
    %scan3A_17 = arith.constant 0 : i32
    %scan3A_18 = arith.constant 125 : i32
    %scan3A_19 = arith.addi %scan3A_17, %scan3A_18 : i32
    %scan3A_20 = arith.constant 1 : i32
    scf.for %scan3A_23 = %scan3A_17 to %scan3A_19 step %scan3A_20  : i32 {
      %mul3A_24 = arith.constant 2 : i32
      %mul3A_25 = arith.muli %mul3A_24, %scan3A_23 : i32
      %add3A_26 = arith.constant 1 : i32
      %add3A_27 = arith.addi %mul3A_25, %add3A_26 : i32
      %mul3A_28 = arith.constant 200 : i32
      %mul3A_29 = arith.muli %add3A_27, %mul3A_28 : i32
      %add3A_30 = arith.addi %mul3A_2, %mul3A_29 : i32
      %run_scoped3A_31 = arith.constant 0 : i32
      %run_scoped3A_32 = arith.constant 0 : i32
      "tpu.region"() ({
        %run_scoped3A_106 = tpu.sem_alloc : memref<!tpu.dma_semaphore, #tpu.memory_space<semaphore_mem>>
        %dma_start3A_107 = arith.constant 0 : i32
        %dma_start3A_108 = tpu.memref_slice %arg6[%run_scoped3A_32, %dma_start3A_107] : memref<2x200xi32, #tpu.memory_space<vmem>> -> memref<1x200xi32, #tpu.memory_space<vmem>>
        %dma_start3A_109 = tpu.memref_squeeze %dma_start3A_108 : memref<1x200xi32, #tpu.memory_space<vmem>> -> memref<200xi32, #tpu.memory_space<vmem>>
        %dma_start3A_110 = arith.constant 0 : i32
        %dma_start3A_111 = tpu.memref_slice %arg3[%run_scoped3A_31, %dma_start3A_110] : memref<2x800000xi32, #tpu.memory_space<hbm>> -> memref<1x800000xi32, #tpu.memory_space<hbm>>
        %dma_start3A_112 = tpu.memref_squeeze %dma_start3A_111 : memref<1x800000xi32, #tpu.memory_space<hbm>> -> memref<800000xi32, #tpu.memory_space<hbm>>
        %dma_start3A_113 = tpu.memref_slice %dma_start3A_112[%add3A_30] : memref<800000xi32, #tpu.memory_space<hbm>> -> memref<200xi32, #tpu.memory_space<hbm>>
        %dma_start3A_114 = arith.constant 0 : i32
        %dma_start3A_115 = tpu.memref_slice %arg6[%run_scoped3A_32, %dma_start3A_114] : memref<2x200xi32, #tpu.memory_space<vmem>> -> memref<1x200xi32, #tpu.memory_space<vmem>>
        %dma_start3A_116 = tpu.memref_squeeze %dma_start3A_115 : memref<1x200xi32, #tpu.memory_space<vmem>> -> memref<200xi32, #tpu.memory_space<vmem>>
        %dma_start3A_117 = arith.constant 0 : i32
        %dma_start3A_118 = tpu.memref_slice %arg3[%run_scoped3A_31, %dma_start3A_117] : memref<2x800000xi32, #tpu.memory_space<hbm>> -> memref<1x800000xi32, #tpu.memory_space<hbm>>
        %dma_start3A_119 = tpu.memref_squeeze %dma_start3A_118 : memref<1x800000xi32, #tpu.memory_space<hbm>> -> memref<800000xi32, #tpu.memory_space<hbm>>
        %dma_start3A_120 = tpu.memref_slice %dma_start3A_119[%add3A_30] : memref<800000xi32, #tpu.memory_space<hbm>> -> memref<200xi32, #tpu.memory_space<hbm>>
        tpu.enqueue_dma source(%dma_start3A_120 : memref<200xi32, #tpu.memory_space<hbm>>) target(%dma_start3A_116 : memref<200xi32, #tpu.memory_space<vmem>>) target_semaphore(%run_scoped3A_106 : memref<!tpu.dma_semaphore, #tpu.memory_space<semaphore_mem>>)
        %dma_wait3A_121 = arith.constant 0 : i32
        %dma_wait3A_122 = tpu.memref_slice %arg6[%run_scoped3A_32, %dma_wait3A_121] : memref<2x200xi32, #tpu.memory_space<vmem>> -> memref<1x200xi32, #tpu.memory_space<vmem>>
        %dma_wait3A_123 = tpu.memref_squeeze %dma_wait3A_122 : memref<1x200xi32, #tpu.memory_space<vmem>> -> memref<200xi32, #tpu.memory_space<vmem>>
        %dma_wait3A_124 = arith.constant 0 : i32
        %dma_wait3A_125 = tpu.memref_slice %arg3[%run_scoped3A_31, %dma_wait3A_124] : memref<2x800000xi32, #tpu.memory_space<hbm>> -> memref<1x800000xi32, #tpu.memory_space<hbm>>
        %dma_wait3A_126 = tpu.memref_squeeze %dma_wait3A_125 : memref<1x800000xi32, #tpu.memory_space<hbm>> -> memref<800000xi32, #tpu.memory_space<hbm>>
        %dma_wait3A_127 = tpu.memref_slice %dma_wait3A_126[%add3A_30] : memref<800000xi32, #tpu.memory_space<hbm>> -> memref<200xi32, #tpu.memory_space<hbm>>
        %dma_wait3A_128 = arith.constant 0 : i32
        %dma_wait3A_129 = tpu.memref_slice %arg6[%run_scoped3A_32, %dma_wait3A_128] : memref<2x200xi32, #tpu.memory_space<vmem>> -> memref<1x200xi32, #tpu.memory_space<vmem>>
        %dma_wait3A_130 = tpu.memref_squeeze %dma_wait3A_129 : memref<1x200xi32, #tpu.memory_space<vmem>> -> memref<200xi32, #tpu.memory_space<vmem>>
        %dma_wait3A_131 = arith.constant 0 : i32
        %dma_wait3A_132 = tpu.memref_slice %arg3[%run_scoped3A_31, %dma_wait3A_131] : memref<2x800000xi32, #tpu.memory_space<hbm>> -> memref<1x800000xi32, #tpu.memory_space<hbm>>
        %dma_wait3A_133 = tpu.memref_squeeze %dma_wait3A_132 : memref<1x800000xi32, #tpu.memory_space<hbm>> -> memref<800000xi32, #tpu.memory_space<hbm>>
        %dma_wait3A_134 = tpu.memref_slice %dma_wait3A_133[%add3A_30] : memref<800000xi32, #tpu.memory_space<hbm>> -> memref<200xi32, #tpu.memory_space<hbm>>
        tpu.wait_dma2 semaphore(%run_scoped3A_106 : memref<!tpu.dma_semaphore, #tpu.memory_space<semaphore_mem>>) src(%dma_wait3A_134 : memref<200xi32, #tpu.memory_space<hbm>>) dst(%dma_wait3A_130 : memref<200xi32, #tpu.memory_space<vmem>>)
        tpu.yield
      }) : () -> ()
      %run_scoped3A_33 = arith.constant 1 : i32
      %run_scoped3A_34 = arith.constant 1 : i32
      "tpu.region"() ({
        %run_scoped3A_106 = tpu.sem_alloc : memref<!tpu.dma_semaphore, #tpu.memory_space<semaphore_mem>>
        %dma_start3A_107 = arith.constant 0 : i32
        %dma_start3A_108 = tpu.memref_slice %arg6[%run_scoped3A_34, %dma_start3A_107] : memref<2x200xi32, #tpu.memory_space<vmem>> -> memref<1x200xi32, #tpu.memory_space<vmem>>
        %dma_start3A_109 = tpu.memref_squeeze %dma_start3A_108 : memref<1x200xi32, #tpu.memory_space<vmem>> -> memref<200xi32, #tpu.memory_space<vmem>>
        %dma_start3A_110 = arith.constant 0 : i32
        %dma_start3A_111 = tpu.memref_slice %arg3[%run_scoped3A_33, %dma_start3A_110] : memref<2x800000xi32, #tpu.memory_space<hbm>> -> memref<1x800000xi32, #tpu.memory_space<hbm>>
        %dma_start3A_112 = tpu.memref_squeeze %dma_start3A_111 : memref<1x800000xi32, #tpu.memory_space<hbm>> -> memref<800000xi32, #tpu.memory_space<hbm>>
        %dma_start3A_113 = tpu.memref_slice %dma_start3A_112[%add3A_30] : memref<800000xi32, #tpu.memory_space<hbm>> -> memref<200xi32, #tpu.memory_space<hbm>>
        %dma_start3A_114 = arith.constant 0 : i32
        %dma_start3A_115 = tpu.memref_slice %arg6[%run_scoped3A_34, %dma_start3A_114] : memref<2x200xi32, #tpu.memory_space<vmem>> -> memref<1x200xi32, #tpu.memory_space<vmem>>
        %dma_start3A_116 = tpu.memref_squeeze %dma_start3A_115 : memref<1x200xi32, #tpu.memory_space<vmem>> -> memref<200xi32, #tpu.memory_space<vmem>>
        %dma_start3A_117 = arith.constant 0 : i32
        %dma_start3A_118 = tpu.memref_slice %arg3[%run_scoped3A_33, %dma_start3A_117] : memref<2x800000xi32, #tpu.memory_space<hbm>> -> memref<1x800000xi32, #tpu.memory_space<hbm>>
        %dma_start3A_119 = tpu.memref_squeeze %dma_start3A_118 : memref<1x800000xi32, #tpu.memory_space<hbm>> -> memref<800000xi32, #tpu.memory_space<hbm>>
        %dma_start3A_120 = tpu.memref_slice %dma_start3A_119[%add3A_30] : memref<800000xi32, #tpu.memory_space<hbm>> -> memref<200xi32, #tpu.memory_space<hbm>>
        tpu.enqueue_dma source(%dma_start3A_120 : memref<200xi32, #tpu.memory_space<hbm>>) target(%dma_start3A_116 : memref<200xi32, #tpu.memory_space<vmem>>) target_semaphore(%run_scoped3A_106 : memref<!tpu.dma_semaphore, #tpu.memory_space<semaphore_mem>>)
        %dma_wait3A_121 = arith.constant 0 : i32
        %dma_wait3A_122 = tpu.memref_slice %arg6[%run_scoped3A_34, %dma_wait3A_121] : memref<2x200xi32, #tpu.memory_space<vmem>> -> memref<1x200xi32, #tpu.memory_space<vmem>>
        %dma_wait3A_123 = tpu.memref_squeeze %dma_wait3A_122 : memref<1x200xi32, #tpu.memory_space<vmem>> -> memref<200xi32, #tpu.memory_space<vmem>>
        %dma_wait3A_124 = arith.constant 0 : i32
        %dma_wait3A_125 = tpu.memref_slice %arg3[%run_scoped3A_33, %dma_wait3A_124] : memref<2x800000xi32, #tpu.memory_space<hbm>> -> memref<1x800000xi32, #tpu.memory_space<hbm>>
        %dma_wait3A_126 = tpu.memref_squeeze %dma_wait3A_125 : memref<1x800000xi32, #tpu.memory_space<hbm>> -> memref<800000xi32, #tpu.memory_space<hbm>>
        %dma_wait3A_127 = tpu.memref_slice %dma_wait3A_126[%add3A_30] : memref<800000xi32, #tpu.memory_space<hbm>> -> memref<200xi32, #tpu.memory_space<hbm>>
        %dma_wait3A_128 = arith.constant 0 : i32
        %dma_wait3A_129 = tpu.memref_slice %arg6[%run_scoped3A_34, %dma_wait3A_128] : memref<2x200xi32, #tpu.memory_space<vmem>> -> memref<1x200xi32, #tpu.memory_space<vmem>>
        %dma_wait3A_130 = tpu.memref_squeeze %dma_wait3A_129 : memref<1x200xi32, #tpu.memory_space<vmem>> -> memref<200xi32, #tpu.memory_space<vmem>>
        %dma_wait3A_131 = arith.constant 0 : i32
        %dma_wait3A_132 = tpu.memref_slice %arg3[%run_scoped3A_33, %dma_wait3A_131] : memref<2x800000xi32, #tpu.memory_space<hbm>> -> memref<1x800000xi32, #tpu.memory_space<hbm>>
        %dma_wait3A_133 = tpu.memref_squeeze %dma_wait3A_132 : memref<1x800000xi32, #tpu.memory_space<hbm>> -> memref<800000xi32, #tpu.memory_space<hbm>>
        %dma_wait3A_134 = tpu.memref_slice %dma_wait3A_133[%add3A_30] : memref<800000xi32, #tpu.memory_space<hbm>> -> memref<200xi32, #tpu.memory_space<hbm>>
        tpu.wait_dma2 semaphore(%run_scoped3A_106 : memref<!tpu.dma_semaphore, #tpu.memory_space<semaphore_mem>>) src(%dma_wait3A_134 : memref<200xi32, #tpu.memory_space<hbm>>) dst(%dma_wait3A_130 : memref<200xi32, #tpu.memory_space<vmem>>)
        tpu.yield
      }) : () -> ()
      %dma_wait3A = arith.constant 0 : i32
      %dma_wait3A_35 = arith.constant 0 : i32
      %dma_wait3A_36 = tpu.memref_slice %arg5[%dma_wait3A, %dma_wait3A_35] : memref<2x200xi32, #tpu.memory_space<vmem>> -> memref<1x200xi32, #tpu.memory_space<vmem>>
      %dma_wait3A_37 = tpu.memref_squeeze %dma_wait3A_36 : memref<1x200xi32, #tpu.memory_space<vmem>> -> memref<200xi32, #tpu.memory_space<vmem>>
      %dma_wait3A_38 = arith.constant 0 : i32
      %dma_wait3A_39 = arith.constant 0 : i32
      %dma_wait3A_40 = tpu.memref_slice %arg2[%arg0, %dma_wait3A_38, %dma_wait3A_39] : memref<2x50176x32xf32, #tpu.memory_space<hbm>> -> memref<1x50176x32xf32, #tpu.memory_space<hbm>>
      %dma_wait3A_41 = tpu.memref_squeeze %dma_wait3A_40 : memref<1x50176x32xf32, #tpu.memory_space<hbm>> -> memref<50176x32xf32, #tpu.memory_space<hbm>>
      %dma_wait3A_42 = arith.constant 0 : i32
      %dma_wait3A_43 = arith.constant 0 : i32
      %dma_wait3A_44 = tpu.memref_slice %dma_wait3A_41[%dma_wait3A_42, %dma_wait3A_43] : memref<50176x32xf32, #tpu.memory_space<hbm>> -> memref<50176x32xf32, #tpu.memory_space<hbm>>
      tpu.wait_indirect_dma semaphore(%arg10 : memref<!tpu.dma_semaphore, #tpu.memory_space<semaphore_mem>>) src(%dma_wait3A_44 : memref<50176x32xf32, #tpu.memory_space<hbm>>) dst(%arg7 : memref<200x32xf32, #tpu.memory_space<vmem>>)
      %dma_start3A_45 = arith.constant 1 : i32
      %dma_start3A_46 = arith.constant 0 : i32
      %dma_start3A_47 = tpu.memref_slice %arg5[%dma_start3A_45, %dma_start3A_46] : memref<2x200xi32, #tpu.memory_space<vmem>> -> memref<1x200xi32, #tpu.memory_space<vmem>>
      %dma_start3A_48 = tpu.memref_squeeze %dma_start3A_47 : memref<1x200xi32, #tpu.memory_space<vmem>> -> memref<200xi32, #tpu.memory_space<vmem>>
      %dma_start3A_49 = arith.constant 0 : i32
      %dma_start3A_50 = arith.constant 0 : i32
      %dma_start3A_51 = tpu.memref_slice %arg9[%dma_start3A_49, %dma_start3A_50] : memref<50176x32xf32, #tpu.memory_space<vmem_shared>> -> memref<50176x32xf32, #tpu.memory_space<vmem_shared>>
      tpu.enqueue_indirect_dma source(%arg7 : memref<200x32xf32, #tpu.memory_space<vmem>>) target(%dma_start3A_51 : memref<50176x32xf32, #tpu.memory_space<vmem_shared>>) offsets(%dma_start3A_48 : memref<200xi32, #tpu.memory_space<vmem>>) semaphore(%arg12 : memref<!tpu.dma_semaphore, #tpu.memory_space<semaphore_mem>>) {add = true}
      %dma_start3A_52 = arith.constant 0 : i32
      %dma_start3A_53 = arith.constant 0 : i32
      %dma_start3A_54 = tpu.memref_slice %arg6[%dma_start3A_52, %dma_start3A_53] : memref<2x200xi32, #tpu.memory_space<vmem>> -> memref<1x200xi32, #tpu.memory_space<vmem>>
      %dma_start3A_55 = tpu.memref_squeeze %dma_start3A_54 : memref<1x200xi32, #tpu.memory_space<vmem>> -> memref<200xi32, #tpu.memory_space<vmem>>
      %dma_start3A_56 = arith.constant 0 : i32
      %dma_start3A_57 = arith.constant 0 : i32
      %dma_start3A_58 = tpu.memref_slice %arg2[%arg0, %dma_start3A_56, %dma_start3A_57] : memref<2x50176x32xf32, #tpu.memory_space<hbm>> -> memref<1x50176x32xf32, #tpu.memory_space<hbm>>
      %dma_start3A_59 = tpu.memref_squeeze %dma_start3A_58 : memref<1x50176x32xf32, #tpu.memory_space<hbm>> -> memref<50176x32xf32, #tpu.memory_space<hbm>>
      %dma_start3A_60 = arith.constant 0 : i32
      %dma_start3A_61 = arith.constant 0 : i32
      %dma_start3A_62 = tpu.memref_slice %dma_start3A_59[%dma_start3A_60, %dma_start3A_61] : memref<50176x32xf32, #tpu.memory_space<hbm>> -> memref<50176x32xf32, #tpu.memory_space<hbm>>
      tpu.enqueue_indirect_dma source(%dma_start3A_62 : memref<50176x32xf32, #tpu.memory_space<hbm>>) target(%arg8 : memref<200x32xf32, #tpu.memory_space<vmem>>) offsets(%dma_start3A_55 : memref<200xi32, #tpu.memory_space<vmem>>) semaphore(%arg11 : memref<!tpu.dma_semaphore, #tpu.memory_space<semaphore_mem>>)
      %dma_wait3A_63 = arith.constant 1 : i32
      %dma_wait3A_64 = arith.constant 0 : i32
      %dma_wait3A_65 = tpu.memref_slice %arg5[%dma_wait3A_63, %dma_wait3A_64] : memref<2x200xi32, #tpu.memory_space<vmem>> -> memref<1x200xi32, #tpu.memory_space<vmem>>
      %dma_wait3A_66 = tpu.memref_squeeze %dma_wait3A_65 : memref<1x200xi32, #tpu.memory_space<vmem>> -> memref<200xi32, #tpu.memory_space<vmem>>
      %dma_wait3A_67 = arith.constant 0 : i32
      %dma_wait3A_68 = arith.constant 0 : i32
      %dma_wait3A_69 = tpu.memref_slice %arg9[%dma_wait3A_67, %dma_wait3A_68] : memref<50176x32xf32, #tpu.memory_space<vmem_shared>> -> memref<50176x32xf32, #tpu.memory_space<vmem_shared>>
      tpu.wait_indirect_dma semaphore(%arg12 : memref<!tpu.dma_semaphore, #tpu.memory_space<semaphore_mem>>) src(%arg7 : memref<200x32xf32, #tpu.memory_space<vmem>>) dst(%dma_wait3A_69 : memref<50176x32xf32, #tpu.memory_space<vmem_shared>>)
      %add3A_70 = arith.constant 1 : i32
      %add3A_71 = arith.addi %scan3A_23, %add3A_70 : i32
      %lt3A = arith.constant 125 : i32
      %lt3A_72 = arith.cmpi slt, %add3A_71, %lt3A : i32
      %convert_element_type3A = arith.extui %lt3A_72 : i1 to i32
      %cond3A = arith.constant 0 : i32
      %cond3A_73 = arith.cmpi ne, %convert_element_type3A, %cond3A : i32
      scf.if %cond3A_73 {
        %add3A_106 = arith.constant 2 : i32
        %add3A_107 = arith.addi %mul3A_25, %add3A_106 : i32
        %mul3A_108 = arith.constant 200 : i32
        %mul3A_109 = arith.muli %add3A_107, %mul3A_108 : i32
        %add3A_110 = arith.addi %mul3A_2, %mul3A_109 : i32
        %run_scoped3A_111 = arith.constant 0 : i32
        %run_scoped3A_112 = arith.constant 0 : i32
        "tpu.region"() ({
          %run_scoped3A_115 = tpu.sem_alloc : memref<!tpu.dma_semaphore, #tpu.memory_space<semaphore_mem>>
          %dma_start3A_116 = arith.constant 0 : i32
          %dma_start3A_117 = tpu.memref_slice %arg5[%run_scoped3A_112, %dma_start3A_116] : memref<2x200xi32, #tpu.memory_space<vmem>> -> memref<1x200xi32, #tpu.memory_space<vmem>>
          %dma_start3A_118 = tpu.memref_squeeze %dma_start3A_117 : memref<1x200xi32, #tpu.memory_space<vmem>> -> memref<200xi32, #tpu.memory_space<vmem>>
          %dma_start3A_119 = arith.constant 0 : i32
          %dma_start3A_120 = tpu.memref_slice %arg3[%run_scoped3A_111, %dma_start3A_119] : memref<2x800000xi32, #tpu.memory_space<hbm>> -> memref<1x800000xi32, #tpu.memory_space<hbm>>
          %dma_start3A_121 = tpu.memref_squeeze %dma_start3A_120 : memref<1x800000xi32, #tpu.memory_space<hbm>> -> memref<800000xi32, #tpu.memory_space<hbm>>
          %dma_start3A_122 = tpu.memref_slice %dma_start3A_121[%add3A_110] : memref<800000xi32, #tpu.memory_space<hbm>> -> memref<200xi32, #tpu.memory_space<hbm>>
          %dma_start3A_123 = arith.constant 0 : i32
          %dma_start3A_124 = tpu.memref_slice %arg5[%run_scoped3A_112, %dma_start3A_123] : memref<2x200xi32, #tpu.memory_space<vmem>> -> memref<1x200xi32, #tpu.memory_space<vmem>>
          %dma_start3A_125 = tpu.memref_squeeze %dma_start3A_124 : memref<1x200xi32, #tpu.memory_space<vmem>> -> memref<200xi32, #tpu.memory_space<vmem>>
          %dma_start3A_126 = arith.constant 0 : i32
          %dma_start3A_127 = tpu.memref_slice %arg3[%run_scoped3A_111, %dma_start3A_126] : memref<2x800000xi32, #tpu.memory_space<hbm>> -> memref<1x800000xi32, #tpu.memory_space<hbm>>
          %dma_start3A_128 = tpu.memref_squeeze %dma_start3A_127 : memref<1x800000xi32, #tpu.memory_space<hbm>> -> memref<800000xi32, #tpu.memory_space<hbm>>
          %dma_start3A_129 = tpu.memref_slice %dma_start3A_128[%add3A_110] : memref<800000xi32, #tpu.memory_space<hbm>> -> memref<200xi32, #tpu.memory_space<hbm>>
          tpu.enqueue_dma source(%dma_start3A_129 : memref<200xi32, #tpu.memory_space<hbm>>) target(%dma_start3A_125 : memref<200xi32, #tpu.memory_space<vmem>>) target_semaphore(%run_scoped3A_115 : memref<!tpu.dma_semaphore, #tpu.memory_space<semaphore_mem>>)
          %dma_wait3A_130 = arith.constant 0 : i32
          %dma_wait3A_131 = tpu.memref_slice %arg5[%run_scoped3A_112, %dma_wait3A_130] : memref<2x200xi32, #tpu.memory_space<vmem>> -> memref<1x200xi32, #tpu.memory_space<vmem>>
          %dma_wait3A_132 = tpu.memref_squeeze %dma_wait3A_131 : memref<1x200xi32, #tpu.memory_space<vmem>> -> memref<200xi32, #tpu.memory_space<vmem>>
          %dma_wait3A_133 = arith.constant 0 : i32
          %dma_wait3A_134 = tpu.memref_slice %arg3[%run_scoped3A_111, %dma_wait3A_133] : memref<2x800000xi32, #tpu.memory_space<hbm>> -> memref<1x800000xi32, #tpu.memory_space<hbm>>
          %dma_wait3A_135 = tpu.memref_squeeze %dma_wait3A_134 : memref<1x800000xi32, #tpu.memory_space<hbm>> -> memref<800000xi32, #tpu.memory_space<hbm>>
          %dma_wait3A_136 = tpu.memref_slice %dma_wait3A_135[%add3A_110] : memref<800000xi32, #tpu.memory_space<hbm>> -> memref<200xi32, #tpu.memory_space<hbm>>
          %dma_wait3A_137 = arith.constant 0 : i32
          %dma_wait3A_138 = tpu.memref_slice %arg5[%run_scoped3A_112, %dma_wait3A_137] : memref<2x200xi32, #tpu.memory_space<vmem>> -> memref<1x200xi32, #tpu.memory_space<vmem>>
          %dma_wait3A_139 = tpu.memref_squeeze %dma_wait3A_138 : memref<1x200xi32, #tpu.memory_space<vmem>> -> memref<200xi32, #tpu.memory_space<vmem>>
          %dma_wait3A_140 = arith.constant 0 : i32
          %dma_wait3A_141 = tpu.memref_slice %arg3[%run_scoped3A_111, %dma_wait3A_140] : memref<2x800000xi32, #tpu.memory_space<hbm>> -> memref<1x800000xi32, #tpu.memory_space<hbm>>
          %dma_wait3A_142 = tpu.memref_squeeze %dma_wait3A_141 : memref<1x800000xi32, #tpu.memory_space<hbm>> -> memref<800000xi32, #tpu.memory_space<hbm>>
          %dma_wait3A_143 = tpu.memref_slice %dma_wait3A_142[%add3A_110] : memref<800000xi32, #tpu.memory_space<hbm>> -> memref<200xi32, #tpu.memory_space<hbm>>
          tpu.wait_dma2 semaphore(%run_scoped3A_115 : memref<!tpu.dma_semaphore, #tpu.memory_space<semaphore_mem>>) src(%dma_wait3A_143 : memref<200xi32, #tpu.memory_space<hbm>>) dst(%dma_wait3A_139 : memref<200xi32, #tpu.memory_space<vmem>>)
          tpu.yield
        }) : () -> ()
        %run_scoped3A_113 = arith.constant 1 : i32
        %run_scoped3A_114 = arith.constant 1 : i32
        "tpu.region"() ({
          %run_scoped3A_115 = tpu.sem_alloc : memref<!tpu.dma_semaphore, #tpu.memory_space<semaphore_mem>>
          %dma_start3A_116 = arith.constant 0 : i32
          %dma_start3A_117 = tpu.memref_slice %arg5[%run_scoped3A_114, %dma_start3A_116] : memref<2x200xi32, #tpu.memory_space<vmem>> -> memref<1x200xi32, #tpu.memory_space<vmem>>
          %dma_start3A_118 = tpu.memref_squeeze %dma_start3A_117 : memref<1x200xi32, #tpu.memory_space<vmem>> -> memref<200xi32, #tpu.memory_space<vmem>>
          %dma_start3A_119 = arith.constant 0 : i32
          %dma_start3A_120 = tpu.memref_slice %arg3[%run_scoped3A_113, %dma_start3A_119] : memref<2x800000xi32, #tpu.memory_space<hbm>> -> memref<1x800000xi32, #tpu.memory_space<hbm>>
          %dma_start3A_121 = tpu.memref_squeeze %dma_start3A_120 : memref<1x800000xi32, #tpu.memory_space<hbm>> -> memref<800000xi32, #tpu.memory_space<hbm>>
          %dma_start3A_122 = tpu.memref_slice %dma_start3A_121[%add3A_110] : memref<800000xi32, #tpu.memory_space<hbm>> -> memref<200xi32, #tpu.memory_space<hbm>>
          %dma_start3A_123 = arith.constant 0 : i32
          %dma_start3A_124 = tpu.memref_slice %arg5[%run_scoped3A_114, %dma_start3A_123] : memref<2x200xi32, #tpu.memory_space<vmem>> -> memref<1x200xi32, #tpu.memory_space<vmem>>
          %dma_start3A_125 = tpu.memref_squeeze %dma_start3A_124 : memref<1x200xi32, #tpu.memory_space<vmem>> -> memref<200xi32, #tpu.memory_space<vmem>>
          %dma_start3A_126 = arith.constant 0 : i32
          %dma_start3A_127 = tpu.memref_slice %arg3[%run_scoped3A_113, %dma_start3A_126] : memref<2x800000xi32, #tpu.memory_space<hbm>> -> memref<1x800000xi32, #tpu.memory_space<hbm>>
          %dma_start3A_128 = tpu.memref_squeeze %dma_start3A_127 : memref<1x800000xi32, #tpu.memory_space<hbm>> -> memref<800000xi32, #tpu.memory_space<hbm>>
          %dma_start3A_129 = tpu.memref_slice %dma_start3A_128[%add3A_110] : memref<800000xi32, #tpu.memory_space<hbm>> -> memref<200xi32, #tpu.memory_space<hbm>>
          tpu.enqueue_dma source(%dma_start3A_129 : memref<200xi32, #tpu.memory_space<hbm>>) target(%dma_start3A_125 : memref<200xi32, #tpu.memory_space<vmem>>) target_semaphore(%run_scoped3A_115 : memref<!tpu.dma_semaphore, #tpu.memory_space<semaphore_mem>>)
          %dma_wait3A_130 = arith.constant 0 : i32
          %dma_wait3A_131 = tpu.memref_slice %arg5[%run_scoped3A_114, %dma_wait3A_130] : memref<2x200xi32, #tpu.memory_space<vmem>> -> memref<1x200xi32, #tpu.memory_space<vmem>>
          %dma_wait3A_132 = tpu.memref_squeeze %dma_wait3A_131 : memref<1x200xi32, #tpu.memory_space<vmem>> -> memref<200xi32, #tpu.memory_space<vmem>>
          %dma_wait3A_133 = arith.constant 0 : i32
          %dma_wait3A_134 = tpu.memref_slice %arg3[%run_scoped3A_113, %dma_wait3A_133] : memref<2x800000xi32, #tpu.memory_space<hbm>> -> memref<1x800000xi32, #tpu.memory_space<hbm>>
          %dma_wait3A_135 = tpu.memref_squeeze %dma_wait3A_134 : memref<1x800000xi32, #tpu.memory_space<hbm>> -> memref<800000xi32, #tpu.memory_space<hbm>>
          %dma_wait3A_136 = tpu.memref_slice %dma_wait3A_135[%add3A_110] : memref<800000xi32, #tpu.memory_space<hbm>> -> memref<200xi32, #tpu.memory_space<hbm>>
          %dma_wait3A_137 = arith.constant 0 : i32
          %dma_wait3A_138 = tpu.memref_slice %arg5[%run_scoped3A_114, %dma_wait3A_137] : memref<2x200xi32, #tpu.memory_space<vmem>> -> memref<1x200xi32, #tpu.memory_space<vmem>>
          %dma_wait3A_139 = tpu.memref_squeeze %dma_wait3A_138 : memref<1x200xi32, #tpu.memory_space<vmem>> -> memref<200xi32, #tpu.memory_space<vmem>>
          %dma_wait3A_140 = arith.constant 0 : i32
          %dma_wait3A_141 = tpu.memref_slice %arg3[%run_scoped3A_113, %dma_wait3A_140] : memref<2x800000xi32, #tpu.memory_space<hbm>> -> memref<1x800000xi32, #tpu.memory_space<hbm>>
          %dma_wait3A_142 = tpu.memref_squeeze %dma_wait3A_141 : memref<1x800000xi32, #tpu.memory_space<hbm>> -> memref<800000xi32, #tpu.memory_space<hbm>>
          %dma_wait3A_143 = tpu.memref_slice %dma_wait3A_142[%add3A_110] : memref<800000xi32, #tpu.memory_space<hbm>> -> memref<200xi32, #tpu.memory_space<hbm>>
          tpu.wait_dma2 semaphore(%run_scoped3A_115 : memref<!tpu.dma_semaphore, #tpu.memory_space<semaphore_mem>>) src(%dma_wait3A_143 : memref<200xi32, #tpu.memory_space<hbm>>) dst(%dma_wait3A_139 : memref<200xi32, #tpu.memory_space<vmem>>)
          tpu.yield
        }) : () -> ()
      } else {
      }
      %dma_wait3A_74 = arith.constant 0 : i32
      %dma_wait3A_75 = arith.constant 0 : i32
      %dma_wait3A_76 = tpu.memref_slice %arg6[%dma_wait3A_74, %dma_wait3A_75] : memref<2x200xi32, #tpu.memory_space<vmem>> -> memref<1x200xi32, #tpu.memory_space<vmem>>
      %dma_wait3A_77 = tpu.memref_squeeze %dma_wait3A_76 : memref<1x200xi32, #tpu.memory_space<vmem>> -> memref<200xi32, #tpu.memory_space<vmem>>
      %dma_wait3A_78 = arith.constant 0 : i32
      %dma_wait3A_79 = arith.constant 0 : i32
      %dma_wait3A_80 = tpu.memref_slice %arg2[%arg0, %dma_wait3A_78, %dma_wait3A_79] : memref<2x50176x32xf32, #tpu.memory_space<hbm>> -> memref<1x50176x32xf32, #tpu.memory_space<hbm>>
      %dma_wait3A_81 = tpu.memref_squeeze %dma_wait3A_80 : memref<1x50176x32xf32, #tpu.memory_space<hbm>> -> memref<50176x32xf32, #tpu.memory_space<hbm>>
      %dma_wait3A_82 = arith.constant 0 : i32
      %dma_wait3A_83 = arith.constant 0 : i32
      %dma_wait3A_84 = tpu.memref_slice %dma_wait3A_81[%dma_wait3A_82, %dma_wait3A_83] : memref<50176x32xf32, #tpu.memory_space<hbm>> -> memref<50176x32xf32, #tpu.memory_space<hbm>>
      tpu.wait_indirect_dma semaphore(%arg11 : memref<!tpu.dma_semaphore, #tpu.memory_space<semaphore_mem>>) src(%dma_wait3A_84 : memref<50176x32xf32, #tpu.memory_space<hbm>>) dst(%arg8 : memref<200x32xf32, #tpu.memory_space<vmem>>)
      %dma_start3A_85 = arith.constant 1 : i32
      %dma_start3A_86 = arith.constant 0 : i32
      %dma_start3A_87 = tpu.memref_slice %arg6[%dma_start3A_85, %dma_start3A_86] : memref<2x200xi32, #tpu.memory_space<vmem>> -> memref<1x200xi32, #tpu.memory_space<vmem>>
      %dma_start3A_88 = tpu.memref_squeeze %dma_start3A_87 : memref<1x200xi32, #tpu.memory_space<vmem>> -> memref<200xi32, #tpu.memory_space<vmem>>
      %dma_start3A_89 = arith.constant 0 : i32
      %dma_start3A_90 = arith.constant 0 : i32
      %dma_start3A_91 = tpu.memref_slice %arg9[%dma_start3A_89, %dma_start3A_90] : memref<50176x32xf32, #tpu.memory_space<vmem_shared>> -> memref<50176x32xf32, #tpu.memory_space<vmem_shared>>
      tpu.enqueue_indirect_dma source(%arg8 : memref<200x32xf32, #tpu.memory_space<vmem>>) target(%dma_start3A_91 : memref<50176x32xf32, #tpu.memory_space<vmem_shared>>) offsets(%dma_start3A_88 : memref<200xi32, #tpu.memory_space<vmem>>) semaphore(%arg13 : memref<!tpu.dma_semaphore, #tpu.memory_space<semaphore_mem>>) {add = true}
      %add3A_92 = arith.constant 1 : i32
      %add3A_93 = arith.addi %scan3A_23, %add3A_92 : i32
      %lt3A_94 = arith.constant 125 : i32
      %lt3A_95 = arith.cmpi slt, %add3A_93, %lt3A_94 : i32
      %convert_element_type3A_96 = arith.extui %lt3A_95 : i1 to i32
      %cond3A_97 = arith.constant 0 : i32
      %cond3A_98 = arith.cmpi ne, %convert_element_type3A_96, %cond3A_97 : i32
      scf.if %cond3A_98 {
        %dma_start3A_106 = arith.constant 0 : i32
        %dma_start3A_107 = arith.constant 0 : i32
        %dma_start3A_108 = tpu.memref_slice %arg5[%dma_start3A_106, %dma_start3A_107] : memref<2x200xi32, #tpu.memory_space<vmem>> -> memref<1x200xi32, #tpu.memory_space<vmem>>
        %dma_start3A_109 = tpu.memref_squeeze %dma_start3A_108 : memref<1x200xi32, #tpu.memory_space<vmem>> -> memref<200xi32, #tpu.memory_space<vmem>>
        %dma_start3A_110 = arith.constant 0 : i32
        %dma_start3A_111 = arith.constant 0 : i32
        %dma_start3A_112 = tpu.memref_slice %arg2[%arg0, %dma_start3A_110, %dma_start3A_111] : memref<2x50176x32xf32, #tpu.memory_space<hbm>> -> memref<1x50176x32xf32, #tpu.memory_space<hbm>>
        %dma_start3A_113 = tpu.memref_squeeze %dma_start3A_112 : memref<1x50176x32xf32, #tpu.memory_space<hbm>> -> memref<50176x32xf32, #tpu.memory_space<hbm>>
        %dma_start3A_114 = arith.constant 0 : i32
        %dma_start3A_115 = arith.constant 0 : i32
        %dma_start3A_116 = tpu.memref_slice %dma_start3A_113[%dma_start3A_114, %dma_start3A_115] : memref<50176x32xf32, #tpu.memory_space<hbm>> -> memref<50176x32xf32, #tpu.memory_space<hbm>>
        tpu.enqueue_indirect_dma source(%dma_start3A_116 : memref<50176x32xf32, #tpu.memory_space<hbm>>) target(%arg7 : memref<200x32xf32, #tpu.memory_space<vmem>>) offsets(%dma_start3A_109 : memref<200xi32, #tpu.memory_space<vmem>>) semaphore(%arg10 : memref<!tpu.dma_semaphore, #tpu.memory_space<semaphore_mem>>)
      } else {
      }
      %dma_wait3A_99 = arith.constant 1 : i32
      %dma_wait3A_100 = arith.constant 0 : i32
      %dma_wait3A_101 = tpu.memref_slice %arg6[%dma_wait3A_99, %dma_wait3A_100] : memref<2x200xi32, #tpu.memory_space<vmem>> -> memref<1x200xi32, #tpu.memory_space<vmem>>
      %dma_wait3A_102 = tpu.memref_squeeze %dma_wait3A_101 : memref<1x200xi32, #tpu.memory_space<vmem>> -> memref<200xi32, #tpu.memory_space<vmem>>
      %dma_wait3A_103 = arith.constant 0 : i32
      %dma_wait3A_104 = arith.constant 0 : i32
      %dma_wait3A_105 = tpu.memref_slice %arg9[%dma_wait3A_103, %dma_wait3A_104] : memref<50176x32xf32, #tpu.memory_space<vmem_shared>> -> memref<50176x32xf32, #tpu.memory_space<vmem_shared>>
      tpu.wait_indirect_dma semaphore(%arg13 : memref<!tpu.dma_semaphore, #tpu.memory_space<semaphore_mem>>) src(%arg8 : memref<200x32xf32, #tpu.memory_space<vmem>>) dst(%dma_wait3A_105 : memref<50176x32xf32, #tpu.memory_space<vmem_shared>>)
    }
    %scan3A_21 = arith.constant 125 : i32
    %barrier3A_22 = arith.constant 0 : index
    tpu.barrier barrier_id(%barrier3A_22)
    "tpu.region"() ({
      %run_scoped3A_23 = tpu.sem_alloc : memref<!tpu.dma_semaphore, #tpu.memory_space<semaphore_mem>>
      %dma_start3A_24 = arith.constant 0 : i32
      %dma_start3A_25 = arith.constant 0 : i32
      %dma_start3A_26 = tpu.memref_slice %arg4[%arg0, %dma_start3A_24, %dma_start3A_25] : memref<2x50176x32xf32, #tpu.memory_space<hbm>> -> memref<1x50176x32xf32, #tpu.memory_space<hbm>>
      %dma_start3A_27 = tpu.memref_squeeze %dma_start3A_26 : memref<1x50176x32xf32, #tpu.memory_space<hbm>> -> memref<50176x32xf32, #tpu.memory_space<hbm>>
      %dma_start3A_28 = arith.constant 0 : i32
      %dma_start3A_29 = tpu.memref_slice %dma_start3A_27[%mul3A_0, %dma_start3A_28] : memref<50176x32xf32, #tpu.memory_space<hbm>> -> memref<3136x32xf32, #tpu.memory_space<hbm>>
      %dma_start3A_30 = arith.constant 0 : i32
      %dma_start3A_31 = tpu.memref_slice %arg9[%mul3A_0, %dma_start3A_30] : memref<50176x32xf32, #tpu.memory_space<vmem_shared>> -> memref<3136x32xf32, #tpu.memory_space<vmem_shared>>
      tpu.enqueue_dma source(%dma_start3A_31 : memref<3136x32xf32, #tpu.memory_space<vmem_shared>>) target(%dma_start3A_29 : memref<3136x32xf32, #tpu.memory_space<hbm>>) target_semaphore(%run_scoped3A_23 : memref<!tpu.dma_semaphore, #tpu.memory_space<semaphore_mem>>)
      %dma_wait3A = arith.constant 0 : i32
      %dma_wait3A_32 = arith.constant 0 : i32
      %dma_wait3A_33 = tpu.memref_slice %arg4[%arg0, %dma_wait3A, %dma_wait3A_32] : memref<2x50176x32xf32, #tpu.memory_space<hbm>> -> memref<1x50176x32xf32, #tpu.memory_space<hbm>>
      %dma_wait3A_34 = tpu.memref_squeeze %dma_wait3A_33 : memref<1x50176x32xf32, #tpu.memory_space<hbm>> -> memref<50176x32xf32, #tpu.memory_space<hbm>>
      %dma_wait3A_35 = arith.constant 0 : i32
      %dma_wait3A_36 = tpu.memref_slice %dma_wait3A_34[%mul3A_0, %dma_wait3A_35] : memref<50176x32xf32, #tpu.memory_space<hbm>> -> memref<3136x32xf32, #tpu.memory_space<hbm>>
      %dma_wait3A_37 = arith.constant 0 : i32
      %dma_wait3A_38 = tpu.memref_slice %arg9[%mul3A_0, %dma_wait3A_37] : memref<50176x32xf32, #tpu.memory_space<vmem_shared>> -> memref<3136x32xf32, #tpu.memory_space<vmem_shared>>
      tpu.wait_dma2 semaphore(%run_scoped3A_23 : memref<!tpu.dma_semaphore, #tpu.memory_space<semaphore_mem>>) src(%dma_wait3A_38 : memref<3136x32xf32, #tpu.memory_space<vmem_shared>>) dst(%dma_wait3A_36 : memref<3136x32xf32, #tpu.memory_space<hbm>>)
      tpu.yield
    }) : () -> ()
    return
  }
}

#map = affine_map<(d0, d1) -> (0, 0)>
#map1 = affine_map<(d0, d1) -> (0, 0, 0)>
module attributes {stable_mosaic.version = 14 : i64} {
  func.func @deg_kernel(%arg0: i32, %arg1: i32, %arg2: memref<2x800000xi32, #tpu.memory_space<hbm>>, %arg3: memref<50176x1xf32, #tpu.memory_space<hbm>>, %arg4: memref<1000x1xf32, #tpu.memory_space<hbm>>, %arg5: memref<2x50176x1xf32, #tpu.memory_space<hbm>>, %arg6: memref<2x1000xi32, #tpu.memory_space<vmem>>, %arg7: memref<1000x1xf32, #tpu.memory_space<vmem>>, %arg8: memref<3136x1xf32, #tpu.memory_space<vmem>>, %arg9: memref<50176x1xf32, #tpu.memory_space<vmem_shared>>, %arg10: memref<!tpu.dma_semaphore, #tpu.memory_space<semaphore_mem>>) attributes {dimension_semantics = [#tpu.dimension_semantics<core_parallel>, #tpu.dimension_semantics<subcore_parallel>], iteration_bounds = array<i64: 2, 16>, scalar_prefetch = 0 : i64, scratch_operands = 5 : i64, tpu.core_type = #tpu.core_type<sc_vector_subcore>, window_params = [{transform_indices = #map}, {transform_indices = #map}, {transform_indices = #map}, {transform_indices = #map1}]} {
    %mul3A = arith.constant 16 : i32
    %mul3A_0 = arith.muli %arg0, %mul3A : i32
    %add3A = arith.addi %mul3A_0, %arg1 : i32
    %mul3A_1 = arith.constant 3136 : i32
    %mul3A_2 = arith.muli %arg1, %mul3A_1 : i32
    "tpu.region"() ({
      %run_scoped3A = tpu.sem_alloc : memref<!tpu.dma_semaphore, #tpu.memory_space<semaphore_mem>>
      %dma_start3A = arith.constant 0 : i32
      %dma_start3A_11 = tpu.memref_slice %arg3[%mul3A_2, %dma_start3A] : memref<50176x1xf32, #tpu.memory_space<hbm>> -> memref<3136x1xf32, #tpu.memory_space<hbm>>
      %dma_start3A_12 = arith.constant 0 : i32
      %dma_start3A_13 = tpu.memref_slice %arg3[%mul3A_2, %dma_start3A_12] : memref<50176x1xf32, #tpu.memory_space<hbm>> -> memref<3136x1xf32, #tpu.memory_space<hbm>>
      tpu.enqueue_dma source(%dma_start3A_13 : memref<3136x1xf32, #tpu.memory_space<hbm>>) target(%arg8 : memref<3136x1xf32, #tpu.memory_space<vmem>>) target_semaphore(%run_scoped3A : memref<!tpu.dma_semaphore, #tpu.memory_space<semaphore_mem>>)
      %dma_wait3A = arith.constant 0 : i32
      %dma_wait3A_14 = tpu.memref_slice %arg3[%mul3A_2, %dma_wait3A] : memref<50176x1xf32, #tpu.memory_space<hbm>> -> memref<3136x1xf32, #tpu.memory_space<hbm>>
      %dma_wait3A_15 = arith.constant 0 : i32
      %dma_wait3A_16 = tpu.memref_slice %arg3[%mul3A_2, %dma_wait3A_15] : memref<50176x1xf32, #tpu.memory_space<hbm>> -> memref<3136x1xf32, #tpu.memory_space<hbm>>
      tpu.wait_dma2 semaphore(%run_scoped3A : memref<!tpu.dma_semaphore, #tpu.memory_space<semaphore_mem>>) src(%dma_wait3A_16 : memref<3136x1xf32, #tpu.memory_space<hbm>>) dst(%arg8 : memref<3136x1xf32, #tpu.memory_space<vmem>>)
      tpu.yield
    }) : () -> ()
    "tpu.region"() ({
      %run_scoped3A = tpu.sem_alloc : memref<!tpu.dma_semaphore, #tpu.memory_space<semaphore_mem>>
      %dma_start3A = arith.constant 0 : i32
      %dma_start3A_11 = tpu.memref_slice %arg9[%mul3A_2, %dma_start3A] : memref<50176x1xf32, #tpu.memory_space<vmem_shared>> -> memref<3136x1xf32, #tpu.memory_space<vmem_shared>>
      %dma_start3A_12 = arith.constant 0 : i32
      %dma_start3A_13 = tpu.memref_slice %arg9[%mul3A_2, %dma_start3A_12] : memref<50176x1xf32, #tpu.memory_space<vmem_shared>> -> memref<3136x1xf32, #tpu.memory_space<vmem_shared>>
      tpu.enqueue_dma source(%arg8 : memref<3136x1xf32, #tpu.memory_space<vmem>>) target(%dma_start3A_13 : memref<3136x1xf32, #tpu.memory_space<vmem_shared>>) target_semaphore(%run_scoped3A : memref<!tpu.dma_semaphore, #tpu.memory_space<semaphore_mem>>)
      %dma_wait3A = arith.constant 0 : i32
      %dma_wait3A_14 = tpu.memref_slice %arg9[%mul3A_2, %dma_wait3A] : memref<50176x1xf32, #tpu.memory_space<vmem_shared>> -> memref<3136x1xf32, #tpu.memory_space<vmem_shared>>
      %dma_wait3A_15 = arith.constant 0 : i32
      %dma_wait3A_16 = tpu.memref_slice %arg9[%mul3A_2, %dma_wait3A_15] : memref<50176x1xf32, #tpu.memory_space<vmem_shared>> -> memref<3136x1xf32, #tpu.memory_space<vmem_shared>>
      tpu.wait_dma2 semaphore(%run_scoped3A : memref<!tpu.dma_semaphore, #tpu.memory_space<semaphore_mem>>) src(%arg8 : memref<3136x1xf32, #tpu.memory_space<vmem>>) dst(%dma_wait3A_16 : memref<3136x1xf32, #tpu.memory_space<vmem_shared>>)
      tpu.yield
    }) : () -> ()
    "tpu.region"() ({
      %run_scoped3A = tpu.sem_alloc : memref<!tpu.dma_semaphore, #tpu.memory_space<semaphore_mem>>
      tpu.enqueue_dma source(%arg4 : memref<1000x1xf32, #tpu.memory_space<hbm>>) target(%arg7 : memref<1000x1xf32, #tpu.memory_space<vmem>>) target_semaphore(%run_scoped3A : memref<!tpu.dma_semaphore, #tpu.memory_space<semaphore_mem>>)
      tpu.wait_dma2 semaphore(%run_scoped3A : memref<!tpu.dma_semaphore, #tpu.memory_space<semaphore_mem>>) src(%arg4 : memref<1000x1xf32, #tpu.memory_space<hbm>>) dst(%arg7 : memref<1000x1xf32, #tpu.memory_space<vmem>>)
      tpu.yield
    }) : () -> ()
    %barrier3A = arith.constant 0 : index
    tpu.barrier barrier_id(%barrier3A)
    %mul3A_3 = arith.constant 25000 : i32
    %mul3A_4 = arith.muli %add3A, %mul3A_3 : i32
    %scan3A = arith.constant 0 : i32
    %scan3A_5 = arith.constant 0 : i32
    %scan3A_6 = arith.constant 25 : i32
    %scan3A_7 = arith.addi %scan3A_5, %scan3A_6 : i32
    %scan3A_8 = arith.constant 1 : i32
    scf.for %scan3A_11 = %scan3A_5 to %scan3A_7 step %scan3A_8  : i32 {
      %mul3A_12 = arith.constant 1000 : i32
      %mul3A_13 = arith.muli %scan3A_11, %mul3A_12 : i32
      %add3A_14 = arith.addi %mul3A_4, %mul3A_13 : i32
      %run_scoped3A = arith.constant 1 : i32
      %run_scoped3A_15 = arith.constant 0 : i32
      "tpu.region"() ({
        %run_scoped3A_17 = tpu.sem_alloc : memref<!tpu.dma_semaphore, #tpu.memory_space<semaphore_mem>>
        %dma_start3A = arith.constant 0 : i32
        %dma_start3A_18 = tpu.memref_slice %arg6[%run_scoped3A_15, %dma_start3A] : memref<2x1000xi32, #tpu.memory_space<vmem>> -> memref<1x1000xi32, #tpu.memory_space<vmem>>
        %dma_start3A_19 = tpu.memref_squeeze %dma_start3A_18 : memref<1x1000xi32, #tpu.memory_space<vmem>> -> memref<1000xi32, #tpu.memory_space<vmem>>
        %dma_start3A_20 = arith.constant 0 : i32
        %dma_start3A_21 = tpu.memref_slice %arg2[%run_scoped3A, %dma_start3A_20] : memref<2x800000xi32, #tpu.memory_space<hbm>> -> memref<1x800000xi32, #tpu.memory_space<hbm>>
        %dma_start3A_22 = tpu.memref_squeeze %dma_start3A_21 : memref<1x800000xi32, #tpu.memory_space<hbm>> -> memref<800000xi32, #tpu.memory_space<hbm>>
        %dma_start3A_23 = tpu.memref_slice %dma_start3A_22[%add3A_14] : memref<800000xi32, #tpu.memory_space<hbm>> -> memref<1000xi32, #tpu.memory_space<hbm>>
        %dma_start3A_24 = arith.constant 0 : i32
        %dma_start3A_25 = tpu.memref_slice %arg6[%run_scoped3A_15, %dma_start3A_24] : memref<2x1000xi32, #tpu.memory_space<vmem>> -> memref<1x1000xi32, #tpu.memory_space<vmem>>
        %dma_start3A_26 = tpu.memref_squeeze %dma_start3A_25 : memref<1x1000xi32, #tpu.memory_space<vmem>> -> memref<1000xi32, #tpu.memory_space<vmem>>
        %dma_start3A_27 = arith.constant 0 : i32
        %dma_start3A_28 = tpu.memref_slice %arg2[%run_scoped3A, %dma_start3A_27] : memref<2x800000xi32, #tpu.memory_space<hbm>> -> memref<1x800000xi32, #tpu.memory_space<hbm>>
        %dma_start3A_29 = tpu.memref_squeeze %dma_start3A_28 : memref<1x800000xi32, #tpu.memory_space<hbm>> -> memref<800000xi32, #tpu.memory_space<hbm>>
        %dma_start3A_30 = tpu.memref_slice %dma_start3A_29[%add3A_14] : memref<800000xi32, #tpu.memory_space<hbm>> -> memref<1000xi32, #tpu.memory_space<hbm>>
        tpu.enqueue_dma source(%dma_start3A_30 : memref<1000xi32, #tpu.memory_space<hbm>>) target(%dma_start3A_26 : memref<1000xi32, #tpu.memory_space<vmem>>) target_semaphore(%run_scoped3A_17 : memref<!tpu.dma_semaphore, #tpu.memory_space<semaphore_mem>>)
        %dma_wait3A = arith.constant 0 : i32
        %dma_wait3A_31 = tpu.memref_slice %arg6[%run_scoped3A_15, %dma_wait3A] : memref<2x1000xi32, #tpu.memory_space<vmem>> -> memref<1x1000xi32, #tpu.memory_space<vmem>>
        %dma_wait3A_32 = tpu.memref_squeeze %dma_wait3A_31 : memref<1x1000xi32, #tpu.memory_space<vmem>> -> memref<1000xi32, #tpu.memory_space<vmem>>
        %dma_wait3A_33 = arith.constant 0 : i32
        %dma_wait3A_34 = tpu.memref_slice %arg2[%run_scoped3A, %dma_wait3A_33] : memref<2x800000xi32, #tpu.memory_space<hbm>> -> memref<1x800000xi32, #tpu.memory_space<hbm>>
        %dma_wait3A_35 = tpu.memref_squeeze %dma_wait3A_34 : memref<1x800000xi32, #tpu.memory_space<hbm>> -> memref<800000xi32, #tpu.memory_space<hbm>>
        %dma_wait3A_36 = tpu.memref_slice %dma_wait3A_35[%add3A_14] : memref<800000xi32, #tpu.memory_space<hbm>> -> memref<1000xi32, #tpu.memory_space<hbm>>
        %dma_wait3A_37 = arith.constant 0 : i32
        %dma_wait3A_38 = tpu.memref_slice %arg6[%run_scoped3A_15, %dma_wait3A_37] : memref<2x1000xi32, #tpu.memory_space<vmem>> -> memref<1x1000xi32, #tpu.memory_space<vmem>>
        %dma_wait3A_39 = tpu.memref_squeeze %dma_wait3A_38 : memref<1x1000xi32, #tpu.memory_space<vmem>> -> memref<1000xi32, #tpu.memory_space<vmem>>
        %dma_wait3A_40 = arith.constant 0 : i32
        %dma_wait3A_41 = tpu.memref_slice %arg2[%run_scoped3A, %dma_wait3A_40] : memref<2x800000xi32, #tpu.memory_space<hbm>> -> memref<1x800000xi32, #tpu.memory_space<hbm>>
        %dma_wait3A_42 = tpu.memref_squeeze %dma_wait3A_41 : memref<1x800000xi32, #tpu.memory_space<hbm>> -> memref<800000xi32, #tpu.memory_space<hbm>>
        %dma_wait3A_43 = tpu.memref_slice %dma_wait3A_42[%add3A_14] : memref<800000xi32, #tpu.memory_space<hbm>> -> memref<1000xi32, #tpu.memory_space<hbm>>
        tpu.wait_dma2 semaphore(%run_scoped3A_17 : memref<!tpu.dma_semaphore, #tpu.memory_space<semaphore_mem>>) src(%dma_wait3A_43 : memref<1000xi32, #tpu.memory_space<hbm>>) dst(%dma_wait3A_39 : memref<1000xi32, #tpu.memory_space<vmem>>)
        tpu.yield
      }) : () -> ()
      %run_scoped3A_16 = arith.constant 0 : i32
      "tpu.region"() ({
        %run_scoped3A_17 = tpu.sem_alloc : memref<!tpu.dma_semaphore, #tpu.memory_space<semaphore_mem>>
        %dma_start3A = arith.constant 0 : i32
        %dma_start3A_18 = tpu.memref_slice %arg6[%run_scoped3A_16, %dma_start3A] : memref<2x1000xi32, #tpu.memory_space<vmem>> -> memref<1x1000xi32, #tpu.memory_space<vmem>>
        %dma_start3A_19 = tpu.memref_squeeze %dma_start3A_18 : memref<1x1000xi32, #tpu.memory_space<vmem>> -> memref<1000xi32, #tpu.memory_space<vmem>>
        %dma_start3A_20 = arith.constant 0 : i32
        %dma_start3A_21 = arith.constant 0 : i32
        %dma_start3A_22 = tpu.memref_slice %arg9[%dma_start3A_20, %dma_start3A_21] : memref<50176x1xf32, #tpu.memory_space<vmem_shared>> -> memref<50176x1xf32, #tpu.memory_space<vmem_shared>>
        tpu.enqueue_indirect_dma source(%arg7 : memref<1000x1xf32, #tpu.memory_space<vmem>>) target(%dma_start3A_22 : memref<50176x1xf32, #tpu.memory_space<vmem_shared>>) offsets(%dma_start3A_19 : memref<1000xi32, #tpu.memory_space<vmem>>) semaphore(%run_scoped3A_17 : memref<!tpu.dma_semaphore, #tpu.memory_space<semaphore_mem>>) {add = true}
        %dma_wait3A = arith.constant 0 : i32
        %dma_wait3A_23 = tpu.memref_slice %arg6[%run_scoped3A_16, %dma_wait3A] : memref<2x1000xi32, #tpu.memory_space<vmem>> -> memref<1x1000xi32, #tpu.memory_space<vmem>>
        %dma_wait3A_24 = tpu.memref_squeeze %dma_wait3A_23 : memref<1x1000xi32, #tpu.memory_space<vmem>> -> memref<1000xi32, #tpu.memory_space<vmem>>
        %dma_wait3A_25 = arith.constant 0 : i32
        %dma_wait3A_26 = arith.constant 0 : i32
        %dma_wait3A_27 = tpu.memref_slice %arg9[%dma_wait3A_25, %dma_wait3A_26] : memref<50176x1xf32, #tpu.memory_space<vmem_shared>> -> memref<50176x1xf32, #tpu.memory_space<vmem_shared>>
        tpu.wait_indirect_dma semaphore(%run_scoped3A_17 : memref<!tpu.dma_semaphore, #tpu.memory_space<semaphore_mem>>) src(%arg7 : memref<1000x1xf32, #tpu.memory_space<vmem>>) dst(%dma_wait3A_27 : memref<50176x1xf32, #tpu.memory_space<vmem_shared>>)
        tpu.yield
      }) : () -> ()
    }
    %scan3A_9 = arith.constant 25 : i32
    %barrier3A_10 = arith.constant 0 : index
    tpu.barrier barrier_id(%barrier3A_10)
    "tpu.region"() ({
      %run_scoped3A = tpu.sem_alloc : memref<!tpu.dma_semaphore, #tpu.memory_space<semaphore_mem>>
      %dma_start3A = arith.constant 0 : i32
      %dma_start3A_11 = tpu.memref_slice %arg9[%mul3A_2, %dma_start3A] : memref<50176x1xf32, #tpu.memory_space<vmem_shared>> -> memref<3136x1xf32, #tpu.memory_space<vmem_shared>>
      %dma_start3A_12 = arith.constant 0 : i32
      %dma_start3A_13 = tpu.memref_slice %arg9[%mul3A_2, %dma_start3A_12] : memref<50176x1xf32, #tpu.memory_space<vmem_shared>> -> memref<3136x1xf32, #tpu.memory_space<vmem_shared>>
      tpu.enqueue_dma source(%dma_start3A_13 : memref<3136x1xf32, #tpu.memory_space<vmem_shared>>) target(%arg8 : memref<3136x1xf32, #tpu.memory_space<vmem>>) target_semaphore(%run_scoped3A : memref<!tpu.dma_semaphore, #tpu.memory_space<semaphore_mem>>)
      %dma_wait3A = arith.constant 0 : i32
      %dma_wait3A_14 = tpu.memref_slice %arg9[%mul3A_2, %dma_wait3A] : memref<50176x1xf32, #tpu.memory_space<vmem_shared>> -> memref<3136x1xf32, #tpu.memory_space<vmem_shared>>
      %dma_wait3A_15 = arith.constant 0 : i32
      %dma_wait3A_16 = tpu.memref_slice %arg9[%mul3A_2, %dma_wait3A_15] : memref<50176x1xf32, #tpu.memory_space<vmem_shared>> -> memref<3136x1xf32, #tpu.memory_space<vmem_shared>>
      tpu.wait_dma2 semaphore(%run_scoped3A : memref<!tpu.dma_semaphore, #tpu.memory_space<semaphore_mem>>) src(%dma_wait3A_16 : memref<3136x1xf32, #tpu.memory_space<vmem_shared>>) dst(%arg8 : memref<3136x1xf32, #tpu.memory_space<vmem>>)
      tpu.yield
    }) : () -> ()
    "tpu.region"() ({
      %run_scoped3A = tpu.sem_alloc : memref<!tpu.dma_semaphore, #tpu.memory_space<semaphore_mem>>
      %dma_start3A = arith.constant 0 : i32
      %dma_start3A_11 = arith.constant 0 : i32
      %dma_start3A_12 = tpu.memref_slice %arg5[%arg0, %dma_start3A, %dma_start3A_11] : memref<2x50176x1xf32, #tpu.memory_space<hbm>> -> memref<1x50176x1xf32, #tpu.memory_space<hbm>>
      %dma_start3A_13 = tpu.memref_squeeze %dma_start3A_12 : memref<1x50176x1xf32, #tpu.memory_space<hbm>> -> memref<50176x1xf32, #tpu.memory_space<hbm>>
      %dma_start3A_14 = arith.constant 0 : i32
      %dma_start3A_15 = tpu.memref_slice %dma_start3A_13[%mul3A_2, %dma_start3A_14] : memref<50176x1xf32, #tpu.memory_space<hbm>> -> memref<3136x1xf32, #tpu.memory_space<hbm>>
      %dma_start3A_16 = arith.constant 0 : i32
      %dma_start3A_17 = arith.constant 0 : i32
      %dma_start3A_18 = tpu.memref_slice %arg5[%arg0, %dma_start3A_16, %dma_start3A_17] : memref<2x50176x1xf32, #tpu.memory_space<hbm>> -> memref<1x50176x1xf32, #tpu.memory_space<hbm>>
      %dma_start3A_19 = tpu.memref_squeeze %dma_start3A_18 : memref<1x50176x1xf32, #tpu.memory_space<hbm>> -> memref<50176x1xf32, #tpu.memory_space<hbm>>
      %dma_start3A_20 = arith.constant 0 : i32
      %dma_start3A_21 = tpu.memref_slice %dma_start3A_19[%mul3A_2, %dma_start3A_20] : memref<50176x1xf32, #tpu.memory_space<hbm>> -> memref<3136x1xf32, #tpu.memory_space<hbm>>
      tpu.enqueue_dma source(%arg8 : memref<3136x1xf32, #tpu.memory_space<vmem>>) target(%dma_start3A_21 : memref<3136x1xf32, #tpu.memory_space<hbm>>) target_semaphore(%run_scoped3A : memref<!tpu.dma_semaphore, #tpu.memory_space<semaphore_mem>>)
      %dma_wait3A = arith.constant 0 : i32
      %dma_wait3A_22 = arith.constant 0 : i32
      %dma_wait3A_23 = tpu.memref_slice %arg5[%arg0, %dma_wait3A, %dma_wait3A_22] : memref<2x50176x1xf32, #tpu.memory_space<hbm>> -> memref<1x50176x1xf32, #tpu.memory_space<hbm>>
      %dma_wait3A_24 = tpu.memref_squeeze %dma_wait3A_23 : memref<1x50176x1xf32, #tpu.memory_space<hbm>> -> memref<50176x1xf32, #tpu.memory_space<hbm>>
      %dma_wait3A_25 = arith.constant 0 : i32
      %dma_wait3A_26 = tpu.memref_slice %dma_wait3A_24[%mul3A_2, %dma_wait3A_25] : memref<50176x1xf32, #tpu.memory_space<hbm>> -> memref<3136x1xf32, #tpu.memory_space<hbm>>
      %dma_wait3A_27 = arith.constant 0 : i32
      %dma_wait3A_28 = arith.constant 0 : i32
      %dma_wait3A_29 = tpu.memref_slice %arg5[%arg0, %dma_wait3A_27, %dma_wait3A_28] : memref<2x50176x1xf32, #tpu.memory_space<hbm>> -> memref<1x50176x1xf32, #tpu.memory_space<hbm>>
      %dma_wait3A_30 = tpu.memref_squeeze %dma_wait3A_29 : memref<1x50176x1xf32, #tpu.memory_space<hbm>> -> memref<50176x1xf32, #tpu.memory_space<hbm>>
      %dma_wait3A_31 = arith.constant 0 : i32
      %dma_wait3A_32 = tpu.memref_slice %dma_wait3A_30[%mul3A_2, %dma_wait3A_31] : memref<50176x1xf32, #tpu.memory_space<hbm>> -> memref<3136x1xf32, #tpu.memory_space<hbm>>
      tpu.wait_dma2 semaphore(%run_scoped3A : memref<!tpu.dma_semaphore, #tpu.memory_space<semaphore_mem>>) src(%arg8 : memref<3136x1xf32, #tpu.memory_space<vmem>>) dst(%dma_wait3A_32 : memref<3136x1xf32, #tpu.memory_space<hbm>>)
      tpu.yield
    }) : () -> ()
    return
  }
}

#map = affine_map<(d0, d1) -> (0, 0, 0)>
#map1 = affine_map<(d0, d1) -> (0, 0)>
module attributes {stable_mosaic.version = 14 : i64} {
  func.func @agg_kernel(%arg0: i32, %arg1: i32, %arg2: memref<2x50176x16xf32, #tpu.memory_space<hbm>>, %arg3: memref<2x800000xi32, #tpu.memory_space<hbm>>, %arg4: memref<2x50176x16xf32, #tpu.memory_space<hbm>>, %arg5: memref<2x1000xi32, #tpu.memory_space<vmem>>, %arg6: memref<2x1000xi32, #tpu.memory_space<vmem>>, %arg7: memref<1000x16xf32, #tpu.memory_space<vmem>>, %arg8: memref<1000x16xf32, #tpu.memory_space<vmem>>, %arg9: memref<50176x16xf32, #tpu.memory_space<vmem_shared>>, %arg10: memref<!tpu.dma_semaphore, #tpu.memory_space<semaphore_mem>>, %arg11: memref<!tpu.dma_semaphore, #tpu.memory_space<semaphore_mem>>, %arg12: memref<!tpu.dma_semaphore, #tpu.memory_space<semaphore_mem>>, %arg13: memref<!tpu.dma_semaphore, #tpu.memory_space<semaphore_mem>>) attributes {dimension_semantics = [#tpu.dimension_semantics<core_parallel>, #tpu.dimension_semantics<subcore_parallel>], iteration_bounds = array<i64: 2, 16>, scalar_prefetch = 0 : i64, scratch_operands = 9 : i64, tpu.core_type = #tpu.core_type<sc_vector_subcore>, window_params = [{transform_indices = #map}, {transform_indices = #map1}, {transform_indices = #map}]} {
    %mul3A = arith.constant 3136 : i32
    %mul3A_0 = arith.muli %arg1, %mul3A : i32
    %mul3A_1 = arith.constant 50000 : i32
    %mul3A_2 = arith.muli %arg1, %mul3A_1 : i32
    "tpu.region"() ({
      %run_scoped3A_23 = tpu.sem_alloc : memref<!tpu.dma_semaphore, #tpu.memory_space<semaphore_mem>>
      %dma_start3A_24 = arith.constant 0 : i32
      %dma_start3A_25 = tpu.memref_slice %arg9[%mul3A_0, %dma_start3A_24] : memref<50176x16xf32, #tpu.memory_space<vmem_shared>> -> memref<3136x16xf32, #tpu.memory_space<vmem_shared>>
      %dma_start3A_26 = arith.constant 0 : i32
      %dma_start3A_27 = arith.constant 0 : i32
      %dma_start3A_28 = tpu.memref_slice %arg2[%arg0, %dma_start3A_26, %dma_start3A_27] : memref<2x50176x16xf32, #tpu.memory_space<hbm>> -> memref<1x50176x16xf32, #tpu.memory_space<hbm>>
      %dma_start3A_29 = tpu.memref_squeeze %dma_start3A_28 : memref<1x50176x16xf32, #tpu.memory_space<hbm>> -> memref<50176x16xf32, #tpu.memory_space<hbm>>
      %dma_start3A_30 = arith.constant 0 : i32
      %dma_start3A_31 = tpu.memref_slice %dma_start3A_29[%mul3A_0, %dma_start3A_30] : memref<50176x16xf32, #tpu.memory_space<hbm>> -> memref<3136x16xf32, #tpu.memory_space<hbm>>
      tpu.enqueue_dma source(%dma_start3A_31 : memref<3136x16xf32, #tpu.memory_space<hbm>>) target(%dma_start3A_25 : memref<3136x16xf32, #tpu.memory_space<vmem_shared>>) target_semaphore(%run_scoped3A_23 : memref<!tpu.dma_semaphore, #tpu.memory_space<semaphore_mem>>)
      %dma_wait3A = arith.constant 0 : i32
      %dma_wait3A_32 = tpu.memref_slice %arg9[%mul3A_0, %dma_wait3A] : memref<50176x16xf32, #tpu.memory_space<vmem_shared>> -> memref<3136x16xf32, #tpu.memory_space<vmem_shared>>
      %dma_wait3A_33 = arith.constant 0 : i32
      %dma_wait3A_34 = arith.constant 0 : i32
      %dma_wait3A_35 = tpu.memref_slice %arg2[%arg0, %dma_wait3A_33, %dma_wait3A_34] : memref<2x50176x16xf32, #tpu.memory_space<hbm>> -> memref<1x50176x16xf32, #tpu.memory_space<hbm>>
      %dma_wait3A_36 = tpu.memref_squeeze %dma_wait3A_35 : memref<1x50176x16xf32, #tpu.memory_space<hbm>> -> memref<50176x16xf32, #tpu.memory_space<hbm>>
      %dma_wait3A_37 = arith.constant 0 : i32
      %dma_wait3A_38 = tpu.memref_slice %dma_wait3A_36[%mul3A_0, %dma_wait3A_37] : memref<50176x16xf32, #tpu.memory_space<hbm>> -> memref<3136x16xf32, #tpu.memory_space<hbm>>
      tpu.wait_dma2 semaphore(%run_scoped3A_23 : memref<!tpu.dma_semaphore, #tpu.memory_space<semaphore_mem>>) src(%dma_wait3A_38 : memref<3136x16xf32, #tpu.memory_space<hbm>>) dst(%dma_wait3A_32 : memref<3136x16xf32, #tpu.memory_space<vmem_shared>>)
      tpu.yield
    }) : () -> ()
    %barrier3A = arith.constant 0 : index
    tpu.barrier barrier_id(%barrier3A)
    %add3A = arith.constant 0 : i32
    %add3A_3 = arith.addi %mul3A_2, %add3A : i32
    %run_scoped3A = arith.constant 0 : i32
    %run_scoped3A_4 = arith.constant 0 : i32
    "tpu.region"() ({
      %run_scoped3A_23 = tpu.sem_alloc : memref<!tpu.dma_semaphore, #tpu.memory_space<semaphore_mem>>
      %dma_start3A_24 = arith.constant 0 : i32
      %dma_start3A_25 = tpu.memref_slice %arg5[%run_scoped3A_4, %dma_start3A_24] : memref<2x1000xi32, #tpu.memory_space<vmem>> -> memref<1x1000xi32, #tpu.memory_space<vmem>>
      %dma_start3A_26 = tpu.memref_squeeze %dma_start3A_25 : memref<1x1000xi32, #tpu.memory_space<vmem>> -> memref<1000xi32, #tpu.memory_space<vmem>>
      %dma_start3A_27 = arith.constant 0 : i32
      %dma_start3A_28 = tpu.memref_slice %arg3[%run_scoped3A, %dma_start3A_27] : memref<2x800000xi32, #tpu.memory_space<hbm>> -> memref<1x800000xi32, #tpu.memory_space<hbm>>
      %dma_start3A_29 = tpu.memref_squeeze %dma_start3A_28 : memref<1x800000xi32, #tpu.memory_space<hbm>> -> memref<800000xi32, #tpu.memory_space<hbm>>
      %dma_start3A_30 = tpu.memref_slice %dma_start3A_29[%add3A_3] : memref<800000xi32, #tpu.memory_space<hbm>> -> memref<1000xi32, #tpu.memory_space<hbm>>
      %dma_start3A_31 = arith.constant 0 : i32
      %dma_start3A_32 = tpu.memref_slice %arg5[%run_scoped3A_4, %dma_start3A_31] : memref<2x1000xi32, #tpu.memory_space<vmem>> -> memref<1x1000xi32, #tpu.memory_space<vmem>>
      %dma_start3A_33 = tpu.memref_squeeze %dma_start3A_32 : memref<1x1000xi32, #tpu.memory_space<vmem>> -> memref<1000xi32, #tpu.memory_space<vmem>>
      %dma_start3A_34 = arith.constant 0 : i32
      %dma_start3A_35 = tpu.memref_slice %arg3[%run_scoped3A, %dma_start3A_34] : memref<2x800000xi32, #tpu.memory_space<hbm>> -> memref<1x800000xi32, #tpu.memory_space<hbm>>
      %dma_start3A_36 = tpu.memref_squeeze %dma_start3A_35 : memref<1x800000xi32, #tpu.memory_space<hbm>> -> memref<800000xi32, #tpu.memory_space<hbm>>
      %dma_start3A_37 = tpu.memref_slice %dma_start3A_36[%add3A_3] : memref<800000xi32, #tpu.memory_space<hbm>> -> memref<1000xi32, #tpu.memory_space<hbm>>
      tpu.enqueue_dma source(%dma_start3A_37 : memref<1000xi32, #tpu.memory_space<hbm>>) target(%dma_start3A_33 : memref<1000xi32, #tpu.memory_space<vmem>>) target_semaphore(%run_scoped3A_23 : memref<!tpu.dma_semaphore, #tpu.memory_space<semaphore_mem>>)
      %dma_wait3A = arith.constant 0 : i32
      %dma_wait3A_38 = tpu.memref_slice %arg5[%run_scoped3A_4, %dma_wait3A] : memref<2x1000xi32, #tpu.memory_space<vmem>> -> memref<1x1000xi32, #tpu.memory_space<vmem>>
      %dma_wait3A_39 = tpu.memref_squeeze %dma_wait3A_38 : memref<1x1000xi32, #tpu.memory_space<vmem>> -> memref<1000xi32, #tpu.memory_space<vmem>>
      %dma_wait3A_40 = arith.constant 0 : i32
      %dma_wait3A_41 = tpu.memref_slice %arg3[%run_scoped3A, %dma_wait3A_40] : memref<2x800000xi32, #tpu.memory_space<hbm>> -> memref<1x800000xi32, #tpu.memory_space<hbm>>
      %dma_wait3A_42 = tpu.memref_squeeze %dma_wait3A_41 : memref<1x800000xi32, #tpu.memory_space<hbm>> -> memref<800000xi32, #tpu.memory_space<hbm>>
      %dma_wait3A_43 = tpu.memref_slice %dma_wait3A_42[%add3A_3] : memref<800000xi32, #tpu.memory_space<hbm>> -> memref<1000xi32, #tpu.memory_space<hbm>>
      %dma_wait3A_44 = arith.constant 0 : i32
      %dma_wait3A_45 = tpu.memref_slice %arg5[%run_scoped3A_4, %dma_wait3A_44] : memref<2x1000xi32, #tpu.memory_space<vmem>> -> memref<1x1000xi32, #tpu.memory_space<vmem>>
      %dma_wait3A_46 = tpu.memref_squeeze %dma_wait3A_45 : memref<1x1000xi32, #tpu.memory_space<vmem>> -> memref<1000xi32, #tpu.memory_space<vmem>>
      %dma_wait3A_47 = arith.constant 0 : i32
      %dma_wait3A_48 = tpu.memref_slice %arg3[%run_scoped3A, %dma_wait3A_47] : memref<2x800000xi32, #tpu.memory_space<hbm>> -> memref<1x800000xi32, #tpu.memory_space<hbm>>
      %dma_wait3A_49 = tpu.memref_squeeze %dma_wait3A_48 : memref<1x800000xi32, #tpu.memory_space<hbm>> -> memref<800000xi32, #tpu.memory_space<hbm>>
      %dma_wait3A_50 = tpu.memref_slice %dma_wait3A_49[%add3A_3] : memref<800000xi32, #tpu.memory_space<hbm>> -> memref<1000xi32, #tpu.memory_space<hbm>>
      tpu.wait_dma2 semaphore(%run_scoped3A_23 : memref<!tpu.dma_semaphore, #tpu.memory_space<semaphore_mem>>) src(%dma_wait3A_50 : memref<1000xi32, #tpu.memory_space<hbm>>) dst(%dma_wait3A_46 : memref<1000xi32, #tpu.memory_space<vmem>>)
      tpu.yield
    }) : () -> ()
    %run_scoped3A_5 = arith.constant 1 : i32
    %run_scoped3A_6 = arith.constant 1 : i32
    "tpu.region"() ({
      %run_scoped3A_23 = tpu.sem_alloc : memref<!tpu.dma_semaphore, #tpu.memory_space<semaphore_mem>>
      %dma_start3A_24 = arith.constant 0 : i32
      %dma_start3A_25 = tpu.memref_slice %arg5[%run_scoped3A_6, %dma_start3A_24] : memref<2x1000xi32, #tpu.memory_space<vmem>> -> memref<1x1000xi32, #tpu.memory_space<vmem>>
      %dma_start3A_26 = tpu.memref_squeeze %dma_start3A_25 : memref<1x1000xi32, #tpu.memory_space<vmem>> -> memref<1000xi32, #tpu.memory_space<vmem>>
      %dma_start3A_27 = arith.constant 0 : i32
      %dma_start3A_28 = tpu.memref_slice %arg3[%run_scoped3A_5, %dma_start3A_27] : memref<2x800000xi32, #tpu.memory_space<hbm>> -> memref<1x800000xi32, #tpu.memory_space<hbm>>
      %dma_start3A_29 = tpu.memref_squeeze %dma_start3A_28 : memref<1x800000xi32, #tpu.memory_space<hbm>> -> memref<800000xi32, #tpu.memory_space<hbm>>
      %dma_start3A_30 = tpu.memref_slice %dma_start3A_29[%add3A_3] : memref<800000xi32, #tpu.memory_space<hbm>> -> memref<1000xi32, #tpu.memory_space<hbm>>
      %dma_start3A_31 = arith.constant 0 : i32
      %dma_start3A_32 = tpu.memref_slice %arg5[%run_scoped3A_6, %dma_start3A_31] : memref<2x1000xi32, #tpu.memory_space<vmem>> -> memref<1x1000xi32, #tpu.memory_space<vmem>>
      %dma_start3A_33 = tpu.memref_squeeze %dma_start3A_32 : memref<1x1000xi32, #tpu.memory_space<vmem>> -> memref<1000xi32, #tpu.memory_space<vmem>>
      %dma_start3A_34 = arith.constant 0 : i32
      %dma_start3A_35 = tpu.memref_slice %arg3[%run_scoped3A_5, %dma_start3A_34] : memref<2x800000xi32, #tpu.memory_space<hbm>> -> memref<1x800000xi32, #tpu.memory_space<hbm>>
      %dma_start3A_36 = tpu.memref_squeeze %dma_start3A_35 : memref<1x800000xi32, #tpu.memory_space<hbm>> -> memref<800000xi32, #tpu.memory_space<hbm>>
      %dma_start3A_37 = tpu.memref_slice %dma_start3A_36[%add3A_3] : memref<800000xi32, #tpu.memory_space<hbm>> -> memref<1000xi32, #tpu.memory_space<hbm>>
      tpu.enqueue_dma source(%dma_start3A_37 : memref<1000xi32, #tpu.memory_space<hbm>>) target(%dma_start3A_33 : memref<1000xi32, #tpu.memory_space<vmem>>) target_semaphore(%run_scoped3A_23 : memref<!tpu.dma_semaphore, #tpu.memory_space<semaphore_mem>>)
      %dma_wait3A = arith.constant 0 : i32
      %dma_wait3A_38 = tpu.memref_slice %arg5[%run_scoped3A_6, %dma_wait3A] : memref<2x1000xi32, #tpu.memory_space<vmem>> -> memref<1x1000xi32, #tpu.memory_space<vmem>>
      %dma_wait3A_39 = tpu.memref_squeeze %dma_wait3A_38 : memref<1x1000xi32, #tpu.memory_space<vmem>> -> memref<1000xi32, #tpu.memory_space<vmem>>
      %dma_wait3A_40 = arith.constant 0 : i32
      %dma_wait3A_41 = tpu.memref_slice %arg3[%run_scoped3A_5, %dma_wait3A_40] : memref<2x800000xi32, #tpu.memory_space<hbm>> -> memref<1x800000xi32, #tpu.memory_space<hbm>>
      %dma_wait3A_42 = tpu.memref_squeeze %dma_wait3A_41 : memref<1x800000xi32, #tpu.memory_space<hbm>> -> memref<800000xi32, #tpu.memory_space<hbm>>
      %dma_wait3A_43 = tpu.memref_slice %dma_wait3A_42[%add3A_3] : memref<800000xi32, #tpu.memory_space<hbm>> -> memref<1000xi32, #tpu.memory_space<hbm>>
      %dma_wait3A_44 = arith.constant 0 : i32
      %dma_wait3A_45 = tpu.memref_slice %arg5[%run_scoped3A_6, %dma_wait3A_44] : memref<2x1000xi32, #tpu.memory_space<vmem>> -> memref<1x1000xi32, #tpu.memory_space<vmem>>
      %dma_wait3A_46 = tpu.memref_squeeze %dma_wait3A_45 : memref<1x1000xi32, #tpu.memory_space<vmem>> -> memref<1000xi32, #tpu.memory_space<vmem>>
      %dma_wait3A_47 = arith.constant 0 : i32
      %dma_wait3A_48 = tpu.memref_slice %arg3[%run_scoped3A_5, %dma_wait3A_47] : memref<2x800000xi32, #tpu.memory_space<hbm>> -> memref<1x800000xi32, #tpu.memory_space<hbm>>
      %dma_wait3A_49 = tpu.memref_squeeze %dma_wait3A_48 : memref<1x800000xi32, #tpu.memory_space<hbm>> -> memref<800000xi32, #tpu.memory_space<hbm>>
      %dma_wait3A_50 = tpu.memref_slice %dma_wait3A_49[%add3A_3] : memref<800000xi32, #tpu.memory_space<hbm>> -> memref<1000xi32, #tpu.memory_space<hbm>>
      tpu.wait_dma2 semaphore(%run_scoped3A_23 : memref<!tpu.dma_semaphore, #tpu.memory_space<semaphore_mem>>) src(%dma_wait3A_50 : memref<1000xi32, #tpu.memory_space<hbm>>) dst(%dma_wait3A_46 : memref<1000xi32, #tpu.memory_space<vmem>>)
      tpu.yield
    }) : () -> ()
    %dma_start3A = arith.constant 0 : i32
    %dma_start3A_7 = arith.constant 0 : i32
    %dma_start3A_8 = tpu.memref_slice %arg5[%dma_start3A, %dma_start3A_7] : memref<2x1000xi32, #tpu.memory_space<vmem>> -> memref<1x1000xi32, #tpu.memory_space<vmem>>
    %dma_start3A_9 = tpu.memref_squeeze %dma_start3A_8 : memref<1x1000xi32, #tpu.memory_space<vmem>> -> memref<1000xi32, #tpu.memory_space<vmem>>
    %dma_start3A_10 = arith.constant 0 : i32
    %dma_start3A_11 = arith.constant 0 : i32
    %dma_start3A_12 = tpu.memref_slice %arg2[%arg0, %dma_start3A_10, %dma_start3A_11] : memref<2x50176x16xf32, #tpu.memory_space<hbm>> -> memref<1x50176x16xf32, #tpu.memory_space<hbm>>
    %dma_start3A_13 = tpu.memref_squeeze %dma_start3A_12 : memref<1x50176x16xf32, #tpu.memory_space<hbm>> -> memref<50176x16xf32, #tpu.memory_space<hbm>>
    %dma_start3A_14 = arith.constant 0 : i32
    %dma_start3A_15 = arith.constant 0 : i32
    %dma_start3A_16 = tpu.memref_slice %dma_start3A_13[%dma_start3A_14, %dma_start3A_15] : memref<50176x16xf32, #tpu.memory_space<hbm>> -> memref<50176x16xf32, #tpu.memory_space<hbm>>
    tpu.enqueue_indirect_dma source(%dma_start3A_16 : memref<50176x16xf32, #tpu.memory_space<hbm>>) target(%arg7 : memref<1000x16xf32, #tpu.memory_space<vmem>>) offsets(%dma_start3A_9 : memref<1000xi32, #tpu.memory_space<vmem>>) semaphore(%arg10 : memref<!tpu.dma_semaphore, #tpu.memory_space<semaphore_mem>>)
    %scan3A = arith.constant 0 : i32
    %scan3A_17 = arith.constant 0 : i32
    %scan3A_18 = arith.constant 25 : i32
    %scan3A_19 = arith.addi %scan3A_17, %scan3A_18 : i32
    %scan3A_20 = arith.constant 1 : i32
    scf.for %scan3A_23 = %scan3A_17 to %scan3A_19 step %scan3A_20  : i32 {
      %mul3A_24 = arith.constant 2 : i32
      %mul3A_25 = arith.muli %mul3A_24, %scan3A_23 : i32
      %add3A_26 = arith.constant 1 : i32
      %add3A_27 = arith.addi %mul3A_25, %add3A_26 : i32
      %mul3A_28 = arith.constant 1000 : i32
      %mul3A_29 = arith.muli %add3A_27, %mul3A_28 : i32
      %add3A_30 = arith.addi %mul3A_2, %mul3A_29 : i32
      %run_scoped3A_31 = arith.constant 0 : i32
      %run_scoped3A_32 = arith.constant 0 : i32
      "tpu.region"() ({
        %run_scoped3A_106 = tpu.sem_alloc : memref<!tpu.dma_semaphore, #tpu.memory_space<semaphore_mem>>
        %dma_start3A_107 = arith.constant 0 : i32
        %dma_start3A_108 = tpu.memref_slice %arg6[%run_scoped3A_32, %dma_start3A_107] : memref<2x1000xi32, #tpu.memory_space<vmem>> -> memref<1x1000xi32, #tpu.memory_space<vmem>>
        %dma_start3A_109 = tpu.memref_squeeze %dma_start3A_108 : memref<1x1000xi32, #tpu.memory_space<vmem>> -> memref<1000xi32, #tpu.memory_space<vmem>>
        %dma_start3A_110 = arith.constant 0 : i32
        %dma_start3A_111 = tpu.memref_slice %arg3[%run_scoped3A_31, %dma_start3A_110] : memref<2x800000xi32, #tpu.memory_space<hbm>> -> memref<1x800000xi32, #tpu.memory_space<hbm>>
        %dma_start3A_112 = tpu.memref_squeeze %dma_start3A_111 : memref<1x800000xi32, #tpu.memory_space<hbm>> -> memref<800000xi32, #tpu.memory_space<hbm>>
        %dma_start3A_113 = tpu.memref_slice %dma_start3A_112[%add3A_30] : memref<800000xi32, #tpu.memory_space<hbm>> -> memref<1000xi32, #tpu.memory_space<hbm>>
        %dma_start3A_114 = arith.constant 0 : i32
        %dma_start3A_115 = tpu.memref_slice %arg6[%run_scoped3A_32, %dma_start3A_114] : memref<2x1000xi32, #tpu.memory_space<vmem>> -> memref<1x1000xi32, #tpu.memory_space<vmem>>
        %dma_start3A_116 = tpu.memref_squeeze %dma_start3A_115 : memref<1x1000xi32, #tpu.memory_space<vmem>> -> memref<1000xi32, #tpu.memory_space<vmem>>
        %dma_start3A_117 = arith.constant 0 : i32
        %dma_start3A_118 = tpu.memref_slice %arg3[%run_scoped3A_31, %dma_start3A_117] : memref<2x800000xi32, #tpu.memory_space<hbm>> -> memref<1x800000xi32, #tpu.memory_space<hbm>>
        %dma_start3A_119 = tpu.memref_squeeze %dma_start3A_118 : memref<1x800000xi32, #tpu.memory_space<hbm>> -> memref<800000xi32, #tpu.memory_space<hbm>>
        %dma_start3A_120 = tpu.memref_slice %dma_start3A_119[%add3A_30] : memref<800000xi32, #tpu.memory_space<hbm>> -> memref<1000xi32, #tpu.memory_space<hbm>>
        tpu.enqueue_dma source(%dma_start3A_120 : memref<1000xi32, #tpu.memory_space<hbm>>) target(%dma_start3A_116 : memref<1000xi32, #tpu.memory_space<vmem>>) target_semaphore(%run_scoped3A_106 : memref<!tpu.dma_semaphore, #tpu.memory_space<semaphore_mem>>)
        %dma_wait3A_121 = arith.constant 0 : i32
        %dma_wait3A_122 = tpu.memref_slice %arg6[%run_scoped3A_32, %dma_wait3A_121] : memref<2x1000xi32, #tpu.memory_space<vmem>> -> memref<1x1000xi32, #tpu.memory_space<vmem>>
        %dma_wait3A_123 = tpu.memref_squeeze %dma_wait3A_122 : memref<1x1000xi32, #tpu.memory_space<vmem>> -> memref<1000xi32, #tpu.memory_space<vmem>>
        %dma_wait3A_124 = arith.constant 0 : i32
        %dma_wait3A_125 = tpu.memref_slice %arg3[%run_scoped3A_31, %dma_wait3A_124] : memref<2x800000xi32, #tpu.memory_space<hbm>> -> memref<1x800000xi32, #tpu.memory_space<hbm>>
        %dma_wait3A_126 = tpu.memref_squeeze %dma_wait3A_125 : memref<1x800000xi32, #tpu.memory_space<hbm>> -> memref<800000xi32, #tpu.memory_space<hbm>>
        %dma_wait3A_127 = tpu.memref_slice %dma_wait3A_126[%add3A_30] : memref<800000xi32, #tpu.memory_space<hbm>> -> memref<1000xi32, #tpu.memory_space<hbm>>
        %dma_wait3A_128 = arith.constant 0 : i32
        %dma_wait3A_129 = tpu.memref_slice %arg6[%run_scoped3A_32, %dma_wait3A_128] : memref<2x1000xi32, #tpu.memory_space<vmem>> -> memref<1x1000xi32, #tpu.memory_space<vmem>>
        %dma_wait3A_130 = tpu.memref_squeeze %dma_wait3A_129 : memref<1x1000xi32, #tpu.memory_space<vmem>> -> memref<1000xi32, #tpu.memory_space<vmem>>
        %dma_wait3A_131 = arith.constant 0 : i32
        %dma_wait3A_132 = tpu.memref_slice %arg3[%run_scoped3A_31, %dma_wait3A_131] : memref<2x800000xi32, #tpu.memory_space<hbm>> -> memref<1x800000xi32, #tpu.memory_space<hbm>>
        %dma_wait3A_133 = tpu.memref_squeeze %dma_wait3A_132 : memref<1x800000xi32, #tpu.memory_space<hbm>> -> memref<800000xi32, #tpu.memory_space<hbm>>
        %dma_wait3A_134 = tpu.memref_slice %dma_wait3A_133[%add3A_30] : memref<800000xi32, #tpu.memory_space<hbm>> -> memref<1000xi32, #tpu.memory_space<hbm>>
        tpu.wait_dma2 semaphore(%run_scoped3A_106 : memref<!tpu.dma_semaphore, #tpu.memory_space<semaphore_mem>>) src(%dma_wait3A_134 : memref<1000xi32, #tpu.memory_space<hbm>>) dst(%dma_wait3A_130 : memref<1000xi32, #tpu.memory_space<vmem>>)
        tpu.yield
      }) : () -> ()
      %run_scoped3A_33 = arith.constant 1 : i32
      %run_scoped3A_34 = arith.constant 1 : i32
      "tpu.region"() ({
        %run_scoped3A_106 = tpu.sem_alloc : memref<!tpu.dma_semaphore, #tpu.memory_space<semaphore_mem>>
        %dma_start3A_107 = arith.constant 0 : i32
        %dma_start3A_108 = tpu.memref_slice %arg6[%run_scoped3A_34, %dma_start3A_107] : memref<2x1000xi32, #tpu.memory_space<vmem>> -> memref<1x1000xi32, #tpu.memory_space<vmem>>
        %dma_start3A_109 = tpu.memref_squeeze %dma_start3A_108 : memref<1x1000xi32, #tpu.memory_space<vmem>> -> memref<1000xi32, #tpu.memory_space<vmem>>
        %dma_start3A_110 = arith.constant 0 : i32
        %dma_start3A_111 = tpu.memref_slice %arg3[%run_scoped3A_33, %dma_start3A_110] : memref<2x800000xi32, #tpu.memory_space<hbm>> -> memref<1x800000xi32, #tpu.memory_space<hbm>>
        %dma_start3A_112 = tpu.memref_squeeze %dma_start3A_111 : memref<1x800000xi32, #tpu.memory_space<hbm>> -> memref<800000xi32, #tpu.memory_space<hbm>>
        %dma_start3A_113 = tpu.memref_slice %dma_start3A_112[%add3A_30] : memref<800000xi32, #tpu.memory_space<hbm>> -> memref<1000xi32, #tpu.memory_space<hbm>>
        %dma_start3A_114 = arith.constant 0 : i32
        %dma_start3A_115 = tpu.memref_slice %arg6[%run_scoped3A_34, %dma_start3A_114] : memref<2x1000xi32, #tpu.memory_space<vmem>> -> memref<1x1000xi32, #tpu.memory_space<vmem>>
        %dma_start3A_116 = tpu.memref_squeeze %dma_start3A_115 : memref<1x1000xi32, #tpu.memory_space<vmem>> -> memref<1000xi32, #tpu.memory_space<vmem>>
        %dma_start3A_117 = arith.constant 0 : i32
        %dma_start3A_118 = tpu.memref_slice %arg3[%run_scoped3A_33, %dma_start3A_117] : memref<2x800000xi32, #tpu.memory_space<hbm>> -> memref<1x800000xi32, #tpu.memory_space<hbm>>
        %dma_start3A_119 = tpu.memref_squeeze %dma_start3A_118 : memref<1x800000xi32, #tpu.memory_space<hbm>> -> memref<800000xi32, #tpu.memory_space<hbm>>
        %dma_start3A_120 = tpu.memref_slice %dma_start3A_119[%add3A_30] : memref<800000xi32, #tpu.memory_space<hbm>> -> memref<1000xi32, #tpu.memory_space<hbm>>
        tpu.enqueue_dma source(%dma_start3A_120 : memref<1000xi32, #tpu.memory_space<hbm>>) target(%dma_start3A_116 : memref<1000xi32, #tpu.memory_space<vmem>>) target_semaphore(%run_scoped3A_106 : memref<!tpu.dma_semaphore, #tpu.memory_space<semaphore_mem>>)
        %dma_wait3A_121 = arith.constant 0 : i32
        %dma_wait3A_122 = tpu.memref_slice %arg6[%run_scoped3A_34, %dma_wait3A_121] : memref<2x1000xi32, #tpu.memory_space<vmem>> -> memref<1x1000xi32, #tpu.memory_space<vmem>>
        %dma_wait3A_123 = tpu.memref_squeeze %dma_wait3A_122 : memref<1x1000xi32, #tpu.memory_space<vmem>> -> memref<1000xi32, #tpu.memory_space<vmem>>
        %dma_wait3A_124 = arith.constant 0 : i32
        %dma_wait3A_125 = tpu.memref_slice %arg3[%run_scoped3A_33, %dma_wait3A_124] : memref<2x800000xi32, #tpu.memory_space<hbm>> -> memref<1x800000xi32, #tpu.memory_space<hbm>>
        %dma_wait3A_126 = tpu.memref_squeeze %dma_wait3A_125 : memref<1x800000xi32, #tpu.memory_space<hbm>> -> memref<800000xi32, #tpu.memory_space<hbm>>
        %dma_wait3A_127 = tpu.memref_slice %dma_wait3A_126[%add3A_30] : memref<800000xi32, #tpu.memory_space<hbm>> -> memref<1000xi32, #tpu.memory_space<hbm>>
        %dma_wait3A_128 = arith.constant 0 : i32
        %dma_wait3A_129 = tpu.memref_slice %arg6[%run_scoped3A_34, %dma_wait3A_128] : memref<2x1000xi32, #tpu.memory_space<vmem>> -> memref<1x1000xi32, #tpu.memory_space<vmem>>
        %dma_wait3A_130 = tpu.memref_squeeze %dma_wait3A_129 : memref<1x1000xi32, #tpu.memory_space<vmem>> -> memref<1000xi32, #tpu.memory_space<vmem>>
        %dma_wait3A_131 = arith.constant 0 : i32
        %dma_wait3A_132 = tpu.memref_slice %arg3[%run_scoped3A_33, %dma_wait3A_131] : memref<2x800000xi32, #tpu.memory_space<hbm>> -> memref<1x800000xi32, #tpu.memory_space<hbm>>
        %dma_wait3A_133 = tpu.memref_squeeze %dma_wait3A_132 : memref<1x800000xi32, #tpu.memory_space<hbm>> -> memref<800000xi32, #tpu.memory_space<hbm>>
        %dma_wait3A_134 = tpu.memref_slice %dma_wait3A_133[%add3A_30] : memref<800000xi32, #tpu.memory_space<hbm>> -> memref<1000xi32, #tpu.memory_space<hbm>>
        tpu.wait_dma2 semaphore(%run_scoped3A_106 : memref<!tpu.dma_semaphore, #tpu.memory_space<semaphore_mem>>) src(%dma_wait3A_134 : memref<1000xi32, #tpu.memory_space<hbm>>) dst(%dma_wait3A_130 : memref<1000xi32, #tpu.memory_space<vmem>>)
        tpu.yield
      }) : () -> ()
      %dma_wait3A = arith.constant 0 : i32
      %dma_wait3A_35 = arith.constant 0 : i32
      %dma_wait3A_36 = tpu.memref_slice %arg5[%dma_wait3A, %dma_wait3A_35] : memref<2x1000xi32, #tpu.memory_space<vmem>> -> memref<1x1000xi32, #tpu.memory_space<vmem>>
      %dma_wait3A_37 = tpu.memref_squeeze %dma_wait3A_36 : memref<1x1000xi32, #tpu.memory_space<vmem>> -> memref<1000xi32, #tpu.memory_space<vmem>>
      %dma_wait3A_38 = arith.constant 0 : i32
      %dma_wait3A_39 = arith.constant 0 : i32
      %dma_wait3A_40 = tpu.memref_slice %arg2[%arg0, %dma_wait3A_38, %dma_wait3A_39] : memref<2x50176x16xf32, #tpu.memory_space<hbm>> -> memref<1x50176x16xf32, #tpu.memory_space<hbm>>
      %dma_wait3A_41 = tpu.memref_squeeze %dma_wait3A_40 : memref<1x50176x16xf32, #tpu.memory_space<hbm>> -> memref<50176x16xf32, #tpu.memory_space<hbm>>
      %dma_wait3A_42 = arith.constant 0 : i32
      %dma_wait3A_43 = arith.constant 0 : i32
      %dma_wait3A_44 = tpu.memref_slice %dma_wait3A_41[%dma_wait3A_42, %dma_wait3A_43] : memref<50176x16xf32, #tpu.memory_space<hbm>> -> memref<50176x16xf32, #tpu.memory_space<hbm>>
      tpu.wait_indirect_dma semaphore(%arg10 : memref<!tpu.dma_semaphore, #tpu.memory_space<semaphore_mem>>) src(%dma_wait3A_44 : memref<50176x16xf32, #tpu.memory_space<hbm>>) dst(%arg7 : memref<1000x16xf32, #tpu.memory_space<vmem>>)
      %dma_start3A_45 = arith.constant 1 : i32
      %dma_start3A_46 = arith.constant 0 : i32
      %dma_start3A_47 = tpu.memref_slice %arg5[%dma_start3A_45, %dma_start3A_46] : memref<2x1000xi32, #tpu.memory_space<vmem>> -> memref<1x1000xi32, #tpu.memory_space<vmem>>
      %dma_start3A_48 = tpu.memref_squeeze %dma_start3A_47 : memref<1x1000xi32, #tpu.memory_space<vmem>> -> memref<1000xi32, #tpu.memory_space<vmem>>
      %dma_start3A_49 = arith.constant 0 : i32
      %dma_start3A_50 = arith.constant 0 : i32
      %dma_start3A_51 = tpu.memref_slice %arg9[%dma_start3A_49, %dma_start3A_50] : memref<50176x16xf32, #tpu.memory_space<vmem_shared>> -> memref<50176x16xf32, #tpu.memory_space<vmem_shared>>
      tpu.enqueue_indirect_dma source(%arg7 : memref<1000x16xf32, #tpu.memory_space<vmem>>) target(%dma_start3A_51 : memref<50176x16xf32, #tpu.memory_space<vmem_shared>>) offsets(%dma_start3A_48 : memref<1000xi32, #tpu.memory_space<vmem>>) semaphore(%arg12 : memref<!tpu.dma_semaphore, #tpu.memory_space<semaphore_mem>>) {add = true}
      %dma_start3A_52 = arith.constant 0 : i32
      %dma_start3A_53 = arith.constant 0 : i32
      %dma_start3A_54 = tpu.memref_slice %arg6[%dma_start3A_52, %dma_start3A_53] : memref<2x1000xi32, #tpu.memory_space<vmem>> -> memref<1x1000xi32, #tpu.memory_space<vmem>>
      %dma_start3A_55 = tpu.memref_squeeze %dma_start3A_54 : memref<1x1000xi32, #tpu.memory_space<vmem>> -> memref<1000xi32, #tpu.memory_space<vmem>>
      %dma_start3A_56 = arith.constant 0 : i32
      %dma_start3A_57 = arith.constant 0 : i32
      %dma_start3A_58 = tpu.memref_slice %arg2[%arg0, %dma_start3A_56, %dma_start3A_57] : memref<2x50176x16xf32, #tpu.memory_space<hbm>> -> memref<1x50176x16xf32, #tpu.memory_space<hbm>>
      %dma_start3A_59 = tpu.memref_squeeze %dma_start3A_58 : memref<1x50176x16xf32, #tpu.memory_space<hbm>> -> memref<50176x16xf32, #tpu.memory_space<hbm>>
      %dma_start3A_60 = arith.constant 0 : i32
      %dma_start3A_61 = arith.constant 0 : i32
      %dma_start3A_62 = tpu.memref_slice %dma_start3A_59[%dma_start3A_60, %dma_start3A_61] : memref<50176x16xf32, #tpu.memory_space<hbm>> -> memref<50176x16xf32, #tpu.memory_space<hbm>>
      tpu.enqueue_indirect_dma source(%dma_start3A_62 : memref<50176x16xf32, #tpu.memory_space<hbm>>) target(%arg8 : memref<1000x16xf32, #tpu.memory_space<vmem>>) offsets(%dma_start3A_55 : memref<1000xi32, #tpu.memory_space<vmem>>) semaphore(%arg11 : memref<!tpu.dma_semaphore, #tpu.memory_space<semaphore_mem>>)
      %dma_wait3A_63 = arith.constant 1 : i32
      %dma_wait3A_64 = arith.constant 0 : i32
      %dma_wait3A_65 = tpu.memref_slice %arg5[%dma_wait3A_63, %dma_wait3A_64] : memref<2x1000xi32, #tpu.memory_space<vmem>> -> memref<1x1000xi32, #tpu.memory_space<vmem>>
      %dma_wait3A_66 = tpu.memref_squeeze %dma_wait3A_65 : memref<1x1000xi32, #tpu.memory_space<vmem>> -> memref<1000xi32, #tpu.memory_space<vmem>>
      %dma_wait3A_67 = arith.constant 0 : i32
      %dma_wait3A_68 = arith.constant 0 : i32
      %dma_wait3A_69 = tpu.memref_slice %arg9[%dma_wait3A_67, %dma_wait3A_68] : memref<50176x16xf32, #tpu.memory_space<vmem_shared>> -> memref<50176x16xf32, #tpu.memory_space<vmem_shared>>
      tpu.wait_indirect_dma semaphore(%arg12 : memref<!tpu.dma_semaphore, #tpu.memory_space<semaphore_mem>>) src(%arg7 : memref<1000x16xf32, #tpu.memory_space<vmem>>) dst(%dma_wait3A_69 : memref<50176x16xf32, #tpu.memory_space<vmem_shared>>)
      %add3A_70 = arith.constant 1 : i32
      %add3A_71 = arith.addi %scan3A_23, %add3A_70 : i32
      %lt3A = arith.constant 25 : i32
      %lt3A_72 = arith.cmpi slt, %add3A_71, %lt3A : i32
      %convert_element_type3A = arith.extui %lt3A_72 : i1 to i32
      %cond3A = arith.constant 0 : i32
      %cond3A_73 = arith.cmpi ne, %convert_element_type3A, %cond3A : i32
      scf.if %cond3A_73 {
        %add3A_106 = arith.constant 2 : i32
        %add3A_107 = arith.addi %mul3A_25, %add3A_106 : i32
        %mul3A_108 = arith.constant 1000 : i32
        %mul3A_109 = arith.muli %add3A_107, %mul3A_108 : i32
        %add3A_110 = arith.addi %mul3A_2, %mul3A_109 : i32
        %run_scoped3A_111 = arith.constant 0 : i32
        %run_scoped3A_112 = arith.constant 0 : i32
        "tpu.region"() ({
          %run_scoped3A_115 = tpu.sem_alloc : memref<!tpu.dma_semaphore, #tpu.memory_space<semaphore_mem>>
          %dma_start3A_116 = arith.constant 0 : i32
          %dma_start3A_117 = tpu.memref_slice %arg5[%run_scoped3A_112, %dma_start3A_116] : memref<2x1000xi32, #tpu.memory_space<vmem>> -> memref<1x1000xi32, #tpu.memory_space<vmem>>
          %dma_start3A_118 = tpu.memref_squeeze %dma_start3A_117 : memref<1x1000xi32, #tpu.memory_space<vmem>> -> memref<1000xi32, #tpu.memory_space<vmem>>
          %dma_start3A_119 = arith.constant 0 : i32
          %dma_start3A_120 = tpu.memref_slice %arg3[%run_scoped3A_111, %dma_start3A_119] : memref<2x800000xi32, #tpu.memory_space<hbm>> -> memref<1x800000xi32, #tpu.memory_space<hbm>>
          %dma_start3A_121 = tpu.memref_squeeze %dma_start3A_120 : memref<1x800000xi32, #tpu.memory_space<hbm>> -> memref<800000xi32, #tpu.memory_space<hbm>>
          %dma_start3A_122 = tpu.memref_slice %dma_start3A_121[%add3A_110] : memref<800000xi32, #tpu.memory_space<hbm>> -> memref<1000xi32, #tpu.memory_space<hbm>>
          %dma_start3A_123 = arith.constant 0 : i32
          %dma_start3A_124 = tpu.memref_slice %arg5[%run_scoped3A_112, %dma_start3A_123] : memref<2x1000xi32, #tpu.memory_space<vmem>> -> memref<1x1000xi32, #tpu.memory_space<vmem>>
          %dma_start3A_125 = tpu.memref_squeeze %dma_start3A_124 : memref<1x1000xi32, #tpu.memory_space<vmem>> -> memref<1000xi32, #tpu.memory_space<vmem>>
          %dma_start3A_126 = arith.constant 0 : i32
          %dma_start3A_127 = tpu.memref_slice %arg3[%run_scoped3A_111, %dma_start3A_126] : memref<2x800000xi32, #tpu.memory_space<hbm>> -> memref<1x800000xi32, #tpu.memory_space<hbm>>
          %dma_start3A_128 = tpu.memref_squeeze %dma_start3A_127 : memref<1x800000xi32, #tpu.memory_space<hbm>> -> memref<800000xi32, #tpu.memory_space<hbm>>
          %dma_start3A_129 = tpu.memref_slice %dma_start3A_128[%add3A_110] : memref<800000xi32, #tpu.memory_space<hbm>> -> memref<1000xi32, #tpu.memory_space<hbm>>
          tpu.enqueue_dma source(%dma_start3A_129 : memref<1000xi32, #tpu.memory_space<hbm>>) target(%dma_start3A_125 : memref<1000xi32, #tpu.memory_space<vmem>>) target_semaphore(%run_scoped3A_115 : memref<!tpu.dma_semaphore, #tpu.memory_space<semaphore_mem>>)
          %dma_wait3A_130 = arith.constant 0 : i32
          %dma_wait3A_131 = tpu.memref_slice %arg5[%run_scoped3A_112, %dma_wait3A_130] : memref<2x1000xi32, #tpu.memory_space<vmem>> -> memref<1x1000xi32, #tpu.memory_space<vmem>>
          %dma_wait3A_132 = tpu.memref_squeeze %dma_wait3A_131 : memref<1x1000xi32, #tpu.memory_space<vmem>> -> memref<1000xi32, #tpu.memory_space<vmem>>
          %dma_wait3A_133 = arith.constant 0 : i32
          %dma_wait3A_134 = tpu.memref_slice %arg3[%run_scoped3A_111, %dma_wait3A_133] : memref<2x800000xi32, #tpu.memory_space<hbm>> -> memref<1x800000xi32, #tpu.memory_space<hbm>>
          %dma_wait3A_135 = tpu.memref_squeeze %dma_wait3A_134 : memref<1x800000xi32, #tpu.memory_space<hbm>> -> memref<800000xi32, #tpu.memory_space<hbm>>
          %dma_wait3A_136 = tpu.memref_slice %dma_wait3A_135[%add3A_110] : memref<800000xi32, #tpu.memory_space<hbm>> -> memref<1000xi32, #tpu.memory_space<hbm>>
          %dma_wait3A_137 = arith.constant 0 : i32
          %dma_wait3A_138 = tpu.memref_slice %arg5[%run_scoped3A_112, %dma_wait3A_137] : memref<2x1000xi32, #tpu.memory_space<vmem>> -> memref<1x1000xi32, #tpu.memory_space<vmem>>
          %dma_wait3A_139 = tpu.memref_squeeze %dma_wait3A_138 : memref<1x1000xi32, #tpu.memory_space<vmem>> -> memref<1000xi32, #tpu.memory_space<vmem>>
          %dma_wait3A_140 = arith.constant 0 : i32
          %dma_wait3A_141 = tpu.memref_slice %arg3[%run_scoped3A_111, %dma_wait3A_140] : memref<2x800000xi32, #tpu.memory_space<hbm>> -> memref<1x800000xi32, #tpu.memory_space<hbm>>
          %dma_wait3A_142 = tpu.memref_squeeze %dma_wait3A_141 : memref<1x800000xi32, #tpu.memory_space<hbm>> -> memref<800000xi32, #tpu.memory_space<hbm>>
          %dma_wait3A_143 = tpu.memref_slice %dma_wait3A_142[%add3A_110] : memref<800000xi32, #tpu.memory_space<hbm>> -> memref<1000xi32, #tpu.memory_space<hbm>>
          tpu.wait_dma2 semaphore(%run_scoped3A_115 : memref<!tpu.dma_semaphore, #tpu.memory_space<semaphore_mem>>) src(%dma_wait3A_143 : memref<1000xi32, #tpu.memory_space<hbm>>) dst(%dma_wait3A_139 : memref<1000xi32, #tpu.memory_space<vmem>>)
          tpu.yield
        }) : () -> ()
        %run_scoped3A_113 = arith.constant 1 : i32
        %run_scoped3A_114 = arith.constant 1 : i32
        "tpu.region"() ({
          %run_scoped3A_115 = tpu.sem_alloc : memref<!tpu.dma_semaphore, #tpu.memory_space<semaphore_mem>>
          %dma_start3A_116 = arith.constant 0 : i32
          %dma_start3A_117 = tpu.memref_slice %arg5[%run_scoped3A_114, %dma_start3A_116] : memref<2x1000xi32, #tpu.memory_space<vmem>> -> memref<1x1000xi32, #tpu.memory_space<vmem>>
          %dma_start3A_118 = tpu.memref_squeeze %dma_start3A_117 : memref<1x1000xi32, #tpu.memory_space<vmem>> -> memref<1000xi32, #tpu.memory_space<vmem>>
          %dma_start3A_119 = arith.constant 0 : i32
          %dma_start3A_120 = tpu.memref_slice %arg3[%run_scoped3A_113, %dma_start3A_119] : memref<2x800000xi32, #tpu.memory_space<hbm>> -> memref<1x800000xi32, #tpu.memory_space<hbm>>
          %dma_start3A_121 = tpu.memref_squeeze %dma_start3A_120 : memref<1x800000xi32, #tpu.memory_space<hbm>> -> memref<800000xi32, #tpu.memory_space<hbm>>
          %dma_start3A_122 = tpu.memref_slice %dma_start3A_121[%add3A_110] : memref<800000xi32, #tpu.memory_space<hbm>> -> memref<1000xi32, #tpu.memory_space<hbm>>
          %dma_start3A_123 = arith.constant 0 : i32
          %dma_start3A_124 = tpu.memref_slice %arg5[%run_scoped3A_114, %dma_start3A_123] : memref<2x1000xi32, #tpu.memory_space<vmem>> -> memref<1x1000xi32, #tpu.memory_space<vmem>>
          %dma_start3A_125 = tpu.memref_squeeze %dma_start3A_124 : memref<1x1000xi32, #tpu.memory_space<vmem>> -> memref<1000xi32, #tpu.memory_space<vmem>>
          %dma_start3A_126 = arith.constant 0 : i32
          %dma_start3A_127 = tpu.memref_slice %arg3[%run_scoped3A_113, %dma_start3A_126] : memref<2x800000xi32, #tpu.memory_space<hbm>> -> memref<1x800000xi32, #tpu.memory_space<hbm>>
          %dma_start3A_128 = tpu.memref_squeeze %dma_start3A_127 : memref<1x800000xi32, #tpu.memory_space<hbm>> -> memref<800000xi32, #tpu.memory_space<hbm>>
          %dma_start3A_129 = tpu.memref_slice %dma_start3A_128[%add3A_110] : memref<800000xi32, #tpu.memory_space<hbm>> -> memref<1000xi32, #tpu.memory_space<hbm>>
          tpu.enqueue_dma source(%dma_start3A_129 : memref<1000xi32, #tpu.memory_space<hbm>>) target(%dma_start3A_125 : memref<1000xi32, #tpu.memory_space<vmem>>) target_semaphore(%run_scoped3A_115 : memref<!tpu.dma_semaphore, #tpu.memory_space<semaphore_mem>>)
          %dma_wait3A_130 = arith.constant 0 : i32
          %dma_wait3A_131 = tpu.memref_slice %arg5[%run_scoped3A_114, %dma_wait3A_130] : memref<2x1000xi32, #tpu.memory_space<vmem>> -> memref<1x1000xi32, #tpu.memory_space<vmem>>
          %dma_wait3A_132 = tpu.memref_squeeze %dma_wait3A_131 : memref<1x1000xi32, #tpu.memory_space<vmem>> -> memref<1000xi32, #tpu.memory_space<vmem>>
          %dma_wait3A_133 = arith.constant 0 : i32
          %dma_wait3A_134 = tpu.memref_slice %arg3[%run_scoped3A_113, %dma_wait3A_133] : memref<2x800000xi32, #tpu.memory_space<hbm>> -> memref<1x800000xi32, #tpu.memory_space<hbm>>
          %dma_wait3A_135 = tpu.memref_squeeze %dma_wait3A_134 : memref<1x800000xi32, #tpu.memory_space<hbm>> -> memref<800000xi32, #tpu.memory_space<hbm>>
          %dma_wait3A_136 = tpu.memref_slice %dma_wait3A_135[%add3A_110] : memref<800000xi32, #tpu.memory_space<hbm>> -> memref<1000xi32, #tpu.memory_space<hbm>>
          %dma_wait3A_137 = arith.constant 0 : i32
          %dma_wait3A_138 = tpu.memref_slice %arg5[%run_scoped3A_114, %dma_wait3A_137] : memref<2x1000xi32, #tpu.memory_space<vmem>> -> memref<1x1000xi32, #tpu.memory_space<vmem>>
          %dma_wait3A_139 = tpu.memref_squeeze %dma_wait3A_138 : memref<1x1000xi32, #tpu.memory_space<vmem>> -> memref<1000xi32, #tpu.memory_space<vmem>>
          %dma_wait3A_140 = arith.constant 0 : i32
          %dma_wait3A_141 = tpu.memref_slice %arg3[%run_scoped3A_113, %dma_wait3A_140] : memref<2x800000xi32, #tpu.memory_space<hbm>> -> memref<1x800000xi32, #tpu.memory_space<hbm>>
          %dma_wait3A_142 = tpu.memref_squeeze %dma_wait3A_141 : memref<1x800000xi32, #tpu.memory_space<hbm>> -> memref<800000xi32, #tpu.memory_space<hbm>>
          %dma_wait3A_143 = tpu.memref_slice %dma_wait3A_142[%add3A_110] : memref<800000xi32, #tpu.memory_space<hbm>> -> memref<1000xi32, #tpu.memory_space<hbm>>
          tpu.wait_dma2 semaphore(%run_scoped3A_115 : memref<!tpu.dma_semaphore, #tpu.memory_space<semaphore_mem>>) src(%dma_wait3A_143 : memref<1000xi32, #tpu.memory_space<hbm>>) dst(%dma_wait3A_139 : memref<1000xi32, #tpu.memory_space<vmem>>)
          tpu.yield
        }) : () -> ()
      } else {
      }
      %dma_wait3A_74 = arith.constant 0 : i32
      %dma_wait3A_75 = arith.constant 0 : i32
      %dma_wait3A_76 = tpu.memref_slice %arg6[%dma_wait3A_74, %dma_wait3A_75] : memref<2x1000xi32, #tpu.memory_space<vmem>> -> memref<1x1000xi32, #tpu.memory_space<vmem>>
      %dma_wait3A_77 = tpu.memref_squeeze %dma_wait3A_76 : memref<1x1000xi32, #tpu.memory_space<vmem>> -> memref<1000xi32, #tpu.memory_space<vmem>>
      %dma_wait3A_78 = arith.constant 0 : i32
      %dma_wait3A_79 = arith.constant 0 : i32
      %dma_wait3A_80 = tpu.memref_slice %arg2[%arg0, %dma_wait3A_78, %dma_wait3A_79] : memref<2x50176x16xf32, #tpu.memory_space<hbm>> -> memref<1x50176x16xf32, #tpu.memory_space<hbm>>
      %dma_wait3A_81 = tpu.memref_squeeze %dma_wait3A_80 : memref<1x50176x16xf32, #tpu.memory_space<hbm>> -> memref<50176x16xf32, #tpu.memory_space<hbm>>
      %dma_wait3A_82 = arith.constant 0 : i32
      %dma_wait3A_83 = arith.constant 0 : i32
      %dma_wait3A_84 = tpu.memref_slice %dma_wait3A_81[%dma_wait3A_82, %dma_wait3A_83] : memref<50176x16xf32, #tpu.memory_space<hbm>> -> memref<50176x16xf32, #tpu.memory_space<hbm>>
      tpu.wait_indirect_dma semaphore(%arg11 : memref<!tpu.dma_semaphore, #tpu.memory_space<semaphore_mem>>) src(%dma_wait3A_84 : memref<50176x16xf32, #tpu.memory_space<hbm>>) dst(%arg8 : memref<1000x16xf32, #tpu.memory_space<vmem>>)
      %dma_start3A_85 = arith.constant 1 : i32
      %dma_start3A_86 = arith.constant 0 : i32
      %dma_start3A_87 = tpu.memref_slice %arg6[%dma_start3A_85, %dma_start3A_86] : memref<2x1000xi32, #tpu.memory_space<vmem>> -> memref<1x1000xi32, #tpu.memory_space<vmem>>
      %dma_start3A_88 = tpu.memref_squeeze %dma_start3A_87 : memref<1x1000xi32, #tpu.memory_space<vmem>> -> memref<1000xi32, #tpu.memory_space<vmem>>
      %dma_start3A_89 = arith.constant 0 : i32
      %dma_start3A_90 = arith.constant 0 : i32
      %dma_start3A_91 = tpu.memref_slice %arg9[%dma_start3A_89, %dma_start3A_90] : memref<50176x16xf32, #tpu.memory_space<vmem_shared>> -> memref<50176x16xf32, #tpu.memory_space<vmem_shared>>
      tpu.enqueue_indirect_dma source(%arg8 : memref<1000x16xf32, #tpu.memory_space<vmem>>) target(%dma_start3A_91 : memref<50176x16xf32, #tpu.memory_space<vmem_shared>>) offsets(%dma_start3A_88 : memref<1000xi32, #tpu.memory_space<vmem>>) semaphore(%arg13 : memref<!tpu.dma_semaphore, #tpu.memory_space<semaphore_mem>>) {add = true}
      %add3A_92 = arith.constant 1 : i32
      %add3A_93 = arith.addi %scan3A_23, %add3A_92 : i32
      %lt3A_94 = arith.constant 25 : i32
      %lt3A_95 = arith.cmpi slt, %add3A_93, %lt3A_94 : i32
      %convert_element_type3A_96 = arith.extui %lt3A_95 : i1 to i32
      %cond3A_97 = arith.constant 0 : i32
      %cond3A_98 = arith.cmpi ne, %convert_element_type3A_96, %cond3A_97 : i32
      scf.if %cond3A_98 {
        %dma_start3A_106 = arith.constant 0 : i32
        %dma_start3A_107 = arith.constant 0 : i32
        %dma_start3A_108 = tpu.memref_slice %arg5[%dma_start3A_106, %dma_start3A_107] : memref<2x1000xi32, #tpu.memory_space<vmem>> -> memref<1x1000xi32, #tpu.memory_space<vmem>>
        %dma_start3A_109 = tpu.memref_squeeze %dma_start3A_108 : memref<1x1000xi32, #tpu.memory_space<vmem>> -> memref<1000xi32, #tpu.memory_space<vmem>>
        %dma_start3A_110 = arith.constant 0 : i32
        %dma_start3A_111 = arith.constant 0 : i32
        %dma_start3A_112 = tpu.memref_slice %arg2[%arg0, %dma_start3A_110, %dma_start3A_111] : memref<2x50176x16xf32, #tpu.memory_space<hbm>> -> memref<1x50176x16xf32, #tpu.memory_space<hbm>>
        %dma_start3A_113 = tpu.memref_squeeze %dma_start3A_112 : memref<1x50176x16xf32, #tpu.memory_space<hbm>> -> memref<50176x16xf32, #tpu.memory_space<hbm>>
        %dma_start3A_114 = arith.constant 0 : i32
        %dma_start3A_115 = arith.constant 0 : i32
        %dma_start3A_116 = tpu.memref_slice %dma_start3A_113[%dma_start3A_114, %dma_start3A_115] : memref<50176x16xf32, #tpu.memory_space<hbm>> -> memref<50176x16xf32, #tpu.memory_space<hbm>>
        tpu.enqueue_indirect_dma source(%dma_start3A_116 : memref<50176x16xf32, #tpu.memory_space<hbm>>) target(%arg7 : memref<1000x16xf32, #tpu.memory_space<vmem>>) offsets(%dma_start3A_109 : memref<1000xi32, #tpu.memory_space<vmem>>) semaphore(%arg10 : memref<!tpu.dma_semaphore, #tpu.memory_space<semaphore_mem>>)
      } else {
      }
      %dma_wait3A_99 = arith.constant 1 : i32
      %dma_wait3A_100 = arith.constant 0 : i32
      %dma_wait3A_101 = tpu.memref_slice %arg6[%dma_wait3A_99, %dma_wait3A_100] : memref<2x1000xi32, #tpu.memory_space<vmem>> -> memref<1x1000xi32, #tpu.memory_space<vmem>>
      %dma_wait3A_102 = tpu.memref_squeeze %dma_wait3A_101 : memref<1x1000xi32, #tpu.memory_space<vmem>> -> memref<1000xi32, #tpu.memory_space<vmem>>
      %dma_wait3A_103 = arith.constant 0 : i32
      %dma_wait3A_104 = arith.constant 0 : i32
      %dma_wait3A_105 = tpu.memref_slice %arg9[%dma_wait3A_103, %dma_wait3A_104] : memref<50176x16xf32, #tpu.memory_space<vmem_shared>> -> memref<50176x16xf32, #tpu.memory_space<vmem_shared>>
      tpu.wait_indirect_dma semaphore(%arg13 : memref<!tpu.dma_semaphore, #tpu.memory_space<semaphore_mem>>) src(%arg8 : memref<1000x16xf32, #tpu.memory_space<vmem>>) dst(%dma_wait3A_105 : memref<50176x16xf32, #tpu.memory_space<vmem_shared>>)
    }
    %scan3A_21 = arith.constant 25 : i32
    %barrier3A_22 = arith.constant 0 : index
    tpu.barrier barrier_id(%barrier3A_22)
    "tpu.region"() ({
      %run_scoped3A_23 = tpu.sem_alloc : memref<!tpu.dma_semaphore, #tpu.memory_space<semaphore_mem>>
      %dma_start3A_24 = arith.constant 0 : i32
      %dma_start3A_25 = arith.constant 0 : i32
      %dma_start3A_26 = tpu.memref_slice %arg4[%arg0, %dma_start3A_24, %dma_start3A_25] : memref<2x50176x16xf32, #tpu.memory_space<hbm>> -> memref<1x50176x16xf32, #tpu.memory_space<hbm>>
      %dma_start3A_27 = tpu.memref_squeeze %dma_start3A_26 : memref<1x50176x16xf32, #tpu.memory_space<hbm>> -> memref<50176x16xf32, #tpu.memory_space<hbm>>
      %dma_start3A_28 = arith.constant 0 : i32
      %dma_start3A_29 = tpu.memref_slice %dma_start3A_27[%mul3A_0, %dma_start3A_28] : memref<50176x16xf32, #tpu.memory_space<hbm>> -> memref<3136x16xf32, #tpu.memory_space<hbm>>
      %dma_start3A_30 = arith.constant 0 : i32
      %dma_start3A_31 = tpu.memref_slice %arg9[%mul3A_0, %dma_start3A_30] : memref<50176x16xf32, #tpu.memory_space<vmem_shared>> -> memref<3136x16xf32, #tpu.memory_space<vmem_shared>>
      tpu.enqueue_dma source(%dma_start3A_31 : memref<3136x16xf32, #tpu.memory_space<vmem_shared>>) target(%dma_start3A_29 : memref<3136x16xf32, #tpu.memory_space<hbm>>) target_semaphore(%run_scoped3A_23 : memref<!tpu.dma_semaphore, #tpu.memory_space<semaphore_mem>>)
      %dma_wait3A = arith.constant 0 : i32
      %dma_wait3A_32 = arith.constant 0 : i32
      %dma_wait3A_33 = tpu.memref_slice %arg4[%arg0, %dma_wait3A, %dma_wait3A_32] : memref<2x50176x16xf32, #tpu.memory_space<hbm>> -> memref<1x50176x16xf32, #tpu.memory_space<hbm>>
      %dma_wait3A_34 = tpu.memref_squeeze %dma_wait3A_33 : memref<1x50176x16xf32, #tpu.memory_space<hbm>> -> memref<50176x16xf32, #tpu.memory_space<hbm>>
      %dma_wait3A_35 = arith.constant 0 : i32
      %dma_wait3A_36 = tpu.memref_slice %dma_wait3A_34[%mul3A_0, %dma_wait3A_35] : memref<50176x16xf32, #tpu.memory_space<hbm>> -> memref<3136x16xf32, #tpu.memory_space<hbm>>
      %dma_wait3A_37 = arith.constant 0 : i32
      %dma_wait3A_38 = tpu.memref_slice %arg9[%mul3A_0, %dma_wait3A_37] : memref<50176x16xf32, #tpu.memory_space<vmem_shared>> -> memref<3136x16xf32, #tpu.memory_space<vmem_shared>>
      tpu.wait_dma2 semaphore(%run_scoped3A_23 : memref<!tpu.dma_semaphore, #tpu.memory_space<semaphore_mem>>) src(%dma_wait3A_38 : memref<3136x16xf32, #tpu.memory_space<vmem_shared>>) dst(%dma_wait3A_36 : memref<3136x16xf32, #tpu.memory_space<hbm>>)
      tpu.yield
    }) : () -> ()
    return
  }
}

#map = affine_map<(d0, d1) -> (0, 0, 0)>
#map1 = affine_map<(d0, d1) -> (0, 0)>
module attributes {stable_mosaic.version = 14 : i64} {
  func.func @agg_kernel(%arg0: i32, %arg1: i32, %arg2: memref<2x50176x32xf32, #tpu.memory_space<hbm>>, %arg3: memref<2x800000xi32, #tpu.memory_space<hbm>>, %arg4: memref<2x50176x32xf32, #tpu.memory_space<hbm>>, %arg5: memref<2x200xi32, #tpu.memory_space<vmem>>, %arg6: memref<2x200xi32, #tpu.memory_space<vmem>>, %arg7: memref<200x32xf32, #tpu.memory_space<vmem>>, %arg8: memref<200x32xf32, #tpu.memory_space<vmem>>, %arg9: memref<50176x32xf32, #tpu.memory_space<vmem_shared>>, %arg10: memref<!tpu.dma_semaphore, #tpu.memory_space<semaphore_mem>>, %arg11: memref<!tpu.dma_semaphore, #tpu.memory_space<semaphore_mem>>, %arg12: memref<!tpu.dma_semaphore, #tpu.memory_space<semaphore_mem>>, %arg13: memref<!tpu.dma_semaphore, #tpu.memory_space<semaphore_mem>>) attributes {dimension_semantics = [#tpu.dimension_semantics<core_parallel>, #tpu.dimension_semantics<subcore_parallel>], iteration_bounds = array<i64: 2, 16>, scalar_prefetch = 0 : i64, scratch_operands = 9 : i64, tpu.core_type = #tpu.core_type<sc_vector_subcore>, window_params = [{transform_indices = #map}, {transform_indices = #map1}, {transform_indices = #map}]} {
    %mul3A = arith.constant 3136 : i32
    %mul3A_0 = arith.muli %arg1, %mul3A : i32
    %mul3A_1 = arith.constant 50000 : i32
    %mul3A_2 = arith.muli %arg1, %mul3A_1 : i32
    "tpu.region"() ({
      %run_scoped3A_23 = tpu.sem_alloc : memref<!tpu.dma_semaphore, #tpu.memory_space<semaphore_mem>>
      %dma_start3A_24 = arith.constant 0 : i32
      %dma_start3A_25 = tpu.memref_slice %arg9[%mul3A_0, %dma_start3A_24] : memref<50176x32xf32, #tpu.memory_space<vmem_shared>> -> memref<3136x32xf32, #tpu.memory_space<vmem_shared>>
      %dma_start3A_26 = arith.constant 0 : i32
      %dma_start3A_27 = arith.constant 0 : i32
      %dma_start3A_28 = tpu.memref_slice %arg2[%arg0, %dma_start3A_26, %dma_start3A_27] : memref<2x50176x32xf32, #tpu.memory_space<hbm>> -> memref<1x50176x32xf32, #tpu.memory_space<hbm>>
      %dma_start3A_29 = tpu.memref_squeeze %dma_start3A_28 : memref<1x50176x32xf32, #tpu.memory_space<hbm>> -> memref<50176x32xf32, #tpu.memory_space<hbm>>
      %dma_start3A_30 = arith.constant 0 : i32
      %dma_start3A_31 = tpu.memref_slice %dma_start3A_29[%mul3A_0, %dma_start3A_30] : memref<50176x32xf32, #tpu.memory_space<hbm>> -> memref<3136x32xf32, #tpu.memory_space<hbm>>
      tpu.enqueue_dma source(%dma_start3A_31 : memref<3136x32xf32, #tpu.memory_space<hbm>>) target(%dma_start3A_25 : memref<3136x32xf32, #tpu.memory_space<vmem_shared>>) target_semaphore(%run_scoped3A_23 : memref<!tpu.dma_semaphore, #tpu.memory_space<semaphore_mem>>)
      %dma_wait3A = arith.constant 0 : i32
      %dma_wait3A_32 = tpu.memref_slice %arg9[%mul3A_0, %dma_wait3A] : memref<50176x32xf32, #tpu.memory_space<vmem_shared>> -> memref<3136x32xf32, #tpu.memory_space<vmem_shared>>
      %dma_wait3A_33 = arith.constant 0 : i32
      %dma_wait3A_34 = arith.constant 0 : i32
      %dma_wait3A_35 = tpu.memref_slice %arg2[%arg0, %dma_wait3A_33, %dma_wait3A_34] : memref<2x50176x32xf32, #tpu.memory_space<hbm>> -> memref<1x50176x32xf32, #tpu.memory_space<hbm>>
      %dma_wait3A_36 = tpu.memref_squeeze %dma_wait3A_35 : memref<1x50176x32xf32, #tpu.memory_space<hbm>> -> memref<50176x32xf32, #tpu.memory_space<hbm>>
      %dma_wait3A_37 = arith.constant 0 : i32
      %dma_wait3A_38 = tpu.memref_slice %dma_wait3A_36[%mul3A_0, %dma_wait3A_37] : memref<50176x32xf32, #tpu.memory_space<hbm>> -> memref<3136x32xf32, #tpu.memory_space<hbm>>
      tpu.wait_dma2 semaphore(%run_scoped3A_23 : memref<!tpu.dma_semaphore, #tpu.memory_space<semaphore_mem>>) src(%dma_wait3A_38 : memref<3136x32xf32, #tpu.memory_space<hbm>>) dst(%dma_wait3A_32 : memref<3136x32xf32, #tpu.memory_space<vmem_shared>>)
      tpu.yield
    }) : () -> ()
    %barrier3A = arith.constant 0 : index
    tpu.barrier barrier_id(%barrier3A)
    %add3A = arith.constant 0 : i32
    %add3A_3 = arith.addi %mul3A_2, %add3A : i32
    %run_scoped3A = arith.constant 0 : i32
    %run_scoped3A_4 = arith.constant 0 : i32
    "tpu.region"() ({
      %run_scoped3A_23 = tpu.sem_alloc : memref<!tpu.dma_semaphore, #tpu.memory_space<semaphore_mem>>
      %dma_start3A_24 = arith.constant 0 : i32
      %dma_start3A_25 = tpu.memref_slice %arg5[%run_scoped3A_4, %dma_start3A_24] : memref<2x200xi32, #tpu.memory_space<vmem>> -> memref<1x200xi32, #tpu.memory_space<vmem>>
      %dma_start3A_26 = tpu.memref_squeeze %dma_start3A_25 : memref<1x200xi32, #tpu.memory_space<vmem>> -> memref<200xi32, #tpu.memory_space<vmem>>
      %dma_start3A_27 = arith.constant 0 : i32
      %dma_start3A_28 = tpu.memref_slice %arg3[%run_scoped3A, %dma_start3A_27] : memref<2x800000xi32, #tpu.memory_space<hbm>> -> memref<1x800000xi32, #tpu.memory_space<hbm>>
      %dma_start3A_29 = tpu.memref_squeeze %dma_start3A_28 : memref<1x800000xi32, #tpu.memory_space<hbm>> -> memref<800000xi32, #tpu.memory_space<hbm>>
      %dma_start3A_30 = tpu.memref_slice %dma_start3A_29[%add3A_3] : memref<800000xi32, #tpu.memory_space<hbm>> -> memref<200xi32, #tpu.memory_space<hbm>>
      %dma_start3A_31 = arith.constant 0 : i32
      %dma_start3A_32 = tpu.memref_slice %arg5[%run_scoped3A_4, %dma_start3A_31] : memref<2x200xi32, #tpu.memory_space<vmem>> -> memref<1x200xi32, #tpu.memory_space<vmem>>
      %dma_start3A_33 = tpu.memref_squeeze %dma_start3A_32 : memref<1x200xi32, #tpu.memory_space<vmem>> -> memref<200xi32, #tpu.memory_space<vmem>>
      %dma_start3A_34 = arith.constant 0 : i32
      %dma_start3A_35 = tpu.memref_slice %arg3[%run_scoped3A, %dma_start3A_34] : memref<2x800000xi32, #tpu.memory_space<hbm>> -> memref<1x800000xi32, #tpu.memory_space<hbm>>
      %dma_start3A_36 = tpu.memref_squeeze %dma_start3A_35 : memref<1x800000xi32, #tpu.memory_space<hbm>> -> memref<800000xi32, #tpu.memory_space<hbm>>
      %dma_start3A_37 = tpu.memref_slice %dma_start3A_36[%add3A_3] : memref<800000xi32, #tpu.memory_space<hbm>> -> memref<200xi32, #tpu.memory_space<hbm>>
      tpu.enqueue_dma source(%dma_start3A_37 : memref<200xi32, #tpu.memory_space<hbm>>) target(%dma_start3A_33 : memref<200xi32, #tpu.memory_space<vmem>>) target_semaphore(%run_scoped3A_23 : memref<!tpu.dma_semaphore, #tpu.memory_space<semaphore_mem>>)
      %dma_wait3A = arith.constant 0 : i32
      %dma_wait3A_38 = tpu.memref_slice %arg5[%run_scoped3A_4, %dma_wait3A] : memref<2x200xi32, #tpu.memory_space<vmem>> -> memref<1x200xi32, #tpu.memory_space<vmem>>
      %dma_wait3A_39 = tpu.memref_squeeze %dma_wait3A_38 : memref<1x200xi32, #tpu.memory_space<vmem>> -> memref<200xi32, #tpu.memory_space<vmem>>
      %dma_wait3A_40 = arith.constant 0 : i32
      %dma_wait3A_41 = tpu.memref_slice %arg3[%run_scoped3A, %dma_wait3A_40] : memref<2x800000xi32, #tpu.memory_space<hbm>> -> memref<1x800000xi32, #tpu.memory_space<hbm>>
      %dma_wait3A_42 = tpu.memref_squeeze %dma_wait3A_41 : memref<1x800000xi32, #tpu.memory_space<hbm>> -> memref<800000xi32, #tpu.memory_space<hbm>>
      %dma_wait3A_43 = tpu.memref_slice %dma_wait3A_42[%add3A_3] : memref<800000xi32, #tpu.memory_space<hbm>> -> memref<200xi32, #tpu.memory_space<hbm>>
      %dma_wait3A_44 = arith.constant 0 : i32
      %dma_wait3A_45 = tpu.memref_slice %arg5[%run_scoped3A_4, %dma_wait3A_44] : memref<2x200xi32, #tpu.memory_space<vmem>> -> memref<1x200xi32, #tpu.memory_space<vmem>>
      %dma_wait3A_46 = tpu.memref_squeeze %dma_wait3A_45 : memref<1x200xi32, #tpu.memory_space<vmem>> -> memref<200xi32, #tpu.memory_space<vmem>>
      %dma_wait3A_47 = arith.constant 0 : i32
      %dma_wait3A_48 = tpu.memref_slice %arg3[%run_scoped3A, %dma_wait3A_47] : memref<2x800000xi32, #tpu.memory_space<hbm>> -> memref<1x800000xi32, #tpu.memory_space<hbm>>
      %dma_wait3A_49 = tpu.memref_squeeze %dma_wait3A_48 : memref<1x800000xi32, #tpu.memory_space<hbm>> -> memref<800000xi32, #tpu.memory_space<hbm>>
      %dma_wait3A_50 = tpu.memref_slice %dma_wait3A_49[%add3A_3] : memref<800000xi32, #tpu.memory_space<hbm>> -> memref<200xi32, #tpu.memory_space<hbm>>
      tpu.wait_dma2 semaphore(%run_scoped3A_23 : memref<!tpu.dma_semaphore, #tpu.memory_space<semaphore_mem>>) src(%dma_wait3A_50 : memref<200xi32, #tpu.memory_space<hbm>>) dst(%dma_wait3A_46 : memref<200xi32, #tpu.memory_space<vmem>>)
      tpu.yield
    }) : () -> ()
    %run_scoped3A_5 = arith.constant 1 : i32
    %run_scoped3A_6 = arith.constant 1 : i32
    "tpu.region"() ({
      %run_scoped3A_23 = tpu.sem_alloc : memref<!tpu.dma_semaphore, #tpu.memory_space<semaphore_mem>>
      %dma_start3A_24 = arith.constant 0 : i32
      %dma_start3A_25 = tpu.memref_slice %arg5[%run_scoped3A_6, %dma_start3A_24] : memref<2x200xi32, #tpu.memory_space<vmem>> -> memref<1x200xi32, #tpu.memory_space<vmem>>
      %dma_start3A_26 = tpu.memref_squeeze %dma_start3A_25 : memref<1x200xi32, #tpu.memory_space<vmem>> -> memref<200xi32, #tpu.memory_space<vmem>>
      %dma_start3A_27 = arith.constant 0 : i32
      %dma_start3A_28 = tpu.memref_slice %arg3[%run_scoped3A_5, %dma_start3A_27] : memref<2x800000xi32, #tpu.memory_space<hbm>> -> memref<1x800000xi32, #tpu.memory_space<hbm>>
      %dma_start3A_29 = tpu.memref_squeeze %dma_start3A_28 : memref<1x800000xi32, #tpu.memory_space<hbm>> -> memref<800000xi32, #tpu.memory_space<hbm>>
      %dma_start3A_30 = tpu.memref_slice %dma_start3A_29[%add3A_3] : memref<800000xi32, #tpu.memory_space<hbm>> -> memref<200xi32, #tpu.memory_space<hbm>>
      %dma_start3A_31 = arith.constant 0 : i32
      %dma_start3A_32 = tpu.memref_slice %arg5[%run_scoped3A_6, %dma_start3A_31] : memref<2x200xi32, #tpu.memory_space<vmem>> -> memref<1x200xi32, #tpu.memory_space<vmem>>
      %dma_start3A_33 = tpu.memref_squeeze %dma_start3A_32 : memref<1x200xi32, #tpu.memory_space<vmem>> -> memref<200xi32, #tpu.memory_space<vmem>>
      %dma_start3A_34 = arith.constant 0 : i32
      %dma_start3A_35 = tpu.memref_slice %arg3[%run_scoped3A_5, %dma_start3A_34] : memref<2x800000xi32, #tpu.memory_space<hbm>> -> memref<1x800000xi32, #tpu.memory_space<hbm>>
      %dma_start3A_36 = tpu.memref_squeeze %dma_start3A_35 : memref<1x800000xi32, #tpu.memory_space<hbm>> -> memref<800000xi32, #tpu.memory_space<hbm>>
      %dma_start3A_37 = tpu.memref_slice %dma_start3A_36[%add3A_3] : memref<800000xi32, #tpu.memory_space<hbm>> -> memref<200xi32, #tpu.memory_space<hbm>>
      tpu.enqueue_dma source(%dma_start3A_37 : memref<200xi32, #tpu.memory_space<hbm>>) target(%dma_start3A_33 : memref<200xi32, #tpu.memory_space<vmem>>) target_semaphore(%run_scoped3A_23 : memref<!tpu.dma_semaphore, #tpu.memory_space<semaphore_mem>>)
      %dma_wait3A = arith.constant 0 : i32
      %dma_wait3A_38 = tpu.memref_slice %arg5[%run_scoped3A_6, %dma_wait3A] : memref<2x200xi32, #tpu.memory_space<vmem>> -> memref<1x200xi32, #tpu.memory_space<vmem>>
      %dma_wait3A_39 = tpu.memref_squeeze %dma_wait3A_38 : memref<1x200xi32, #tpu.memory_space<vmem>> -> memref<200xi32, #tpu.memory_space<vmem>>
      %dma_wait3A_40 = arith.constant 0 : i32
      %dma_wait3A_41 = tpu.memref_slice %arg3[%run_scoped3A_5, %dma_wait3A_40] : memref<2x800000xi32, #tpu.memory_space<hbm>> -> memref<1x800000xi32, #tpu.memory_space<hbm>>
      %dma_wait3A_42 = tpu.memref_squeeze %dma_wait3A_41 : memref<1x800000xi32, #tpu.memory_space<hbm>> -> memref<800000xi32, #tpu.memory_space<hbm>>
      %dma_wait3A_43 = tpu.memref_slice %dma_wait3A_42[%add3A_3] : memref<800000xi32, #tpu.memory_space<hbm>> -> memref<200xi32, #tpu.memory_space<hbm>>
      %dma_wait3A_44 = arith.constant 0 : i32
      %dma_wait3A_45 = tpu.memref_slice %arg5[%run_scoped3A_6, %dma_wait3A_44] : memref<2x200xi32, #tpu.memory_space<vmem>> -> memref<1x200xi32, #tpu.memory_space<vmem>>
      %dma_wait3A_46 = tpu.memref_squeeze %dma_wait3A_45 : memref<1x200xi32, #tpu.memory_space<vmem>> -> memref<200xi32, #tpu.memory_space<vmem>>
      %dma_wait3A_47 = arith.constant 0 : i32
      %dma_wait3A_48 = tpu.memref_slice %arg3[%run_scoped3A_5, %dma_wait3A_47] : memref<2x800000xi32, #tpu.memory_space<hbm>> -> memref<1x800000xi32, #tpu.memory_space<hbm>>
      %dma_wait3A_49 = tpu.memref_squeeze %dma_wait3A_48 : memref<1x800000xi32, #tpu.memory_space<hbm>> -> memref<800000xi32, #tpu.memory_space<hbm>>
      %dma_wait3A_50 = tpu.memref_slice %dma_wait3A_49[%add3A_3] : memref<800000xi32, #tpu.memory_space<hbm>> -> memref<200xi32, #tpu.memory_space<hbm>>
      tpu.wait_dma2 semaphore(%run_scoped3A_23 : memref<!tpu.dma_semaphore, #tpu.memory_space<semaphore_mem>>) src(%dma_wait3A_50 : memref<200xi32, #tpu.memory_space<hbm>>) dst(%dma_wait3A_46 : memref<200xi32, #tpu.memory_space<vmem>>)
      tpu.yield
    }) : () -> ()
    %dma_start3A = arith.constant 0 : i32
    %dma_start3A_7 = arith.constant 0 : i32
    %dma_start3A_8 = tpu.memref_slice %arg5[%dma_start3A, %dma_start3A_7] : memref<2x200xi32, #tpu.memory_space<vmem>> -> memref<1x200xi32, #tpu.memory_space<vmem>>
    %dma_start3A_9 = tpu.memref_squeeze %dma_start3A_8 : memref<1x200xi32, #tpu.memory_space<vmem>> -> memref<200xi32, #tpu.memory_space<vmem>>
    %dma_start3A_10 = arith.constant 0 : i32
    %dma_start3A_11 = arith.constant 0 : i32
    %dma_start3A_12 = tpu.memref_slice %arg2[%arg0, %dma_start3A_10, %dma_start3A_11] : memref<2x50176x32xf32, #tpu.memory_space<hbm>> -> memref<1x50176x32xf32, #tpu.memory_space<hbm>>
    %dma_start3A_13 = tpu.memref_squeeze %dma_start3A_12 : memref<1x50176x32xf32, #tpu.memory_space<hbm>> -> memref<50176x32xf32, #tpu.memory_space<hbm>>
    %dma_start3A_14 = arith.constant 0 : i32
    %dma_start3A_15 = arith.constant 0 : i32
    %dma_start3A_16 = tpu.memref_slice %dma_start3A_13[%dma_start3A_14, %dma_start3A_15] : memref<50176x32xf32, #tpu.memory_space<hbm>> -> memref<50176x32xf32, #tpu.memory_space<hbm>>
    tpu.enqueue_indirect_dma source(%dma_start3A_16 : memref<50176x32xf32, #tpu.memory_space<hbm>>) target(%arg7 : memref<200x32xf32, #tpu.memory_space<vmem>>) offsets(%dma_start3A_9 : memref<200xi32, #tpu.memory_space<vmem>>) semaphore(%arg10 : memref<!tpu.dma_semaphore, #tpu.memory_space<semaphore_mem>>)
    %scan3A = arith.constant 0 : i32
    %scan3A_17 = arith.constant 0 : i32
    %scan3A_18 = arith.constant 125 : i32
    %scan3A_19 = arith.addi %scan3A_17, %scan3A_18 : i32
    %scan3A_20 = arith.constant 1 : i32
    scf.for %scan3A_23 = %scan3A_17 to %scan3A_19 step %scan3A_20  : i32 {
      %mul3A_24 = arith.constant 2 : i32
      %mul3A_25 = arith.muli %mul3A_24, %scan3A_23 : i32
      %add3A_26 = arith.constant 1 : i32
      %add3A_27 = arith.addi %mul3A_25, %add3A_26 : i32
      %mul3A_28 = arith.constant 200 : i32
      %mul3A_29 = arith.muli %add3A_27, %mul3A_28 : i32
      %add3A_30 = arith.addi %mul3A_2, %mul3A_29 : i32
      %run_scoped3A_31 = arith.constant 0 : i32
      %run_scoped3A_32 = arith.constant 0 : i32
      "tpu.region"() ({
        %run_scoped3A_106 = tpu.sem_alloc : memref<!tpu.dma_semaphore, #tpu.memory_space<semaphore_mem>>
        %dma_start3A_107 = arith.constant 0 : i32
        %dma_start3A_108 = tpu.memref_slice %arg6[%run_scoped3A_32, %dma_start3A_107] : memref<2x200xi32, #tpu.memory_space<vmem>> -> memref<1x200xi32, #tpu.memory_space<vmem>>
        %dma_start3A_109 = tpu.memref_squeeze %dma_start3A_108 : memref<1x200xi32, #tpu.memory_space<vmem>> -> memref<200xi32, #tpu.memory_space<vmem>>
        %dma_start3A_110 = arith.constant 0 : i32
        %dma_start3A_111 = tpu.memref_slice %arg3[%run_scoped3A_31, %dma_start3A_110] : memref<2x800000xi32, #tpu.memory_space<hbm>> -> memref<1x800000xi32, #tpu.memory_space<hbm>>
        %dma_start3A_112 = tpu.memref_squeeze %dma_start3A_111 : memref<1x800000xi32, #tpu.memory_space<hbm>> -> memref<800000xi32, #tpu.memory_space<hbm>>
        %dma_start3A_113 = tpu.memref_slice %dma_start3A_112[%add3A_30] : memref<800000xi32, #tpu.memory_space<hbm>> -> memref<200xi32, #tpu.memory_space<hbm>>
        %dma_start3A_114 = arith.constant 0 : i32
        %dma_start3A_115 = tpu.memref_slice %arg6[%run_scoped3A_32, %dma_start3A_114] : memref<2x200xi32, #tpu.memory_space<vmem>> -> memref<1x200xi32, #tpu.memory_space<vmem>>
        %dma_start3A_116 = tpu.memref_squeeze %dma_start3A_115 : memref<1x200xi32, #tpu.memory_space<vmem>> -> memref<200xi32, #tpu.memory_space<vmem>>
        %dma_start3A_117 = arith.constant 0 : i32
        %dma_start3A_118 = tpu.memref_slice %arg3[%run_scoped3A_31, %dma_start3A_117] : memref<2x800000xi32, #tpu.memory_space<hbm>> -> memref<1x800000xi32, #tpu.memory_space<hbm>>
        %dma_start3A_119 = tpu.memref_squeeze %dma_start3A_118 : memref<1x800000xi32, #tpu.memory_space<hbm>> -> memref<800000xi32, #tpu.memory_space<hbm>>
        %dma_start3A_120 = tpu.memref_slice %dma_start3A_119[%add3A_30] : memref<800000xi32, #tpu.memory_space<hbm>> -> memref<200xi32, #tpu.memory_space<hbm>>
        tpu.enqueue_dma source(%dma_start3A_120 : memref<200xi32, #tpu.memory_space<hbm>>) target(%dma_start3A_116 : memref<200xi32, #tpu.memory_space<vmem>>) target_semaphore(%run_scoped3A_106 : memref<!tpu.dma_semaphore, #tpu.memory_space<semaphore_mem>>)
        %dma_wait3A_121 = arith.constant 0 : i32
        %dma_wait3A_122 = tpu.memref_slice %arg6[%run_scoped3A_32, %dma_wait3A_121] : memref<2x200xi32, #tpu.memory_space<vmem>> -> memref<1x200xi32, #tpu.memory_space<vmem>>
        %dma_wait3A_123 = tpu.memref_squeeze %dma_wait3A_122 : memref<1x200xi32, #tpu.memory_space<vmem>> -> memref<200xi32, #tpu.memory_space<vmem>>
        %dma_wait3A_124 = arith.constant 0 : i32
        %dma_wait3A_125 = tpu.memref_slice %arg3[%run_scoped3A_31, %dma_wait3A_124] : memref<2x800000xi32, #tpu.memory_space<hbm>> -> memref<1x800000xi32, #tpu.memory_space<hbm>>
        %dma_wait3A_126 = tpu.memref_squeeze %dma_wait3A_125 : memref<1x800000xi32, #tpu.memory_space<hbm>> -> memref<800000xi32, #tpu.memory_space<hbm>>
        %dma_wait3A_127 = tpu.memref_slice %dma_wait3A_126[%add3A_30] : memref<800000xi32, #tpu.memory_space<hbm>> -> memref<200xi32, #tpu.memory_space<hbm>>
        %dma_wait3A_128 = arith.constant 0 : i32
        %dma_wait3A_129 = tpu.memref_slice %arg6[%run_scoped3A_32, %dma_wait3A_128] : memref<2x200xi32, #tpu.memory_space<vmem>> -> memref<1x200xi32, #tpu.memory_space<vmem>>
        %dma_wait3A_130 = tpu.memref_squeeze %dma_wait3A_129 : memref<1x200xi32, #tpu.memory_space<vmem>> -> memref<200xi32, #tpu.memory_space<vmem>>
        %dma_wait3A_131 = arith.constant 0 : i32
        %dma_wait3A_132 = tpu.memref_slice %arg3[%run_scoped3A_31, %dma_wait3A_131] : memref<2x800000xi32, #tpu.memory_space<hbm>> -> memref<1x800000xi32, #tpu.memory_space<hbm>>
        %dma_wait3A_133 = tpu.memref_squeeze %dma_wait3A_132 : memref<1x800000xi32, #tpu.memory_space<hbm>> -> memref<800000xi32, #tpu.memory_space<hbm>>
        %dma_wait3A_134 = tpu.memref_slice %dma_wait3A_133[%add3A_30] : memref<800000xi32, #tpu.memory_space<hbm>> -> memref<200xi32, #tpu.memory_space<hbm>>
        tpu.wait_dma2 semaphore(%run_scoped3A_106 : memref<!tpu.dma_semaphore, #tpu.memory_space<semaphore_mem>>) src(%dma_wait3A_134 : memref<200xi32, #tpu.memory_space<hbm>>) dst(%dma_wait3A_130 : memref<200xi32, #tpu.memory_space<vmem>>)
        tpu.yield
      }) : () -> ()
      %run_scoped3A_33 = arith.constant 1 : i32
      %run_scoped3A_34 = arith.constant 1 : i32
      "tpu.region"() ({
        %run_scoped3A_106 = tpu.sem_alloc : memref<!tpu.dma_semaphore, #tpu.memory_space<semaphore_mem>>
        %dma_start3A_107 = arith.constant 0 : i32
        %dma_start3A_108 = tpu.memref_slice %arg6[%run_scoped3A_34, %dma_start3A_107] : memref<2x200xi32, #tpu.memory_space<vmem>> -> memref<1x200xi32, #tpu.memory_space<vmem>>
        %dma_start3A_109 = tpu.memref_squeeze %dma_start3A_108 : memref<1x200xi32, #tpu.memory_space<vmem>> -> memref<200xi32, #tpu.memory_space<vmem>>
        %dma_start3A_110 = arith.constant 0 : i32
        %dma_start3A_111 = tpu.memref_slice %arg3[%run_scoped3A_33, %dma_start3A_110] : memref<2x800000xi32, #tpu.memory_space<hbm>> -> memref<1x800000xi32, #tpu.memory_space<hbm>>
        %dma_start3A_112 = tpu.memref_squeeze %dma_start3A_111 : memref<1x800000xi32, #tpu.memory_space<hbm>> -> memref<800000xi32, #tpu.memory_space<hbm>>
        %dma_start3A_113 = tpu.memref_slice %dma_start3A_112[%add3A_30] : memref<800000xi32, #tpu.memory_space<hbm>> -> memref<200xi32, #tpu.memory_space<hbm>>
        %dma_start3A_114 = arith.constant 0 : i32
        %dma_start3A_115 = tpu.memref_slice %arg6[%run_scoped3A_34, %dma_start3A_114] : memref<2x200xi32, #tpu.memory_space<vmem>> -> memref<1x200xi32, #tpu.memory_space<vmem>>
        %dma_start3A_116 = tpu.memref_squeeze %dma_start3A_115 : memref<1x200xi32, #tpu.memory_space<vmem>> -> memref<200xi32, #tpu.memory_space<vmem>>
        %dma_start3A_117 = arith.constant 0 : i32
        %dma_start3A_118 = tpu.memref_slice %arg3[%run_scoped3A_33, %dma_start3A_117] : memref<2x800000xi32, #tpu.memory_space<hbm>> -> memref<1x800000xi32, #tpu.memory_space<hbm>>
        %dma_start3A_119 = tpu.memref_squeeze %dma_start3A_118 : memref<1x800000xi32, #tpu.memory_space<hbm>> -> memref<800000xi32, #tpu.memory_space<hbm>>
        %dma_start3A_120 = tpu.memref_slice %dma_start3A_119[%add3A_30] : memref<800000xi32, #tpu.memory_space<hbm>> -> memref<200xi32, #tpu.memory_space<hbm>>
        tpu.enqueue_dma source(%dma_start3A_120 : memref<200xi32, #tpu.memory_space<hbm>>) target(%dma_start3A_116 : memref<200xi32, #tpu.memory_space<vmem>>) target_semaphore(%run_scoped3A_106 : memref<!tpu.dma_semaphore, #tpu.memory_space<semaphore_mem>>)
        %dma_wait3A_121 = arith.constant 0 : i32
        %dma_wait3A_122 = tpu.memref_slice %arg6[%run_scoped3A_34, %dma_wait3A_121] : memref<2x200xi32, #tpu.memory_space<vmem>> -> memref<1x200xi32, #tpu.memory_space<vmem>>
        %dma_wait3A_123 = tpu.memref_squeeze %dma_wait3A_122 : memref<1x200xi32, #tpu.memory_space<vmem>> -> memref<200xi32, #tpu.memory_space<vmem>>
        %dma_wait3A_124 = arith.constant 0 : i32
        %dma_wait3A_125 = tpu.memref_slice %arg3[%run_scoped3A_33, %dma_wait3A_124] : memref<2x800000xi32, #tpu.memory_space<hbm>> -> memref<1x800000xi32, #tpu.memory_space<hbm>>
        %dma_wait3A_126 = tpu.memref_squeeze %dma_wait3A_125 : memref<1x800000xi32, #tpu.memory_space<hbm>> -> memref<800000xi32, #tpu.memory_space<hbm>>
        %dma_wait3A_127 = tpu.memref_slice %dma_wait3A_126[%add3A_30] : memref<800000xi32, #tpu.memory_space<hbm>> -> memref<200xi32, #tpu.memory_space<hbm>>
        %dma_wait3A_128 = arith.constant 0 : i32
        %dma_wait3A_129 = tpu.memref_slice %arg6[%run_scoped3A_34, %dma_wait3A_128] : memref<2x200xi32, #tpu.memory_space<vmem>> -> memref<1x200xi32, #tpu.memory_space<vmem>>
        %dma_wait3A_130 = tpu.memref_squeeze %dma_wait3A_129 : memref<1x200xi32, #tpu.memory_space<vmem>> -> memref<200xi32, #tpu.memory_space<vmem>>
        %dma_wait3A_131 = arith.constant 0 : i32
        %dma_wait3A_132 = tpu.memref_slice %arg3[%run_scoped3A_33, %dma_wait3A_131] : memref<2x800000xi32, #tpu.memory_space<hbm>> -> memref<1x800000xi32, #tpu.memory_space<hbm>>
        %dma_wait3A_133 = tpu.memref_squeeze %dma_wait3A_132 : memref<1x800000xi32, #tpu.memory_space<hbm>> -> memref<800000xi32, #tpu.memory_space<hbm>>
        %dma_wait3A_134 = tpu.memref_slice %dma_wait3A_133[%add3A_30] : memref<800000xi32, #tpu.memory_space<hbm>> -> memref<200xi32, #tpu.memory_space<hbm>>
        tpu.wait_dma2 semaphore(%run_scoped3A_106 : memref<!tpu.dma_semaphore, #tpu.memory_space<semaphore_mem>>) src(%dma_wait3A_134 : memref<200xi32, #tpu.memory_space<hbm>>) dst(%dma_wait3A_130 : memref<200xi32, #tpu.memory_space<vmem>>)
        tpu.yield
      }) : () -> ()
      %dma_wait3A = arith.constant 0 : i32
      %dma_wait3A_35 = arith.constant 0 : i32
      %dma_wait3A_36 = tpu.memref_slice %arg5[%dma_wait3A, %dma_wait3A_35] : memref<2x200xi32, #tpu.memory_space<vmem>> -> memref<1x200xi32, #tpu.memory_space<vmem>>
      %dma_wait3A_37 = tpu.memref_squeeze %dma_wait3A_36 : memref<1x200xi32, #tpu.memory_space<vmem>> -> memref<200xi32, #tpu.memory_space<vmem>>
      %dma_wait3A_38 = arith.constant 0 : i32
      %dma_wait3A_39 = arith.constant 0 : i32
      %dma_wait3A_40 = tpu.memref_slice %arg2[%arg0, %dma_wait3A_38, %dma_wait3A_39] : memref<2x50176x32xf32, #tpu.memory_space<hbm>> -> memref<1x50176x32xf32, #tpu.memory_space<hbm>>
      %dma_wait3A_41 = tpu.memref_squeeze %dma_wait3A_40 : memref<1x50176x32xf32, #tpu.memory_space<hbm>> -> memref<50176x32xf32, #tpu.memory_space<hbm>>
      %dma_wait3A_42 = arith.constant 0 : i32
      %dma_wait3A_43 = arith.constant 0 : i32
      %dma_wait3A_44 = tpu.memref_slice %dma_wait3A_41[%dma_wait3A_42, %dma_wait3A_43] : memref<50176x32xf32, #tpu.memory_space<hbm>> -> memref<50176x32xf32, #tpu.memory_space<hbm>>
      tpu.wait_indirect_dma semaphore(%arg10 : memref<!tpu.dma_semaphore, #tpu.memory_space<semaphore_mem>>) src(%dma_wait3A_44 : memref<50176x32xf32, #tpu.memory_space<hbm>>) dst(%arg7 : memref<200x32xf32, #tpu.memory_space<vmem>>)
      %dma_start3A_45 = arith.constant 1 : i32
      %dma_start3A_46 = arith.constant 0 : i32
      %dma_start3A_47 = tpu.memref_slice %arg5[%dma_start3A_45, %dma_start3A_46] : memref<2x200xi32, #tpu.memory_space<vmem>> -> memref<1x200xi32, #tpu.memory_space<vmem>>
      %dma_start3A_48 = tpu.memref_squeeze %dma_start3A_47 : memref<1x200xi32, #tpu.memory_space<vmem>> -> memref<200xi32, #tpu.memory_space<vmem>>
      %dma_start3A_49 = arith.constant 0 : i32
      %dma_start3A_50 = arith.constant 0 : i32
      %dma_start3A_51 = tpu.memref_slice %arg9[%dma_start3A_49, %dma_start3A_50] : memref<50176x32xf32, #tpu.memory_space<vmem_shared>> -> memref<50176x32xf32, #tpu.memory_space<vmem_shared>>
      tpu.enqueue_indirect_dma source(%arg7 : memref<200x32xf32, #tpu.memory_space<vmem>>) target(%dma_start3A_51 : memref<50176x32xf32, #tpu.memory_space<vmem_shared>>) offsets(%dma_start3A_48 : memref<200xi32, #tpu.memory_space<vmem>>) semaphore(%arg12 : memref<!tpu.dma_semaphore, #tpu.memory_space<semaphore_mem>>) {add = true}
      %dma_start3A_52 = arith.constant 0 : i32
      %dma_start3A_53 = arith.constant 0 : i32
      %dma_start3A_54 = tpu.memref_slice %arg6[%dma_start3A_52, %dma_start3A_53] : memref<2x200xi32, #tpu.memory_space<vmem>> -> memref<1x200xi32, #tpu.memory_space<vmem>>
      %dma_start3A_55 = tpu.memref_squeeze %dma_start3A_54 : memref<1x200xi32, #tpu.memory_space<vmem>> -> memref<200xi32, #tpu.memory_space<vmem>>
      %dma_start3A_56 = arith.constant 0 : i32
      %dma_start3A_57 = arith.constant 0 : i32
      %dma_start3A_58 = tpu.memref_slice %arg2[%arg0, %dma_start3A_56, %dma_start3A_57] : memref<2x50176x32xf32, #tpu.memory_space<hbm>> -> memref<1x50176x32xf32, #tpu.memory_space<hbm>>
      %dma_start3A_59 = tpu.memref_squeeze %dma_start3A_58 : memref<1x50176x32xf32, #tpu.memory_space<hbm>> -> memref<50176x32xf32, #tpu.memory_space<hbm>>
      %dma_start3A_60 = arith.constant 0 : i32
      %dma_start3A_61 = arith.constant 0 : i32
      %dma_start3A_62 = tpu.memref_slice %dma_start3A_59[%dma_start3A_60, %dma_start3A_61] : memref<50176x32xf32, #tpu.memory_space<hbm>> -> memref<50176x32xf32, #tpu.memory_space<hbm>>
      tpu.enqueue_indirect_dma source(%dma_start3A_62 : memref<50176x32xf32, #tpu.memory_space<hbm>>) target(%arg8 : memref<200x32xf32, #tpu.memory_space<vmem>>) offsets(%dma_start3A_55 : memref<200xi32, #tpu.memory_space<vmem>>) semaphore(%arg11 : memref<!tpu.dma_semaphore, #tpu.memory_space<semaphore_mem>>)
      %dma_wait3A_63 = arith.constant 1 : i32
      %dma_wait3A_64 = arith.constant 0 : i32
      %dma_wait3A_65 = tpu.memref_slice %arg5[%dma_wait3A_63, %dma_wait3A_64] : memref<2x200xi32, #tpu.memory_space<vmem>> -> memref<1x200xi32, #tpu.memory_space<vmem>>
      %dma_wait3A_66 = tpu.memref_squeeze %dma_wait3A_65 : memref<1x200xi32, #tpu.memory_space<vmem>> -> memref<200xi32, #tpu.memory_space<vmem>>
      %dma_wait3A_67 = arith.constant 0 : i32
      %dma_wait3A_68 = arith.constant 0 : i32
      %dma_wait3A_69 = tpu.memref_slice %arg9[%dma_wait3A_67, %dma_wait3A_68] : memref<50176x32xf32, #tpu.memory_space<vmem_shared>> -> memref<50176x32xf32, #tpu.memory_space<vmem_shared>>
      tpu.wait_indirect_dma semaphore(%arg12 : memref<!tpu.dma_semaphore, #tpu.memory_space<semaphore_mem>>) src(%arg7 : memref<200x32xf32, #tpu.memory_space<vmem>>) dst(%dma_wait3A_69 : memref<50176x32xf32, #tpu.memory_space<vmem_shared>>)
      %add3A_70 = arith.constant 1 : i32
      %add3A_71 = arith.addi %scan3A_23, %add3A_70 : i32
      %lt3A = arith.constant 125 : i32
      %lt3A_72 = arith.cmpi slt, %add3A_71, %lt3A : i32
      %convert_element_type3A = arith.extui %lt3A_72 : i1 to i32
      %cond3A = arith.constant 0 : i32
      %cond3A_73 = arith.cmpi ne, %convert_element_type3A, %cond3A : i32
      scf.if %cond3A_73 {
        %add3A_106 = arith.constant 2 : i32
        %add3A_107 = arith.addi %mul3A_25, %add3A_106 : i32
        %mul3A_108 = arith.constant 200 : i32
        %mul3A_109 = arith.muli %add3A_107, %mul3A_108 : i32
        %add3A_110 = arith.addi %mul3A_2, %mul3A_109 : i32
        %run_scoped3A_111 = arith.constant 0 : i32
        %run_scoped3A_112 = arith.constant 0 : i32
        "tpu.region"() ({
          %run_scoped3A_115 = tpu.sem_alloc : memref<!tpu.dma_semaphore, #tpu.memory_space<semaphore_mem>>
          %dma_start3A_116 = arith.constant 0 : i32
          %dma_start3A_117 = tpu.memref_slice %arg5[%run_scoped3A_112, %dma_start3A_116] : memref<2x200xi32, #tpu.memory_space<vmem>> -> memref<1x200xi32, #tpu.memory_space<vmem>>
          %dma_start3A_118 = tpu.memref_squeeze %dma_start3A_117 : memref<1x200xi32, #tpu.memory_space<vmem>> -> memref<200xi32, #tpu.memory_space<vmem>>
          %dma_start3A_119 = arith.constant 0 : i32
          %dma_start3A_120 = tpu.memref_slice %arg3[%run_scoped3A_111, %dma_start3A_119] : memref<2x800000xi32, #tpu.memory_space<hbm>> -> memref<1x800000xi32, #tpu.memory_space<hbm>>
          %dma_start3A_121 = tpu.memref_squeeze %dma_start3A_120 : memref<1x800000xi32, #tpu.memory_space<hbm>> -> memref<800000xi32, #tpu.memory_space<hbm>>
          %dma_start3A_122 = tpu.memref_slice %dma_start3A_121[%add3A_110] : memref<800000xi32, #tpu.memory_space<hbm>> -> memref<200xi32, #tpu.memory_space<hbm>>
          %dma_start3A_123 = arith.constant 0 : i32
          %dma_start3A_124 = tpu.memref_slice %arg5[%run_scoped3A_112, %dma_start3A_123] : memref<2x200xi32, #tpu.memory_space<vmem>> -> memref<1x200xi32, #tpu.memory_space<vmem>>
          %dma_start3A_125 = tpu.memref_squeeze %dma_start3A_124 : memref<1x200xi32, #tpu.memory_space<vmem>> -> memref<200xi32, #tpu.memory_space<vmem>>
          %dma_start3A_126 = arith.constant 0 : i32
          %dma_start3A_127 = tpu.memref_slice %arg3[%run_scoped3A_111, %dma_start3A_126] : memref<2x800000xi32, #tpu.memory_space<hbm>> -> memref<1x800000xi32, #tpu.memory_space<hbm>>
          %dma_start3A_128 = tpu.memref_squeeze %dma_start3A_127 : memref<1x800000xi32, #tpu.memory_space<hbm>> -> memref<800000xi32, #tpu.memory_space<hbm>>
          %dma_start3A_129 = tpu.memref_slice %dma_start3A_128[%add3A_110] : memref<800000xi32, #tpu.memory_space<hbm>> -> memref<200xi32, #tpu.memory_space<hbm>>
          tpu.enqueue_dma source(%dma_start3A_129 : memref<200xi32, #tpu.memory_space<hbm>>) target(%dma_start3A_125 : memref<200xi32, #tpu.memory_space<vmem>>) target_semaphore(%run_scoped3A_115 : memref<!tpu.dma_semaphore, #tpu.memory_space<semaphore_mem>>)
          %dma_wait3A_130 = arith.constant 0 : i32
          %dma_wait3A_131 = tpu.memref_slice %arg5[%run_scoped3A_112, %dma_wait3A_130] : memref<2x200xi32, #tpu.memory_space<vmem>> -> memref<1x200xi32, #tpu.memory_space<vmem>>
          %dma_wait3A_132 = tpu.memref_squeeze %dma_wait3A_131 : memref<1x200xi32, #tpu.memory_space<vmem>> -> memref<200xi32, #tpu.memory_space<vmem>>
          %dma_wait3A_133 = arith.constant 0 : i32
          %dma_wait3A_134 = tpu.memref_slice %arg3[%run_scoped3A_111, %dma_wait3A_133] : memref<2x800000xi32, #tpu.memory_space<hbm>> -> memref<1x800000xi32, #tpu.memory_space<hbm>>
          %dma_wait3A_135 = tpu.memref_squeeze %dma_wait3A_134 : memref<1x800000xi32, #tpu.memory_space<hbm>> -> memref<800000xi32, #tpu.memory_space<hbm>>
          %dma_wait3A_136 = tpu.memref_slice %dma_wait3A_135[%add3A_110] : memref<800000xi32, #tpu.memory_space<hbm>> -> memref<200xi32, #tpu.memory_space<hbm>>
          %dma_wait3A_137 = arith.constant 0 : i32
          %dma_wait3A_138 = tpu.memref_slice %arg5[%run_scoped3A_112, %dma_wait3A_137] : memref<2x200xi32, #tpu.memory_space<vmem>> -> memref<1x200xi32, #tpu.memory_space<vmem>>
          %dma_wait3A_139 = tpu.memref_squeeze %dma_wait3A_138 : memref<1x200xi32, #tpu.memory_space<vmem>> -> memref<200xi32, #tpu.memory_space<vmem>>
          %dma_wait3A_140 = arith.constant 0 : i32
          %dma_wait3A_141 = tpu.memref_slice %arg3[%run_scoped3A_111, %dma_wait3A_140] : memref<2x800000xi32, #tpu.memory_space<hbm>> -> memref<1x800000xi32, #tpu.memory_space<hbm>>
          %dma_wait3A_142 = tpu.memref_squeeze %dma_wait3A_141 : memref<1x800000xi32, #tpu.memory_space<hbm>> -> memref<800000xi32, #tpu.memory_space<hbm>>
          %dma_wait3A_143 = tpu.memref_slice %dma_wait3A_142[%add3A_110] : memref<800000xi32, #tpu.memory_space<hbm>> -> memref<200xi32, #tpu.memory_space<hbm>>
          tpu.wait_dma2 semaphore(%run_scoped3A_115 : memref<!tpu.dma_semaphore, #tpu.memory_space<semaphore_mem>>) src(%dma_wait3A_143 : memref<200xi32, #tpu.memory_space<hbm>>) dst(%dma_wait3A_139 : memref<200xi32, #tpu.memory_space<vmem>>)
          tpu.yield
        }) : () -> ()
        %run_scoped3A_113 = arith.constant 1 : i32
        %run_scoped3A_114 = arith.constant 1 : i32
        "tpu.region"() ({
          %run_scoped3A_115 = tpu.sem_alloc : memref<!tpu.dma_semaphore, #tpu.memory_space<semaphore_mem>>
          %dma_start3A_116 = arith.constant 0 : i32
          %dma_start3A_117 = tpu.memref_slice %arg5[%run_scoped3A_114, %dma_start3A_116] : memref<2x200xi32, #tpu.memory_space<vmem>> -> memref<1x200xi32, #tpu.memory_space<vmem>>
          %dma_start3A_118 = tpu.memref_squeeze %dma_start3A_117 : memref<1x200xi32, #tpu.memory_space<vmem>> -> memref<200xi32, #tpu.memory_space<vmem>>
          %dma_start3A_119 = arith.constant 0 : i32
          %dma_start3A_120 = tpu.memref_slice %arg3[%run_scoped3A_113, %dma_start3A_119] : memref<2x800000xi32, #tpu.memory_space<hbm>> -> memref<1x800000xi32, #tpu.memory_space<hbm>>
          %dma_start3A_121 = tpu.memref_squeeze %dma_start3A_120 : memref<1x800000xi32, #tpu.memory_space<hbm>> -> memref<800000xi32, #tpu.memory_space<hbm>>
          %dma_start3A_122 = tpu.memref_slice %dma_start3A_121[%add3A_110] : memref<800000xi32, #tpu.memory_space<hbm>> -> memref<200xi32, #tpu.memory_space<hbm>>
          %dma_start3A_123 = arith.constant 0 : i32
          %dma_start3A_124 = tpu.memref_slice %arg5[%run_scoped3A_114, %dma_start3A_123] : memref<2x200xi32, #tpu.memory_space<vmem>> -> memref<1x200xi32, #tpu.memory_space<vmem>>
          %dma_start3A_125 = tpu.memref_squeeze %dma_start3A_124 : memref<1x200xi32, #tpu.memory_space<vmem>> -> memref<200xi32, #tpu.memory_space<vmem>>
          %dma_start3A_126 = arith.constant 0 : i32
          %dma_start3A_127 = tpu.memref_slice %arg3[%run_scoped3A_113, %dma_start3A_126] : memref<2x800000xi32, #tpu.memory_space<hbm>> -> memref<1x800000xi32, #tpu.memory_space<hbm>>
          %dma_start3A_128 = tpu.memref_squeeze %dma_start3A_127 : memref<1x800000xi32, #tpu.memory_space<hbm>> -> memref<800000xi32, #tpu.memory_space<hbm>>
          %dma_start3A_129 = tpu.memref_slice %dma_start3A_128[%add3A_110] : memref<800000xi32, #tpu.memory_space<hbm>> -> memref<200xi32, #tpu.memory_space<hbm>>
          tpu.enqueue_dma source(%dma_start3A_129 : memref<200xi32, #tpu.memory_space<hbm>>) target(%dma_start3A_125 : memref<200xi32, #tpu.memory_space<vmem>>) target_semaphore(%run_scoped3A_115 : memref<!tpu.dma_semaphore, #tpu.memory_space<semaphore_mem>>)
          %dma_wait3A_130 = arith.constant 0 : i32
          %dma_wait3A_131 = tpu.memref_slice %arg5[%run_scoped3A_114, %dma_wait3A_130] : memref<2x200xi32, #tpu.memory_space<vmem>> -> memref<1x200xi32, #tpu.memory_space<vmem>>
          %dma_wait3A_132 = tpu.memref_squeeze %dma_wait3A_131 : memref<1x200xi32, #tpu.memory_space<vmem>> -> memref<200xi32, #tpu.memory_space<vmem>>
          %dma_wait3A_133 = arith.constant 0 : i32
          %dma_wait3A_134 = tpu.memref_slice %arg3[%run_scoped3A_113, %dma_wait3A_133] : memref<2x800000xi32, #tpu.memory_space<hbm>> -> memref<1x800000xi32, #tpu.memory_space<hbm>>
          %dma_wait3A_135 = tpu.memref_squeeze %dma_wait3A_134 : memref<1x800000xi32, #tpu.memory_space<hbm>> -> memref<800000xi32, #tpu.memory_space<hbm>>
          %dma_wait3A_136 = tpu.memref_slice %dma_wait3A_135[%add3A_110] : memref<800000xi32, #tpu.memory_space<hbm>> -> memref<200xi32, #tpu.memory_space<hbm>>
          %dma_wait3A_137 = arith.constant 0 : i32
          %dma_wait3A_138 = tpu.memref_slice %arg5[%run_scoped3A_114, %dma_wait3A_137] : memref<2x200xi32, #tpu.memory_space<vmem>> -> memref<1x200xi32, #tpu.memory_space<vmem>>
          %dma_wait3A_139 = tpu.memref_squeeze %dma_wait3A_138 : memref<1x200xi32, #tpu.memory_space<vmem>> -> memref<200xi32, #tpu.memory_space<vmem>>
          %dma_wait3A_140 = arith.constant 0 : i32
          %dma_wait3A_141 = tpu.memref_slice %arg3[%run_scoped3A_113, %dma_wait3A_140] : memref<2x800000xi32, #tpu.memory_space<hbm>> -> memref<1x800000xi32, #tpu.memory_space<hbm>>
          %dma_wait3A_142 = tpu.memref_squeeze %dma_wait3A_141 : memref<1x800000xi32, #tpu.memory_space<hbm>> -> memref<800000xi32, #tpu.memory_space<hbm>>
          %dma_wait3A_143 = tpu.memref_slice %dma_wait3A_142[%add3A_110] : memref<800000xi32, #tpu.memory_space<hbm>> -> memref<200xi32, #tpu.memory_space<hbm>>
          tpu.wait_dma2 semaphore(%run_scoped3A_115 : memref<!tpu.dma_semaphore, #tpu.memory_space<semaphore_mem>>) src(%dma_wait3A_143 : memref<200xi32, #tpu.memory_space<hbm>>) dst(%dma_wait3A_139 : memref<200xi32, #tpu.memory_space<vmem>>)
          tpu.yield
        }) : () -> ()
      } else {
      }
      %dma_wait3A_74 = arith.constant 0 : i32
      %dma_wait3A_75 = arith.constant 0 : i32
      %dma_wait3A_76 = tpu.memref_slice %arg6[%dma_wait3A_74, %dma_wait3A_75] : memref<2x200xi32, #tpu.memory_space<vmem>> -> memref<1x200xi32, #tpu.memory_space<vmem>>
      %dma_wait3A_77 = tpu.memref_squeeze %dma_wait3A_76 : memref<1x200xi32, #tpu.memory_space<vmem>> -> memref<200xi32, #tpu.memory_space<vmem>>
      %dma_wait3A_78 = arith.constant 0 : i32
      %dma_wait3A_79 = arith.constant 0 : i32
      %dma_wait3A_80 = tpu.memref_slice %arg2[%arg0, %dma_wait3A_78, %dma_wait3A_79] : memref<2x50176x32xf32, #tpu.memory_space<hbm>> -> memref<1x50176x32xf32, #tpu.memory_space<hbm>>
      %dma_wait3A_81 = tpu.memref_squeeze %dma_wait3A_80 : memref<1x50176x32xf32, #tpu.memory_space<hbm>> -> memref<50176x32xf32, #tpu.memory_space<hbm>>
      %dma_wait3A_82 = arith.constant 0 : i32
      %dma_wait3A_83 = arith.constant 0 : i32
      %dma_wait3A_84 = tpu.memref_slice %dma_wait3A_81[%dma_wait3A_82, %dma_wait3A_83] : memref<50176x32xf32, #tpu.memory_space<hbm>> -> memref<50176x32xf32, #tpu.memory_space<hbm>>
      tpu.wait_indirect_dma semaphore(%arg11 : memref<!tpu.dma_semaphore, #tpu.memory_space<semaphore_mem>>) src(%dma_wait3A_84 : memref<50176x32xf32, #tpu.memory_space<hbm>>) dst(%arg8 : memref<200x32xf32, #tpu.memory_space<vmem>>)
      %dma_start3A_85 = arith.constant 1 : i32
      %dma_start3A_86 = arith.constant 0 : i32
      %dma_start3A_87 = tpu.memref_slice %arg6[%dma_start3A_85, %dma_start3A_86] : memref<2x200xi32, #tpu.memory_space<vmem>> -> memref<1x200xi32, #tpu.memory_space<vmem>>
      %dma_start3A_88 = tpu.memref_squeeze %dma_start3A_87 : memref<1x200xi32, #tpu.memory_space<vmem>> -> memref<200xi32, #tpu.memory_space<vmem>>
      %dma_start3A_89 = arith.constant 0 : i32
      %dma_start3A_90 = arith.constant 0 : i32
      %dma_start3A_91 = tpu.memref_slice %arg9[%dma_start3A_89, %dma_start3A_90] : memref<50176x32xf32, #tpu.memory_space<vmem_shared>> -> memref<50176x32xf32, #tpu.memory_space<vmem_shared>>
      tpu.enqueue_indirect_dma source(%arg8 : memref<200x32xf32, #tpu.memory_space<vmem>>) target(%dma_start3A_91 : memref<50176x32xf32, #tpu.memory_space<vmem_shared>>) offsets(%dma_start3A_88 : memref<200xi32, #tpu.memory_space<vmem>>) semaphore(%arg13 : memref<!tpu.dma_semaphore, #tpu.memory_space<semaphore_mem>>) {add = true}
      %add3A_92 = arith.constant 1 : i32
      %add3A_93 = arith.addi %scan3A_23, %add3A_92 : i32
      %lt3A_94 = arith.constant 125 : i32
      %lt3A_95 = arith.cmpi slt, %add3A_93, %lt3A_94 : i32
      %convert_element_type3A_96 = arith.extui %lt3A_95 : i1 to i32
      %cond3A_97 = arith.constant 0 : i32
      %cond3A_98 = arith.cmpi ne, %convert_element_type3A_96, %cond3A_97 : i32
      scf.if %cond3A_98 {
        %dma_start3A_106 = arith.constant 0 : i32
        %dma_start3A_107 = arith.constant 0 : i32
        %dma_start3A_108 = tpu.memref_slice %arg5[%dma_start3A_106, %dma_start3A_107] : memref<2x200xi32, #tpu.memory_space<vmem>> -> memref<1x200xi32, #tpu.memory_space<vmem>>
        %dma_start3A_109 = tpu.memref_squeeze %dma_start3A_108 : memref<1x200xi32, #tpu.memory_space<vmem>> -> memref<200xi32, #tpu.memory_space<vmem>>
        %dma_start3A_110 = arith.constant 0 : i32
        %dma_start3A_111 = arith.constant 0 : i32
        %dma_start3A_112 = tpu.memref_slice %arg2[%arg0, %dma_start3A_110, %dma_start3A_111] : memref<2x50176x32xf32, #tpu.memory_space<hbm>> -> memref<1x50176x32xf32, #tpu.memory_space<hbm>>
        %dma_start3A_113 = tpu.memref_squeeze %dma_start3A_112 : memref<1x50176x32xf32, #tpu.memory_space<hbm>> -> memref<50176x32xf32, #tpu.memory_space<hbm>>
        %dma_start3A_114 = arith.constant 0 : i32
        %dma_start3A_115 = arith.constant 0 : i32
        %dma_start3A_116 = tpu.memref_slice %dma_start3A_113[%dma_start3A_114, %dma_start3A_115] : memref<50176x32xf32, #tpu.memory_space<hbm>> -> memref<50176x32xf32, #tpu.memory_space<hbm>>
        tpu.enqueue_indirect_dma source(%dma_start3A_116 : memref<50176x32xf32, #tpu.memory_space<hbm>>) target(%arg7 : memref<200x32xf32, #tpu.memory_space<vmem>>) offsets(%dma_start3A_109 : memref<200xi32, #tpu.memory_space<vmem>>) semaphore(%arg10 : memref<!tpu.dma_semaphore, #tpu.memory_space<semaphore_mem>>)
      } else {
      }
      %dma_wait3A_99 = arith.constant 1 : i32
      %dma_wait3A_100 = arith.constant 0 : i32
      %dma_wait3A_101 = tpu.memref_slice %arg6[%dma_wait3A_99, %dma_wait3A_100] : memref<2x200xi32, #tpu.memory_space<vmem>> -> memref<1x200xi32, #tpu.memory_space<vmem>>
      %dma_wait3A_102 = tpu.memref_squeeze %dma_wait3A_101 : memref<1x200xi32, #tpu.memory_space<vmem>> -> memref<200xi32, #tpu.memory_space<vmem>>
      %dma_wait3A_103 = arith.constant 0 : i32
      %dma_wait3A_104 = arith.constant 0 : i32
      %dma_wait3A_105 = tpu.memref_slice %arg9[%dma_wait3A_103, %dma_wait3A_104] : memref<50176x32xf32, #tpu.memory_space<vmem_shared>> -> memref<50176x32xf32, #tpu.memory_space<vmem_shared>>
      tpu.wait_indirect_dma semaphore(%arg13 : memref<!tpu.dma_semaphore, #tpu.memory_space<semaphore_mem>>) src(%arg8 : memref<200x32xf32, #tpu.memory_space<vmem>>) dst(%dma_wait3A_105 : memref<50176x32xf32, #tpu.memory_space<vmem_shared>>)
    }
    %scan3A_21 = arith.constant 125 : i32
    %barrier3A_22 = arith.constant 0 : index
    tpu.barrier barrier_id(%barrier3A_22)
    "tpu.region"() ({
      %run_scoped3A_23 = tpu.sem_alloc : memref<!tpu.dma_semaphore, #tpu.memory_space<semaphore_mem>>
      %dma_start3A_24 = arith.constant 0 : i32
      %dma_start3A_25 = arith.constant 0 : i32
      %dma_start3A_26 = tpu.memref_slice %arg4[%arg0, %dma_start3A_24, %dma_start3A_25] : memref<2x50176x32xf32, #tpu.memory_space<hbm>> -> memref<1x50176x32xf32, #tpu.memory_space<hbm>>
      %dma_start3A_27 = tpu.memref_squeeze %dma_start3A_26 : memref<1x50176x32xf32, #tpu.memory_space<hbm>> -> memref<50176x32xf32, #tpu.memory_space<hbm>>
      %dma_start3A_28 = arith.constant 0 : i32
      %dma_start3A_29 = tpu.memref_slice %dma_start3A_27[%mul3A_0, %dma_start3A_28] : memref<50176x32xf32, #tpu.memory_space<hbm>> -> memref<3136x32xf32, #tpu.memory_space<hbm>>
      %dma_start3A_30 = arith.constant 0 : i32
      %dma_start3A_31 = tpu.memref_slice %arg9[%mul3A_0, %dma_start3A_30] : memref<50176x32xf32, #tpu.memory_space<vmem_shared>> -> memref<3136x32xf32, #tpu.memory_space<vmem_shared>>
      tpu.enqueue_dma source(%dma_start3A_31 : memref<3136x32xf32, #tpu.memory_space<vmem_shared>>) target(%dma_start3A_29 : memref<3136x32xf32, #tpu.memory_space<hbm>>) target_semaphore(%run_scoped3A_23 : memref<!tpu.dma_semaphore, #tpu.memory_space<semaphore_mem>>)
      %dma_wait3A = arith.constant 0 : i32
      %dma_wait3A_32 = arith.constant 0 : i32
      %dma_wait3A_33 = tpu.memref_slice %arg4[%arg0, %dma_wait3A, %dma_wait3A_32] : memref<2x50176x32xf32, #tpu.memory_space<hbm>> -> memref<1x50176x32xf32, #tpu.memory_space<hbm>>
      %dma_wait3A_34 = tpu.memref_squeeze %dma_wait3A_33 : memref<1x50176x32xf32, #tpu.memory_space<hbm>> -> memref<50176x32xf32, #tpu.memory_space<hbm>>
      %dma_wait3A_35 = arith.constant 0 : i32
      %dma_wait3A_36 = tpu.memref_slice %dma_wait3A_34[%mul3A_0, %dma_wait3A_35] : memref<50176x32xf32, #tpu.memory_space<hbm>> -> memref<3136x32xf32, #tpu.memory_space<hbm>>
      %dma_wait3A_37 = arith.constant 0 : i32
      %dma_wait3A_38 = tpu.memref_slice %arg9[%mul3A_0, %dma_wait3A_37] : memref<50176x32xf32, #tpu.memory_space<vmem_shared>> -> memref<3136x32xf32, #tpu.memory_space<vmem_shared>>
      tpu.wait_dma2 semaphore(%run_scoped3A_23 : memref<!tpu.dma_semaphore, #tpu.memory_space<semaphore_mem>>) src(%dma_wait3A_38 : memref<3136x32xf32, #tpu.memory_space<vmem_shared>>) dst(%dma_wait3A_36 : memref<3136x32xf32, #tpu.memory_space<hbm>>)
      tpu.yield
    }) : () -> ()
    return
  }
}

module attributes {stable_mosaic.version = 14 : i64} {
  func.func @body(%arg0: i32, %arg1: memref<512x64xf32, #tpu.memory_space<vmem>>, %arg2: memref<512x1xf32, #tpu.memory_space<vmem>>, %arg3: memref<512x1xf32, #tpu.memory_space<vmem>>, %arg4: memref<64x32xf32, #tpu.memory_space<vmem>>, %arg5: memref<512x1xf32, #tpu.memory_space<vmem>>, %arg6: memref<2x512x16xf32, #tpu.memory_space<vmem>>) attributes {dimension_semantics = [#tpu.dimension_semantics<arbitrary>], iteration_bounds = array<i64: 98>, scalar_prefetch = 0 : i64, scratch_operands = 0 : i64, tpu.core_type = #tpu.core_type<tc>, window_params = [{transform_indices = @transform_0, window_bounds = array<i64: 512, 64>}, {transform_indices = @transform_1, window_bounds = array<i64: 512, 1>}, {transform_indices = @transform_2, window_bounds = array<i64: 512, 1>}, {pipeline_mode = #tpu.pipeline_mode<synchronous>, transform_indices = @transform_3, window_bounds = array<i64: 64, 32>}, {transform_indices = @transform_4, window_bounds = array<i64: 512, 1>}, {transform_indices = @transform_5, window_bounds = array<i64: 2, 512, 16>}]} {
    %get3A = arith.constant 0 : index
    %get3A_0 = arith.constant 0 : index
    %get3A_1 = vector.load %arg2[%get3A, %get3A_0] : memref<512x1xf32, #tpu.memory_space<vmem>>, vector<512x1xf32>
    %get3A_2 = arith.constant 0 : index
    %get3A_3 = arith.constant 0 : index
    %get3A_4 = vector.load %arg3[%get3A_2, %get3A_3] : memref<512x1xf32, #tpu.memory_space<vmem>>, vector<512x1xf32>
    %add3A = arith.addf %get3A_1, %get3A_4 : vector<512x1xf32>
    %add3A_5 = arith.constant 1.000000e+00 : f32
    %add3A_6 = vector.broadcast %add3A_5 : f32 to vector<512x1xf32>
    %add3A_7 = arith.addf %add3A, %add3A_6 : vector<512x1xf32>
    %rsqrt3A = math.rsqrt %add3A_7 : vector<512x1xf32>
    %get3A_8 = arith.constant 0 : index
    %get3A_9 = arith.constant 0 : index
    %get3A_10 = vector.load %arg1[%get3A_8, %get3A_9] : memref<512x64xf32, #tpu.memory_space<vmem>>, vector<512x64xf32>
    %get3A_11 = arith.constant 0 : index
    %get3A_12 = arith.constant 0 : index
    %get3A_13 = vector.load %arg4[%get3A_11, %get3A_12] : memref<64x32xf32, #tpu.memory_space<vmem>>, vector<64x32xf32>
    %dot_general3A = arith.constant dense<0.000000e+00> : vector<512x32xf32>
    %dot_general3A_14 = tpu.matmul %get3A_10, %get3A_13, %dot_general3A {dimension_numbers = #tpu.dot_dimension_numbers<[1], [0], [0], [1], [0, 0, 1, 1], [], []>, transpose_lhs_hint = false} : vector<512x64xf32>, vector<64x32xf32>, vector<512x32xf32> -> vector<512x32xf32>
    %mul3A = vector.broadcast %rsqrt3A : vector<512x1xf32> to vector<512x32xf32>
    %mul3A_15 = arith.mulf %dot_general3A_14, %mul3A : vector<512x32xf32>
    %swap3A = arith.constant 0 : index
    %swap3A_16 = arith.constant 0 : index
    %swap3A_17 = vector.load %arg5[%swap3A, %swap3A_16] : memref<512x1xf32, #tpu.memory_space<vmem>>, vector<512x1xf32>
    tpu.vector_store %arg5[%swap3A, %swap3A_16], %rsqrt3A {strides = array<i32>} : memref<512x1xf32, #tpu.memory_space<vmem>>, vector<512x1xf32>,
    %slice3A = vector.extract_strided_slice %mul3A_15 {offsets = [0, 0], sizes = [512, 16], strides = [1, 1]} : vector<512x32xf32> to vector<512x16xf32>
    %swap3A_18 = arith.constant 0 : index
    %swap3A_19 = arith.constant 0 : index
    %swap3A_20 = arith.constant 0 : index
    %swap3A_21 = vector.load %arg6[%swap3A_18, %swap3A_19, %swap3A_20] : memref<2x512x16xf32, #tpu.memory_space<vmem>>, vector<1x512x16xf32>
    %swap3A_22 = vector.shape_cast %swap3A_21 : vector<1x512x16xf32> to vector<512x16xf32>
    %swap3A_23 = vector.shape_cast %slice3A : vector<512x16xf32> to vector<1x512x16xf32>
    tpu.vector_store %arg6[%swap3A_18, %swap3A_19, %swap3A_20], %swap3A_23 {strides = array<i32>} : memref<2x512x16xf32, #tpu.memory_space<vmem>>, vector<1x512x16xf32>,
    %slice3A_24 = vector.extract_strided_slice %mul3A_15 {offsets = [0, 16], sizes = [512, 16], strides = [1, 1]} : vector<512x32xf32> to vector<512x16xf32>
    %swap3A_25 = arith.constant 1 : index
    %swap3A_26 = arith.constant 0 : index
    %swap3A_27 = arith.constant 0 : index
    %swap3A_28 = vector.load %arg6[%swap3A_25, %swap3A_26, %swap3A_27] : memref<2x512x16xf32, #tpu.memory_space<vmem>>, vector<1x512x16xf32>
    %swap3A_29 = vector.shape_cast %swap3A_28 : vector<1x512x16xf32> to vector<512x16xf32>
    %swap3A_30 = vector.shape_cast %slice3A_24 : vector<512x16xf32> to vector<1x512x16xf32>
    tpu.vector_store %arg6[%swap3A_25, %swap3A_26, %swap3A_27], %swap3A_30 {strides = array<i32>} : memref<2x512x16xf32, #tpu.memory_space<vmem>>, vector<1x512x16xf32>,
    return
  }
  func.func @transform_0(%arg0: i32) -> (i32, i32) {
    %c0_i32 = arith.constant 0 : i32
    %c0_i32_0 = arith.constant 0 : i32
    return %arg0, %c0_i32 : i32, i32
  }
  func.func @transform_1(%arg0: i32) -> (i32, i32) {
    %c0_i32 = arith.constant 0 : i32
    %c0_i32_0 = arith.constant 0 : i32
    return %arg0, %c0_i32 : i32, i32
  }
  func.func @transform_2(%arg0: i32) -> (i32, i32) {
    %c0_i32 = arith.constant 0 : i32
    %c0_i32_0 = arith.constant 0 : i32
    return %arg0, %c0_i32 : i32, i32
  }
  func.func @transform_3(%arg0: i32) -> (i32, i32) {
    %c0_i32 = arith.constant 0 : i32
    %c0_i32_0 = arith.constant 0 : i32
    %c0_i32_1 = arith.constant 0 : i32
    return %c0_i32, %c0_i32_0 : i32, i32
  }
  func.func @transform_4(%arg0: i32) -> (i32, i32) {
    %c0_i32 = arith.constant 0 : i32
    %c0_i32_0 = arith.constant 0 : i32
    return %arg0, %c0_i32 : i32, i32
  }
  func.func @transform_5(%arg0: i32) -> (i32, i32, i32) {
    %c0_i32 = arith.constant 0 : i32
    %c0_i32_0 = arith.constant 0 : i32
    %c0_i32_1 = arith.constant 0 : i32
    return %c0_i32, %arg0, %c0_i32_0 : i32, i32, i32
  }
}

module attributes {stable_mosaic.version = 14 : i64} {
  func.func @body(%arg0: i32, %arg1: memref<2x16x3584xf32, #tpu.memory_space<vmem>>, %arg2: memref<1x3584xf32, #tpu.memory_space<vmem>>, %arg3: memref<1x3584xf32, #tpu.memory_space<vmem>>, %arg4: memref<32x1xf32, #tpu.memory_space<vmem>>, %arg5: memref<32x32xf32, #tpu.memory_space<vmem>>, %arg6: memref<32x32xf32, #tpu.memory_space<vmem>>, %arg7: memref<2x32x3584xf32, #tpu.memory_space<vmem>>) attributes {dimension_semantics = [#tpu.dimension_semantics<arbitrary>], iteration_bounds = array<i64: 14>, scalar_prefetch = 0 : i64, scratch_operands = 0 : i64, tpu.core_type = #tpu.core_type<tc>, window_params = [{transform_indices = @transform_0, window_bounds = array<i64: 2, 16, 3584>}, {transform_indices = @transform_1, window_bounds = array<i64: 1, 3584>}, {transform_indices = @transform_2, window_bounds = array<i64: 1, 3584>}, {pipeline_mode = #tpu.pipeline_mode<synchronous>, transform_indices = @transform_3, window_bounds = array<i64: 32, 1>}, {pipeline_mode = #tpu.pipeline_mode<synchronous>, transform_indices = @transform_4, window_bounds = array<i64: 32, 32>}, {pipeline_mode = #tpu.pipeline_mode<synchronous>, transform_indices = @transform_5, window_bounds = array<i64: 32, 32>}, {transform_indices = @transform_6, window_bounds = array<i64: 2, 32, 3584>}]} {
    %get3A = arith.constant 0 : index
    %get3A_0 = arith.constant 0 : index
    %get3A_1 = vector.load %arg2[%get3A, %get3A_0] : memref<1x3584xf32, #tpu.memory_space<vmem>>, vector<1x3584xf32>
    %get3A_2 = arith.constant 0 : index
    %get3A_3 = arith.constant 0 : index
    %get3A_4 = vector.load %arg3[%get3A_2, %get3A_3] : memref<1x3584xf32, #tpu.memory_space<vmem>>, vector<1x3584xf32>
    %add3A = arith.addf %get3A_1, %get3A_4 : vector<1x3584xf32>
    %add3A_5 = arith.constant 1.000000e+00 : f32
    %add3A_6 = vector.broadcast %add3A_5 : f32 to vector<1x3584xf32>
    %add3A_7 = arith.addf %add3A, %add3A_6 : vector<1x3584xf32>
    %rsqrt3A = math.rsqrt %add3A_7 : vector<1x3584xf32>
    %get3A_8 = arith.constant 0 : index
    %get3A_9 = arith.constant 0 : index
    %get3A_10 = arith.constant 0 : index
    %get3A_11 = vector.load %arg1[%get3A_8, %get3A_9, %get3A_10] : memref<2x16x3584xf32, #tpu.memory_space<vmem>>, vector<1x16x3584xf32>
    %get3A_12 = vector.shape_cast %get3A_11 : vector<1x16x3584xf32> to vector<16x3584xf32>
    %get3A_13 = arith.constant 1 : index
    %get3A_14 = arith.constant 0 : index
    %get3A_15 = arith.constant 0 : index
    %get3A_16 = vector.load %arg1[%get3A_13, %get3A_14, %get3A_15] : memref<2x16x3584xf32, #tpu.memory_space<vmem>>, vector<1x16x3584xf32>
    %get3A_17 = vector.shape_cast %get3A_16 : vector<1x16x3584xf32> to vector<16x3584xf32>
    %concatenate3A = tpu.concatenate %get3A_12, %get3A_17 in 0 : vector<16x3584xf32>, vector<16x3584xf32> -> vector<32x3584xf32>
    %mul3A = vector.broadcast %rsqrt3A : vector<1x3584xf32> to vector<32x3584xf32>
    %mul3A_18 = arith.mulf %mul3A, %concatenate3A : vector<32x3584xf32>
    %get3A_19 = arith.constant 0 : index
    %get3A_20 = arith.constant 0 : index
    %get3A_21 = vector.load %arg4[%get3A_19, %get3A_20] : memref<32x1xf32, #tpu.memory_space<vmem>>, vector<32x1xf32>
    %add3A_22 = vector.broadcast %get3A_21 : vector<32x1xf32> to vector<32x3584xf32>
    %add3A_23 = arith.addf %mul3A_18, %add3A_22 : vector<32x3584xf32>
    %max3A = arith.constant 0.000000e+00 : f32
    %max3A_24 = vector.broadcast %max3A : f32 to vector<32x3584xf32>
    %max3A_25 = arith.maximumf %add3A_23, %max3A_24 : vector<32x3584xf32>
    %get3A_26 = arith.constant 0 : index
    %get3A_27 = arith.constant 0 : index
    %get3A_28 = vector.load %arg5[%get3A_26, %get3A_27] : memref<32x32xf32, #tpu.memory_space<vmem>>, vector<32x32xf32>
    %dot_general3A = arith.constant dense<0.000000e+00> : vector<32x3584xf32>
    %dot_general3A_29 = tpu.matmul %get3A_28, %max3A_25, %dot_general3A {dimension_numbers = #tpu.dot_dimension_numbers<[1], [0], [0], [1], [0, 0, 1, 1], [], []>, transpose_lhs_hint = false} : vector<32x32xf32>, vector<32x3584xf32>, vector<32x3584xf32> -> vector<32x3584xf32>
    %mul3A_30 = vector.broadcast %rsqrt3A : vector<1x3584xf32> to vector<32x3584xf32>
    %mul3A_31 = arith.mulf %dot_general3A_29, %mul3A_30 : vector<32x3584xf32>
    %get3A_32 = arith.constant 0 : index
    %get3A_33 = arith.constant 0 : index
    %get3A_34 = vector.load %arg6[%get3A_32, %get3A_33] : memref<32x32xf32, #tpu.memory_space<vmem>>, vector<32x32xf32>
    %dot_general3A_35 = arith.constant dense<0.000000e+00> : vector<32x3584xf32>
    %dot_general3A_36 = tpu.matmul %get3A_34, %max3A_25, %dot_general3A_35 {dimension_numbers = #tpu.dot_dimension_numbers<[1], [0], [0], [1], [0, 0, 1, 1], [], []>, transpose_lhs_hint = false} : vector<32x32xf32>, vector<32x3584xf32>, vector<32x3584xf32> -> vector<32x3584xf32>
    %mul3A_37 = vector.broadcast %rsqrt3A : vector<1x3584xf32> to vector<32x3584xf32>
    %mul3A_38 = arith.mulf %dot_general3A_36, %mul3A_37 : vector<32x3584xf32>
    %swap3A = arith.constant 0 : index
    %swap3A_39 = arith.constant 0 : index
    %swap3A_40 = arith.constant 0 : index
    %swap3A_41 = vector.load %arg7[%swap3A, %swap3A_39, %swap3A_40] : memref<2x32x3584xf32, #tpu.memory_space<vmem>>, vector<1x32x3584xf32>
    %swap3A_42 = vector.shape_cast %swap3A_41 : vector<1x32x3584xf32> to vector<32x3584xf32>
    %swap3A_43 = vector.shape_cast %mul3A_31 : vector<32x3584xf32> to vector<1x32x3584xf32>
    tpu.vector_store %arg7[%swap3A, %swap3A_39, %swap3A_40], %swap3A_43 {strides = array<i32>} : memref<2x32x3584xf32, #tpu.memory_space<vmem>>, vector<1x32x3584xf32>,
    %swap3A_44 = arith.constant 1 : index
    %swap3A_45 = arith.constant 0 : index
    %swap3A_46 = arith.constant 0 : index
    %swap3A_47 = vector.load %arg7[%swap3A_44, %swap3A_45, %swap3A_46] : memref<2x32x3584xf32, #tpu.memory_space<vmem>>, vector<1x32x3584xf32>
    %swap3A_48 = vector.shape_cast %swap3A_47 : vector<1x32x3584xf32> to vector<32x3584xf32>
    %swap3A_49 = vector.shape_cast %mul3A_38 : vector<32x3584xf32> to vector<1x32x3584xf32>
    tpu.vector_store %arg7[%swap3A_44, %swap3A_45, %swap3A_46], %swap3A_49 {strides = array<i32>} : memref<2x32x3584xf32, #tpu.memory_space<vmem>>, vector<1x32x3584xf32>,
    return
  }
  func.func @transform_0(%arg0: i32) -> (i32, i32, i32) {
    %c0_i32 = arith.constant 0 : i32
    %c0_i32_0 = arith.constant 0 : i32
    %c0_i32_1 = arith.constant 0 : i32
    return %c0_i32, %c0_i32_0, %arg0 : i32, i32, i32
  }
  func.func @transform_1(%arg0: i32) -> (i32, i32) {
    %c0_i32 = arith.constant 0 : i32
    %c0_i32_0 = arith.constant 0 : i32
    return %c0_i32, %arg0 : i32, i32
  }
  func.func @transform_2(%arg0: i32) -> (i32, i32) {
    %c0_i32 = arith.constant 0 : i32
    %c0_i32_0 = arith.constant 0 : i32
    return %c0_i32, %arg0 : i32, i32
  }
  func.func @transform_3(%arg0: i32) -> (i32, i32) {
    %c0_i32 = arith.constant 0 : i32
    %c0_i32_0 = arith.constant 0 : i32
    %c0_i32_1 = arith.constant 0 : i32
    return %c0_i32, %c0_i32_0 : i32, i32
  }
  func.func @transform_4(%arg0: i32) -> (i32, i32) {
    %c0_i32 = arith.constant 0 : i32
    %c0_i32_0 = arith.constant 0 : i32
    %c0_i32_1 = arith.constant 0 : i32
    return %c0_i32, %c0_i32_0 : i32, i32
  }
  func.func @transform_5(%arg0: i32) -> (i32, i32) {
    %c0_i32 = arith.constant 0 : i32
    %c0_i32_0 = arith.constant 0 : i32
    %c0_i32_1 = arith.constant 0 : i32
    return %c0_i32, %c0_i32_0 : i32, i32
  }
  func.func @transform_6(%arg0: i32) -> (i32, i32, i32) {
    %c0_i32 = arith.constant 0 : i32
    %c0_i32_0 = arith.constant 0 : i32
    %c0_i32_1 = arith.constant 0 : i32
    return %c0_i32, %c0_i32_0, %arg0 : i32, i32, i32
  }
}

module attributes {stable_mosaic.version = 14 : i64} {
  func.func @body(%arg0: i32, %arg1: memref<2x32x3584xf32, #tpu.memory_space<vmem>>, %arg2: memref<1x3584xf32, #tpu.memory_space<vmem>>, %arg3: memref<1x3584xf32, #tpu.memory_space<vmem>>, %arg4: memref<64x1xf32, #tpu.memory_space<vmem>>, %arg5: memref<32x64xf32, #tpu.memory_space<vmem>>, %arg6: memref<32x64xf32, #tpu.memory_space<vmem>>, %arg7: memref<2x32x3584xf32, #tpu.memory_space<vmem>>) attributes {dimension_semantics = [#tpu.dimension_semantics<arbitrary>], iteration_bounds = array<i64: 14>, scalar_prefetch = 0 : i64, scratch_operands = 0 : i64, tpu.core_type = #tpu.core_type<tc>, window_params = [{transform_indices = @transform_0, window_bounds = array<i64: 2, 32, 3584>}, {transform_indices = @transform_1, window_bounds = array<i64: 1, 3584>}, {transform_indices = @transform_2, window_bounds = array<i64: 1, 3584>}, {pipeline_mode = #tpu.pipeline_mode<synchronous>, transform_indices = @transform_3, window_bounds = array<i64: 64, 1>}, {pipeline_mode = #tpu.pipeline_mode<synchronous>, transform_indices = @transform_4, window_bounds = array<i64: 32, 64>}, {pipeline_mode = #tpu.pipeline_mode<synchronous>, transform_indices = @transform_5, window_bounds = array<i64: 32, 64>}, {transform_indices = @transform_6, window_bounds = array<i64: 2, 32, 3584>}]} {
    %get3A = arith.constant 0 : index
    %get3A_0 = arith.constant 0 : index
    %get3A_1 = vector.load %arg2[%get3A, %get3A_0] : memref<1x3584xf32, #tpu.memory_space<vmem>>, vector<1x3584xf32>
    %get3A_2 = arith.constant 0 : index
    %get3A_3 = arith.constant 0 : index
    %get3A_4 = vector.load %arg3[%get3A_2, %get3A_3] : memref<1x3584xf32, #tpu.memory_space<vmem>>, vector<1x3584xf32>
    %add3A = arith.addf %get3A_1, %get3A_4 : vector<1x3584xf32>
    %add3A_5 = arith.constant 1.000000e+00 : f32
    %add3A_6 = vector.broadcast %add3A_5 : f32 to vector<1x3584xf32>
    %add3A_7 = arith.addf %add3A, %add3A_6 : vector<1x3584xf32>
    %rsqrt3A = math.rsqrt %add3A_7 : vector<1x3584xf32>
    %get3A_8 = arith.constant 0 : index
    %get3A_9 = arith.constant 0 : index
    %get3A_10 = arith.constant 0 : index
    %get3A_11 = vector.load %arg1[%get3A_8, %get3A_9, %get3A_10] : memref<2x32x3584xf32, #tpu.memory_space<vmem>>, vector<1x32x3584xf32>
    %get3A_12 = vector.shape_cast %get3A_11 : vector<1x32x3584xf32> to vector<32x3584xf32>
    %get3A_13 = arith.constant 1 : index
    %get3A_14 = arith.constant 0 : index
    %get3A_15 = arith.constant 0 : index
    %get3A_16 = vector.load %arg1[%get3A_13, %get3A_14, %get3A_15] : memref<2x32x3584xf32, #tpu.memory_space<vmem>>, vector<1x32x3584xf32>
    %get3A_17 = vector.shape_cast %get3A_16 : vector<1x32x3584xf32> to vector<32x3584xf32>
    %concatenate3A = tpu.concatenate %get3A_12, %get3A_17 in 0 : vector<32x3584xf32>, vector<32x3584xf32> -> vector<64x3584xf32>
    %mul3A = vector.broadcast %rsqrt3A : vector<1x3584xf32> to vector<64x3584xf32>
    %mul3A_18 = arith.mulf %mul3A, %concatenate3A : vector<64x3584xf32>
    %get3A_19 = arith.constant 0 : index
    %get3A_20 = arith.constant 0 : index
    %get3A_21 = vector.load %arg4[%get3A_19, %get3A_20] : memref<64x1xf32, #tpu.memory_space<vmem>>, vector<64x1xf32>
    %add3A_22 = vector.broadcast %get3A_21 : vector<64x1xf32> to vector<64x3584xf32>
    %add3A_23 = arith.addf %mul3A_18, %add3A_22 : vector<64x3584xf32>
    %max3A = arith.constant 0.000000e+00 : f32
    %max3A_24 = vector.broadcast %max3A : f32 to vector<64x3584xf32>
    %max3A_25 = arith.maximumf %add3A_23, %max3A_24 : vector<64x3584xf32>
    %get3A_26 = arith.constant 0 : index
    %get3A_27 = arith.constant 0 : index
    %get3A_28 = vector.load %arg5[%get3A_26, %get3A_27] : memref<32x64xf32, #tpu.memory_space<vmem>>, vector<32x64xf32>
    %dot_general3A = arith.constant dense<0.000000e+00> : vector<32x3584xf32>
    %dot_general3A_29 = tpu.matmul %get3A_28, %max3A_25, %dot_general3A {dimension_numbers = #tpu.dot_dimension_numbers<[1], [0], [0], [1], [0, 0, 1, 1], [], []>, transpose_lhs_hint = false} : vector<32x64xf32>, vector<64x3584xf32>, vector<32x3584xf32> -> vector<32x3584xf32>
    %mul3A_30 = vector.broadcast %rsqrt3A : vector<1x3584xf32> to vector<32x3584xf32>
    %mul3A_31 = arith.mulf %dot_general3A_29, %mul3A_30 : vector<32x3584xf32>
    %get3A_32 = arith.constant 0 : index
    %get3A_33 = arith.constant 0 : index
    %get3A_34 = vector.load %arg6[%get3A_32, %get3A_33] : memref<32x64xf32, #tpu.memory_space<vmem>>, vector<32x64xf32>
    %dot_general3A_35 = arith.constant dense<0.000000e+00> : vector<32x3584xf32>
    %dot_general3A_36 = tpu.matmul %get3A_34, %max3A_25, %dot_general3A_35 {dimension_numbers = #tpu.dot_dimension_numbers<[1], [0], [0], [1], [0, 0, 1, 1], [], []>, transpose_lhs_hint = false} : vector<32x64xf32>, vector<64x3584xf32>, vector<32x3584xf32> -> vector<32x3584xf32>
    %mul3A_37 = vector.broadcast %rsqrt3A : vector<1x3584xf32> to vector<32x3584xf32>
    %mul3A_38 = arith.mulf %dot_general3A_36, %mul3A_37 : vector<32x3584xf32>
    %swap3A = arith.constant 0 : index
    %swap3A_39 = arith.constant 0 : index
    %swap3A_40 = arith.constant 0 : index
    %swap3A_41 = vector.load %arg7[%swap3A, %swap3A_39, %swap3A_40] : memref<2x32x3584xf32, #tpu.memory_space<vmem>>, vector<1x32x3584xf32>
    %swap3A_42 = vector.shape_cast %swap3A_41 : vector<1x32x3584xf32> to vector<32x3584xf32>
    %swap3A_43 = vector.shape_cast %mul3A_31 : vector<32x3584xf32> to vector<1x32x3584xf32>
    tpu.vector_store %arg7[%swap3A, %swap3A_39, %swap3A_40], %swap3A_43 {strides = array<i32>} : memref<2x32x3584xf32, #tpu.memory_space<vmem>>, vector<1x32x3584xf32>,
    %swap3A_44 = arith.constant 1 : index
    %swap3A_45 = arith.constant 0 : index
    %swap3A_46 = arith.constant 0 : index
    %swap3A_47 = vector.load %arg7[%swap3A_44, %swap3A_45, %swap3A_46] : memref<2x32x3584xf32, #tpu.memory_space<vmem>>, vector<1x32x3584xf32>
    %swap3A_48 = vector.shape_cast %swap3A_47 : vector<1x32x3584xf32> to vector<32x3584xf32>
    %swap3A_49 = vector.shape_cast %mul3A_38 : vector<32x3584xf32> to vector<1x32x3584xf32>
    tpu.vector_store %arg7[%swap3A_44, %swap3A_45, %swap3A_46], %swap3A_49 {strides = array<i32>} : memref<2x32x3584xf32, #tpu.memory_space<vmem>>, vector<1x32x3584xf32>,
    return
  }
  func.func @transform_0(%arg0: i32) -> (i32, i32, i32) {
    %c0_i32 = arith.constant 0 : i32
    %c0_i32_0 = arith.constant 0 : i32
    %c0_i32_1 = arith.constant 0 : i32
    return %c0_i32, %c0_i32_0, %arg0 : i32, i32, i32
  }
  func.func @transform_1(%arg0: i32) -> (i32, i32) {
    %c0_i32 = arith.constant 0 : i32
    %c0_i32_0 = arith.constant 0 : i32
    return %c0_i32, %arg0 : i32, i32
  }
  func.func @transform_2(%arg0: i32) -> (i32, i32) {
    %c0_i32 = arith.constant 0 : i32
    %c0_i32_0 = arith.constant 0 : i32
    return %c0_i32, %arg0 : i32, i32
  }
  func.func @transform_3(%arg0: i32) -> (i32, i32) {
    %c0_i32 = arith.constant 0 : i32
    %c0_i32_0 = arith.constant 0 : i32
    %c0_i32_1 = arith.constant 0 : i32
    return %c0_i32, %c0_i32_0 : i32, i32
  }
  func.func @transform_4(%arg0: i32) -> (i32, i32) {
    %c0_i32 = arith.constant 0 : i32
    %c0_i32_0 = arith.constant 0 : i32
    %c0_i32_1 = arith.constant 0 : i32
    return %c0_i32, %c0_i32_0 : i32, i32
  }
  func.func @transform_5(%arg0: i32) -> (i32, i32) {
    %c0_i32 = arith.constant 0 : i32
    %c0_i32_0 = arith.constant 0 : i32
    %c0_i32_1 = arith.constant 0 : i32
    return %c0_i32, %c0_i32_0 : i32, i32
  }
  func.func @transform_6(%arg0: i32) -> (i32, i32, i32) {
    %c0_i32 = arith.constant 0 : i32
    %c0_i32_0 = arith.constant 0 : i32
    %c0_i32_1 = arith.constant 0 : i32
    return %c0_i32, %c0_i32_0, %arg0 : i32, i32, i32
  }
}

module attributes {stable_mosaic.version = 14 : i64} {
  func.func @body(%arg0: i32, %arg1: memref<2x32x3584xf32, #tpu.memory_space<vmem>>, %arg2: memref<1x3584xf32, #tpu.memory_space<vmem>>, %arg3: memref<1x3584xf32, #tpu.memory_space<vmem>>, %arg4: memref<64x1xf32, #tpu.memory_space<vmem>>, %arg5: memref<64x3584xf32, #tpu.memory_space<vmem>>) attributes {dimension_semantics = [#tpu.dimension_semantics<arbitrary>], iteration_bounds = array<i64: 14>, scalar_prefetch = 0 : i64, scratch_operands = 0 : i64, tpu.core_type = #tpu.core_type<tc>, window_params = [{transform_indices = @transform_0, window_bounds = array<i64: 2, 32, 3584>}, {transform_indices = @transform_1, window_bounds = array<i64: 1, 3584>}, {transform_indices = @transform_2, window_bounds = array<i64: 1, 3584>}, {pipeline_mode = #tpu.pipeline_mode<synchronous>, transform_indices = @transform_3, window_bounds = array<i64: 64, 1>}, {transform_indices = @transform_4, window_bounds = array<i64: 64, 3584>}]} {
    %get3A = arith.constant 0 : index
    %get3A_0 = arith.constant 0 : index
    %get3A_1 = vector.load %arg2[%get3A, %get3A_0] : memref<1x3584xf32, #tpu.memory_space<vmem>>, vector<1x3584xf32>
    %get3A_2 = arith.constant 0 : index
    %get3A_3 = arith.constant 0 : index
    %get3A_4 = vector.load %arg3[%get3A_2, %get3A_3] : memref<1x3584xf32, #tpu.memory_space<vmem>>, vector<1x3584xf32>
    %add3A = arith.addf %get3A_1, %get3A_4 : vector<1x3584xf32>
    %add3A_5 = arith.constant 1.000000e+00 : f32
    %add3A_6 = vector.broadcast %add3A_5 : f32 to vector<1x3584xf32>
    %add3A_7 = arith.addf %add3A, %add3A_6 : vector<1x3584xf32>
    %rsqrt3A = math.rsqrt %add3A_7 : vector<1x3584xf32>
    %get3A_8 = arith.constant 0 : index
    %get3A_9 = arith.constant 0 : index
    %get3A_10 = arith.constant 0 : index
    %get3A_11 = vector.load %arg1[%get3A_8, %get3A_9, %get3A_10] : memref<2x32x3584xf32, #tpu.memory_space<vmem>>, vector<1x32x3584xf32>
    %get3A_12 = vector.shape_cast %get3A_11 : vector<1x32x3584xf32> to vector<32x3584xf32>
    %get3A_13 = arith.constant 1 : index
    %get3A_14 = arith.constant 0 : index
    %get3A_15 = arith.constant 0 : index
    %get3A_16 = vector.load %arg1[%get3A_13, %get3A_14, %get3A_15] : memref<2x32x3584xf32, #tpu.memory_space<vmem>>, vector<1x32x3584xf32>
    %get3A_17 = vector.shape_cast %get3A_16 : vector<1x32x3584xf32> to vector<32x3584xf32>
    %concatenate3A = tpu.concatenate %get3A_12, %get3A_17 in 0 : vector<32x3584xf32>, vector<32x3584xf32> -> vector<64x3584xf32>
    %mul3A = vector.broadcast %rsqrt3A : vector<1x3584xf32> to vector<64x3584xf32>
    %mul3A_18 = arith.mulf %mul3A, %concatenate3A : vector<64x3584xf32>
    %get3A_19 = arith.constant 0 : index
    %get3A_20 = arith.constant 0 : index
    %get3A_21 = vector.load %arg4[%get3A_19, %get3A_20] : memref<64x1xf32, #tpu.memory_space<vmem>>, vector<64x1xf32>
    %add3A_22 = vector.broadcast %get3A_21 : vector<64x1xf32> to vector<64x3584xf32>
    %add3A_23 = arith.addf %mul3A_18, %add3A_22 : vector<64x3584xf32>
    %mul3A_24 = arith.mulf %add3A_23, %add3A_23 : vector<64x3584xf32>
    %reduce_sum3A = arith.constant dense<0.000000e+00> : vector<3584xf32>
    %reduce_sum3A_25 = vector.multi_reduction <add>, %mul3A_24, %reduce_sum3A [0] : vector<64x3584xf32> to vector<3584xf32>
    %broadcast_in_dim3A = vector.shape_cast %reduce_sum3A_25 : vector<3584xf32> to vector<1x3584xf32>
    %sqrt3A = math.sqrt %broadcast_in_dim3A : vector<1x3584xf32>
    %max3A = arith.constant 9.99999996E-13 : f32
    %max3A_26 = vector.broadcast %max3A : f32 to vector<1x3584xf32>
    %max3A_27 = arith.maximumf %sqrt3A, %max3A_26 : vector<1x3584xf32>
    %div3A = vector.broadcast %max3A_27 : vector<1x3584xf32> to vector<64x3584xf32>
    %div3A_28 = arith.divf %add3A_23, %div3A : vector<64x3584xf32>
    %swap3A = arith.constant 0 : index
    %swap3A_29 = arith.constant 0 : index
    %swap3A_30 = vector.load %arg5[%swap3A, %swap3A_29] : memref<64x3584xf32, #tpu.memory_space<vmem>>, vector<64x3584xf32>
    tpu.vector_store %arg5[%swap3A, %swap3A_29], %div3A_28 {strides = array<i32>} : memref<64x3584xf32, #tpu.memory_space<vmem>>, vector<64x3584xf32>,
    return
  }
  func.func @transform_0(%arg0: i32) -> (i32, i32, i32) {
    %c0_i32 = arith.constant 0 : i32
    %c0_i32_0 = arith.constant 0 : i32
    %c0_i32_1 = arith.constant 0 : i32
    return %c0_i32, %c0_i32_0, %arg0 : i32, i32, i32
  }
  func.func @transform_1(%arg0: i32) -> (i32, i32) {
    %c0_i32 = arith.constant 0 : i32
    %c0_i32_0 = arith.constant 0 : i32
    return %c0_i32, %arg0 : i32, i32
  }
  func.func @transform_2(%arg0: i32) -> (i32, i32) {
    %c0_i32 = arith.constant 0 : i32
    %c0_i32_0 = arith.constant 0 : i32
    return %c0_i32, %arg0 : i32, i32
  }
  func.func @transform_3(%arg0: i32) -> (i32, i32) {
    %c0_i32 = arith.constant 0 : i32
    %c0_i32_0 = arith.constant 0 : i32
    %c0_i32_1 = arith.constant 0 : i32
    return %c0_i32, %c0_i32_0 : i32, i32
  }
  func.func @transform_4(%arg0: i32) -> (i32, i32) {
    %c0_i32 = arith.constant 0 : i32
    %c0_i32_0 = arith.constant 0 : i32
    return %c0_i32, %arg0 : i32, i32
  }
}

</mosaic_0001>

<sc_bundles>
// kernel: kernel.10.cloned.1.call-start
scs
__scs_entry_jumppad:
0x0: {  	(pc) =	sbr.rel $0x88, $3  }
0x1: {  	(tag) =	ssettag $0x0;
	lr =	simm.s32 $0x1  }
0x2: {  	[smem:$0x3F99] =	sst lr;
	_ =	strace $0xD0000000  }
0x3: {  	_ = 	snop  }
0x4: {  	_ = 	snop  }
0x5: {  	_ = 	snop  }
0x6: {  	_ = 	snop  }
0x7: {  	_ = 	snop  }
__scs_overlays_trampoline_lowered:
0x8: {  	[smem:$0x3FA8] =	sst s0  }
0x9: {  	[smem:$0x3FA9] =	sst s1  }
0xa: {  	[smem:$0x3FAA] =	sst s2  }
0xb: {  	[smem:$0x3FAB] =	sst s3  }
0xc: {  	[smem:$0x3FAC] =	sst s4  }
0xd: {  	[smem:$0x3FAD] =	sst s5  }
0xe: {  	[smem:$0x3FAE] =	sst s6  }
0xf: {  	[smem:$0x3FAF] =	sst s7  }
0x10: {  	[smem:$0x3FB0] =	sst s8  }
0x11: {  	[smem:$0x3FB1] =	sst s9;
	s0 =	simm.s32 @!p0 $0x0  }
0x12: {  	s1 =	sld [smem:$0x3F97];
	s0 =	simm.s32 @p0 $0x1  }
0x13: {  	[smem:$0x3FB2] =	sst s0;
	s0 =	simm.s32 @!p1 $0x0  }
0x14: {  	s2 =	sld [smem:$0x3F96];
	s0 =	simm.s32 @p1 $0x1  }
0x15: {  	[smem:$0x3FB3] =	sst s0;
	s0 =	simm.s32 @!p2 $0x0  }
0x16: {  	s3 =	sld [smem:$0x3FDB];
	s0 =	simm.s32 @p2 $0x1  }
0x17: {  	s4 =	simm.s32 $0x1BF5;
	[smem:$0x3FB5] =	sst s0  }
0x18: {  	s0 =	sld [smem:$0x3F98];
	_ =	swait.ge [sflag:s4], $0x0  }
0x19: {  	s7 =	sld [smem:$0x3F99]  }
0x1a: {  	s8 =	sadd.s32 $0xFFFFE003, lr  }
0x1b: {  	s9 =	sadd.s32 $0xFFFFFEF7, lr;
	s5 =	simm.s32 $0xFFFFFFFF;
	p2 =	slt.u32 s8, $0xFFFFF086  }
0x1c: {  	p1 =	slt.u32 s9, $0xF7A;
	s5 =	simm.s32 @!p2 $0x0  }
0x1d: {  	s5 =	simm.s32 @p1 $0x1;
	p0 =	seq.s32 s7, s2  }
0x1e: {  	s7 =	smul.u32 @!p0 $0xF7A, s2;
	p2 =	seq.s32 @!p0 s5, $0x0  }
0x1f: {  	s9 =	smul.u32 $0xF7A, s1;
	s8 =	simm.s32 @!p0 $0x1BF5;
	p2 =	por !p2, p0  }
0x20: {  	[sflag:s8] =	ssyncset.s32 @!p0 $0xFFFFF086;
	s6 =	sadd.s32 @!p0 s3, s7;
	s7 =	simm.s32 @!p0 $0x108  }
0x21: {  	s3 =	sadd.s32 s3, s9;
	s6 =	sadd.s32 @!p0 $0x88, s6;
	s7 =	simm.s32 @p2 $0x1082  }
0x22: {  	[simem:s7], [sflag:s8] =	dma.local @!p0 [hbm:s6], $0xF7A  }
0x23: {  	s9 =	sor.u32 $0xD0000000, s2;
	s6 =	simm.s32 $0x108;
	_ =	swait.ge @!p0 [sflag:s8], $0x0  }
0x24: {  	s3 =	sadd.s32 $0x88, s3;
	s6 =	simm.s32 @!p1 $0x1082;
	[sflag:s4] =	ssyncset.s32 $0xFFFFF086  }
0x25: {  	[simem:s6], [sflag:s4] =	dma.local [hbm:s3], $0xF7A  }
0x26: {  	[smem:$0x3F99] =	sst s1;
	(tag) =	ssettag s2;
	_ =	strace s9  }
0x27: {  	s1 =	sld [smem:$0x3FA9]  }
0x28: {  	s2 =	sld [smem:$0x3FAA]  }
0x29: {  	s4 =	sld [smem:$0x3FAC]  }
0x2a: {  	p0 =	seq.s32 s5, $0x0;
	s5 =	sld [smem:$0x3FAD]  }
0x2b: {  	s6 =	sld [smem:$0x3FAE]  }
0x2c: {  	s7 =	sld [smem:$0x3FAF]  }
0x2d: {  	s3 =	simm.s32 $0x108;
	s8 =	sld [smem:$0x3FB0]  }
0x2e: {  	s3 =	simm.s32 @!p0 $0x1082;
	s9 =	sld [smem:$0x3FB1]  }
0x2f: {  	lr =	sadd.s32 s0, s3;
	s0 =	sld [smem:$0x3FA8]  }
0x30: {  	s3 =	sld [smem:$0x3FAB]  }
0x31: {  	[smem:$0x3FB4] =	sst s10  }
0x32: {  	s10 =	sld [smem:$0x3FB2];
	_ =	sdelay $0x3  }
0x33: {  	p0 =	seq.s32 s10, $0x1;
	s10 =	sld [smem:$0x3FB4];
	_ =	sdelay $0x3  }
0x34: {  	[smem:$0x3FB4] =	sst s10  }
0x35: {  	s10 =	sld [smem:$0x3FB3];
	_ =	sdelay $0x3  }
0x36: {  	p1 =	seq.s32 s10, $0x1;
	s10 =	sld [smem:$0x3FB4];
	_ =	sdelay $0x3  }
0x37: {  	[smem:$0x3FB4] =	sst s10  }
0x38: {  	s10 =	sld [smem:$0x3FB5]  }
0x39: {  	_ = 	snop;
	(pc) =	sbr.ind lr, $3  }
0x3a: {  	_ = 	snop  }
0x3b: {  	_ = 	snop  }
0x3c: {  	p2 =	seq.s32 s10, $0x1;
	s10 =	sld [smem:$0x3FB4]  }
0x3d: {  	_ =	shalt  }
0x3e: {  	_ =	shalt  }
0x3f: {  	_ =	shalt  }
0x40: {  	_ =	shalt  }
0x41: {  	_ =	shalt  }
0x42: {  	_ =	shalt  }
0x43: {  	_ =	shalt  }
0x44: {  	_ =	shalt  }
0x45: {  	_ =	shalt  }
0x46: {  	_ =	shalt  }
0x47: {  	_ =	shalt  }
0x48: {  	_ =	shalt  }
0x49: {  	_ =	shalt  }
0x4a: {  	_ =	shalt  }
0x4b: {  	_ =	shalt  }
0x4c: {  	_ =	shalt  }
0x4d: {  	_ =	shalt  }
0x4e: {  	_ =	shalt  }
0x4f: {  	_ =	shalt  }
0x50: {  	_ =	shalt  }
0x51: {  	_ =	shalt  }
0x52: {  	_ =	shalt  }
0x53: {  	_ =	shalt  }
0x54: {  	_ =	shalt  }
0x55: {  	_ =	shalt  }
0x56: {  	_ =	shalt  }
0x57: {  	_ =	shalt  }
0x58: {  	_ =	shalt  }
0x59: {  	_ =	shalt  }
0x5a: {  	_ =	shalt  }
0x5b: {  	_ =	shalt  }
0x5c: {  	_ =	shalt  }
0x5d: {  	_ =	shalt  }
0x5e: {  	_ =	shalt  }
0x5f: {  	_ =	shalt  }
0x60: {  	_ =	shalt  }
0x61: {  	_ =	shalt  }
0x62: {  	_ =	shalt  }
0x63: {  	_ =	shalt  }
0x64: {  	_ =	shalt  }
0x65: {  	_ =	shalt  }
0x66: {  	_ =	shalt  }
0x67: {  	_ =	shalt  }
0x68: {  	_ =	shalt  }
0x69: {  	_ =	shalt  }
0x6a: {  	_ =	shalt  }
0x6b: {  	_ =	shalt  }
0x6c: {  	_ =	shalt  }
0x6d: {  	_ =	shalt  }
0x6e: {  	_ =	shalt  }
0x6f: {  	_ =	shalt  }
0x70: {  	_ =	shalt  }
0x71: {  	_ =	shalt  }
0x72: {  	_ =	shalt  }
0x73: {  	_ =	shalt  }
0x74: {  	_ =	shalt  }
0x75: {  	_ =	shalt  }
0x76: {  	_ =	shalt  }
0x77: {  	_ =	shalt  }
0x78: {  	_ =	shalt  }
0x79: {  	_ =	shalt  }
0x7a: {  	_ =	shalt  }
0x7b: {  	_ =	shalt  }
0x7c: {  	_ =	shalt  }
0x7d: {  	_ =	shalt  }
0x7e: {  	_ =	shalt  }
0x7f: {  	_ =	shalt  }
0x80: {  	_ =	shalt  }
0x81: {  	_ =	shalt  }
0x82: {  	_ =	shalt  }
0x83: {  	_ =	shalt  }
0x84: {  	_ =	shalt  }
0x85: {  	_ =	shalt  }
0x86: {  	_ =	shalt  }
0x87: {  	_ =	shalt  }
.Lfunc_end0:
.L_simem_size_0:
called_computation_lowered:
.L_overlay_start_0:
0x88: {  	s2 =	sld [smem:$0x3FD9]  }
0x89: {  	s3 =	sld [smem:$0x3FFE];
	_ =	sdelay $0x1  }
0x8a: {  	s1 =	srdreg.scid  }
0x8b: {  	s0 =	sand.u32 $0x1, s1  }
0x8c: {  	s17 =	sshll.u32 s0, $0xA;
	s2 =	sadd.s32 s3, s2  }
0x8d: {  	s2 =	sadd.s32 s2, s17  }
0x8e: {  	[smem:$0x3FC0] =	sst s2  }
0x8f: {  	_ = 	snop  }
0x90: {  	s2 =	sld [smem:$0x3FD0];
	(tm) =	ssettm $0x1  }
0x91: {  	s18 =	sld [smem:$0x3FFB];
	_ =	sdelay $0x3  }
0x92: {  	_ =	strace s18  }
0x93: {  	s3 =	sld [smem:$0x3FFC];
	_ =	sdelay $0x3  }
0x94: {  	_ =	strace s3  }
0x95: {  	s3 =	sld [smem:$0x3FFD];
	_ =	sdelay $0x3  }
0x96: {  	_ =	strace s3  }
0x97: {  	_ =	strace $0x8FFFFFFF  }
0x98: {  	s19 =	sld [smem:$0x3FDB];
	_ =	sdelay $0x1  }
0x99: {  	s4 =	simm.s32 $_scs_section_size  }
0x9a: {  	s5 =	simm.s32 $_size__tile_overlayer_lowered;
	s6 =	simm.s32 $_tile_overlayer_lowered  }
0x9b: {  	s22 =	simm.s32 $0x1BFF;
	s21 =	sshll.u32 s6, $0x1;
	s3 =	sadd.s32 s4, s19  }
0x9c: {  	s7 =	simm.s32 $0x0;
	s20 =	sshll.u32 s5, $0x1;
	s5 =	sadd.s32 s21, s3  }
0x9d: {  	[timem:s7], [sflag:s22] =	dma.local [hbm:s5], s20  }
0x9e: {  	_ =	swait.ge [sflag:s22], s20  }
0x9f: {  	s4 =	ssub.s32 $0x0, s20;
	[sflag:s22] =	ssyncset.done $0x0  }
0xa0: {  	[sflag:s22] =	ssyncadd.s32 s4;
	_ =	sdelay $0x1  }
0xa1: {  	s23 =	simm.s32 $0x1B8B  }
0xa2: {  	_ =	swait.ge [sflag:s23], $0x1  }
0xa3: {  	[sflag:s23] =	ssyncset.done $0x0  }
0xa4: {  	s25 =	simm.s32 $0x1B8E;
	s24 =	sld [smem:$0x3FFE];
	[sflag:s23] =	ssyncadd.s32 $0xFFFFFFFF  }
0xa5: {  	s26 =	simm.s32 $execute0_lowered;
	[smem:$0x3FD2] =	sst s25  }
0xa6: {  	s5 =	sshll.u32 s26, $0x1;
	_ =	strace $0x80000046;
	[dreg:$0x1] =	wrdreg $0xFFFFFFFF  }
0xa7: {  	s28 =	simm.s32 $_size_execute0_lowered;
	s3 =	sadd.s32 s3, s5;
	[dreg:$0x0] =	wrdreg $0x0  }
0xa8: {  	s5 =	sshll.u32 s28, $0x1;
	[dreg:$0x2] =	wrdreg s3  }
0xa9: {  	[dreg:$0x3] =	wrdreg s5  }
0xaa: {  	[dreg:$0x4] =	wrdreg $0xC0  }
0xab: {  	_ =	task [dreg:s7], $0x5FFFF  }
0xac: {  	[dreg:$0x1] =	wrdreg $0xFFFFFFFF  }
0xad: {  	[dreg:$0x0] =	wrdreg $0x60  }
0xae: {  	[dreg:$0x2] =	wrdreg s24  }
0xaf: {  	[dreg:$0x3] =	wrdreg s2  }
0xb0: {  	[dreg:$0x4] =	wrdreg $0x89100  }
0xb1: {  	[dreg:$0x5] =	wrdreg $0x9  }
0xb2: {  	_ =	task.clear_ibuf [dreg:s7], $0x6FFFF;
	_ =	strace $0x90000046  }
0xb3: {  	s29 =	simm.s32 $0x9;
	_ =	strace $0x80000048  }
0xb4: {  	_ =	swait.ge [sflag:s29], $0x1  }
0xb5: {  	[sflag:s29] =	ssyncadd.s32 $0xFFFFFFFF  }
0xb6: {  	_ =	strace $0x90000048  }
0xb7: {  	_ =	sfence  }
0xb8: {  	s30 =	sld [smem:$0x0];
	_ =	sdelay $0x2  }
0xb9: {  	s31 =	sshll.u32 s1, $0xD;
	s1 =	sshrl.u32 s1, $0x2  }
0xba: {  	s3 =	sand.u32 $0x4000, s31;
	s1 =	sadd.s32 s1, s30  }
0xbb: {  	s0 =	sor.u32 s3, s0;
	s1 =	sshll.u32 s1, $0x11  }
0xbc: {  	s0 =	sor.u32 s1, s0  }
0xbd: {  	s0 =	sadd.s32 $0x8F2B, s0  }
0xbe: {  	[sflag:s0] =	ssyncadd.remote.s32 $0x1  }
0xbf: {  	_ =	sfence.sel $0xFFFF  }
0xc0: {  	[dreg:$0x0] =	wrdreg $0xFFFFFFFF;
	(pc) =	sbr.abs _section_cstart, $3  }
0xc1: {  	[dreg:$0x1] =	wrdreg $0xFFFFFFFF  }
0xc2: {  	_ =	task.clear_ibuf [dreg:s7], $0x2FFFF;
	_ =	strace $0x9FFFFFFF  }
0xc3: {  	(tm) =	ssettm $0x7FFFFFFF  }
tec
execute0_lowered:
.L_overlay_start_1:
0x0: {  	(tag) =	ssettag $0x1  }
0x1: {  	s7 =	rddreg [dreg:$0x0]  }
0x2: {  	s8 =	rddreg [dreg:$0x1]  }
0x3: {  	s2 =	rddreg [dreg:$0x2]  }
0x4: {  	s0 =	rddreg [dreg:$0x3];
	s1 =	stileid.u32  }
0x5: {  	s4 =	srdreg.scid;
	s6 =	smul.u32 $0x6200, s1  }
0x6: {  	s3 =	simm.s32 $0x0;
	s4 =	sand.u32 $0x1, s4;
	s14 =	smul.u32 $0x61A8, s1  }
0x7: {  	[smem:$0x7FF] =	sst s3;
	s30 =	sadd.s32 $0x1A0A0, s7;
	s9 =	smul.u32 $0xC400, s4  }
0x8: {  	_ =	strace $0x80000047;
	s10 =	ssub.s32 $0x2, s4;
	s11 =	smul.u32 $0x61A80, s4  }
0x9: {  	s4 =	sadd.s32 $0x3EC00, s7;
	s13 =	sshrl.u32 s6, $0x3;
	s12 =	sshrl.u32 s10, $0x1  }
0xa: {  	s6 =	sadd.s32 s6, s2;
	s5 =	sadd.s32 s13, s7;
	s10 =	ssub.s32 s10, s12  }
0xb: {  	s15 =	sadd.s32 s8, s9;
	s31 =	sadd.s32 s14, s11;
	s8 =	simm.s32 $0x2710  }
0xc: {  	s9 =	simm.s32 $0x1;
	s12 =	simm.s32 $0x3E8;
	s14 =	simm.s32 $0x0  }
0xd: {  	s5 =	sadd.s32 $0x32800, s5;
	s7 =	smax.u32 s10, $0x1;
	s11 =	sshrl.u32 s31, $0x3  }
0xe: {  	s10 =	simm.s32 $0x7D0;
	s13 =	sadd.s32 s13, s15;
	s11 =	sadd.s32 s30, s11  }
.LBB2_1:
0xf: {  	[tilespmem:s8], [sflag:$0x1] =	stream.linear.gather [hbm4b:s5+s3], $0x6200, $0x38;
	[tilespmem:$0x9550] =	vst v63  }
0x10: {  	_ =	swait.ge [sflag:s9], $0x6200  }
0x11: {  	[sflag:s9] =	ssyncset.done $0x0  }
0x12: {  	[sflag:s9] =	ssyncadd.s32 $0xFFFF9E00  }
0x13: {  	[spmem:s6] =	stream.linear.scatter [tilespmem:s8], [sflag:$0x1], $0x6200, $0x38;
	[tilespmem:$0x9550] =	vst v63  }
0x14: {  	_ =	swait.ge [sflag:s9], $0x6200  }
0x15: {  	[sflag:s9] =	ssyncset.done $0x0  }
0x16: {  	[sflag:s9] =	ssyncadd.s32 $0xFFFF9E00  }
0x17: {  	[tilespmem:s10], [sflag:$0x1] =	stream.linear.gather [hbm4b:s4+s3], $0x1F40, $0x38;
	[tilespmem:$0x9550] =	vst v63  }
0x18: {  	_ =	swait.ge [sflag:s9], $0x1F40  }
0x19: {  	[sflag:s9] =	ssyncset.done $0x0  }
0x1a: {  	[sflag:s9] =	ssyncadd.s32 $0xFFFFE0C0  }
0x1b: {  	s15 =	sadd.s32 $0x0, s11;
	[bflag:$0x0] =	sbarrier.arrive $0xFFFF  }
0x1c: {  	[tilespmem:s3], [sflag:$0x1] =	stream.linear.gather [hbm4b:s15+s3], $0x3E8, $0x38;
	[tilespmem:$0x9550] =	vst v63  }
0x1d: {  	_ =	swait.ge [sflag:s9], $0x3E8  }
0x1e: {  	[sflag:s9] =	ssyncset.done $0x0  }
0x1f: {  	[sflag:s9] =	ssyncadd.s32 $0xFFFFFC18  }
0x20: {  	[spmem:s2] =	stream.indirect.scatter.add.f32 [tilespmem:s10], [sflag:$0x1], $0x1, s3, s12, $0xb8;
	[tilespmem:$0x9550] =	vst v63  }
0x21: {  	_ =	swait.ge [sflag:s9], $0x3E8  }
0x22: {  	s16 =	simm.s32 $0xFA;
	s15 =	simm.s32 $0x7D;
	[sflag:s9] =	ssyncset.done $0x0  }
.LBB2_2:
0x23: {  	s17 =	sadd.s32 s15, s11  }
0x24: {  	[sflag:s9] =	ssyncadd.s32 $0xFFFFFC18;
	s15 =	smov.u32 s16;
	s18 =	sadd.s32 $0x7D, s16  }
0x25: {  	[tilespmem:s3], [sflag:$0x1] =	stream.linear.gather [hbm4b:s17+s3], $0x3E8, $0x38;
	[tilespmem:$0x9550] =	vst v63  }
0x26: {  	p0 =	sne.s32 s16, $0xBB8;
	_ =	swait.ge [sflag:s9], $0x3E8  }
.Ltmp0:
0x27: {  	[sflag:s9] =	ssyncset.done $0x0;
	(pc) =	sbr.rel @p0 .LBB2_2-.Ltmp0, $4  }
0x28: {  	[sflag:s9] =	ssyncadd.s32 $0xFFFFFC18  }
0x29: {  	[spmem:s2] =	stream.indirect.scatter.add.f32 [tilespmem:s10], [sflag:$0x1], $0x1, s3, s12, $0xb8;
	[tilespmem:$0x9550] =	vst v63  }
0x2a: {  	_ =	swait.ge [sflag:s9], $0x3E8  }
0x2b: {  	s16 =	smov.u32 s18;
	[sflag:s9] =	ssyncset.done $0x0  }
0x2c: {  	s15 =	sadd.s32 s15, s11;
	[sflag:s9] =	ssyncadd.s32 $0xFFFFFC18  }
0x2d: {  	[tilespmem:s3], [sflag:$0x1] =	stream.linear.gather [hbm4b:s15+s3], $0x3E8, $0x38;
	[tilespmem:$0x9550] =	vst v63  }
0x2e: {  	_ =	swait.ge [sflag:s9], $0x3E8  }
0x2f: {  	[sflag:s9] =	ssyncset.done $0x0  }
0x30: {  	[sflag:s9] =	ssyncadd.s32 $0xFFFFFC18  }
0x31: {  	[spmem:s2] =	stream.indirect.scatter.add.f32 [tilespmem:s10], [sflag:$0x1], $0x1, s3, s12, $0xb8;
	[tilespmem:$0x9550] =	vst v63  }
0x32: {  	_ =	swait.ge [sflag:s9], $0x3E8  }
0x33: {  	[sflag:s9] =	ssyncset.done $0x0  }
0x34: {  	[sflag:s9] =	ssyncadd.s32 $0xFFFFFC18  }
0x35: {  	[bflag:$0x0] =	sbarrier.arrive $0xFFFF  }
0x36: {  	[tilespmem:s8], [sflag:$0x1] =	stream.linear.gather [spmem:s6], $0x6200, $0x38;
	[tilespmem:$0x9550] =	vst v63  }
0x37: {  	s14 =	sadd.s32 $0x1, s14;
	_ =	swait.ge [sflag:s9], $0x6200  }
0x38: {  	p0 =	sne.s32 s14, s7;
	[sflag:s9] =	ssyncset.done $0x0  }
.Ltmp1:
0x39: {  	[sflag:s9] =	ssyncadd.s32 $0xFFFF9E00;
	(pc) =	sbr.rel @p0 .LBB2_1-.Ltmp1, $4  }
0x3a: {  	[hbm4b:s13+s3] =	stream.linear.scatter [tilespmem:s8], [sflag:$0x1], $0x6200, $0x38;
	[tilespmem:$0x9550] =	vst v63  }
0x3b: {  	_ =	swait.ge [sflag:s9], $0x6200  }
0x3c: {  	[sflag:s9] =	ssyncset.done $0x0  }
0x3d: {  	[sflag:s9] =	ssyncadd.s32 $0xFFFF9E00  }
0x3e: {  	_ =	sfence.sel $0x180000  }
0x3f: {  	[bflag:$0x0] =	sbarrier.arrive $0xFFFF  }
0x40: {  	p0 =	sne.s32 s1, $0x0;
	_ =	strace $0x90000047  }
0x41: {  	s0 =	sadd.s32 @!p0 $0x100000, s0;
	[bflag:$0x2] =	sbarrier.arrive $0xFFFF  }
0x42: {  	[sflag:s0] =	ssyncadd.tile.s32 @!p0 $0x1;
	_ =	shalt  }
.Lfunc_end2:
_tile_overlayer_lowered:
.L_overlay_start_2:
0x43: {  	(tag) =	ssettag $0x2  }
0x44: {  	s0 =	rddreg [dreg:$0x0];
	s2 =	stileid.u32  }
0x45: {  	s1 =	rddreg [dreg:$0x1];
	p0 =	sne.s32 s2, $0x0  }
0x46: {  	s3 =	rddreg [dreg:$0x2];
	[bflag:$0x3] =	sbarrier.arrive $0xFFFF;
	s2 =	simm.s32 @!p0 $0x1C01  }
0x47: {  	[timem:s3], [sflag:s2] =	dma.local @!p0 [hbm:s0], s1  }
0x48: {  	s0 =	simm.s32 @!p0 $0x1  }
0x49: {  	_ =	swait.ge @!p0 [sflag:s0], s1  }
0x4a: {  	s1 =	ssub.s32 @!p0 $0x0, s1;
	[sflag:s0] =	ssyncset.done @!p0 $0x0  }
0x4b: {  	[sflag:s0] =	ssyncadd.s32 @!p0 s1  }
0x4c: {  	[bflag:$0x3] =	sbarrier.arrive $0xFFFF  }
0x4d: {  	_ =	shalt  }

// kernel: kernel.13.cloned.1.call-start
scs
__scs_entry_jumppad:
0x0: {  	(pc) =	sbr.rel $0x88, $3  }
0x1: {  	(tag) =	ssettag $0x0;
	lr =	simm.s32 $0x1  }
0x2: {  	[smem:$0x3F99] =	sst lr;
	_ =	strace $0xD0000000  }
0x3: {  	_ = 	snop  }
0x4: {  	_ = 	snop  }
0x5: {  	_ = 	snop  }
0x6: {  	_ = 	snop  }
0x7: {  	_ = 	snop  }
__scs_overlays_trampoline_lowered:
0x8: {  	[smem:$0x3FA8] =	sst s0  }
0x9: {  	[smem:$0x3FA9] =	sst s1  }
0xa: {  	[smem:$0x3FAA] =	sst s2  }
0xb: {  	[smem:$0x3FAB] =	sst s3  }
0xc: {  	[smem:$0x3FAC] =	sst s4  }
0xd: {  	[smem:$0x3FAD] =	sst s5  }
0xe: {  	[smem:$0x3FAE] =	sst s6  }
0xf: {  	[smem:$0x3FAF] =	sst s7  }
0x10: {  	[smem:$0x3FB0] =	sst s8  }
0x11: {  	[smem:$0x3FB1] =	sst s9;
	s0 =	simm.s32 @!p0 $0x0  }
0x12: {  	s1 =	sld [smem:$0x3F97];
	s0 =	simm.s32 @p0 $0x1  }
0x13: {  	[smem:$0x3FB2] =	sst s0;
	s0 =	simm.s32 @!p1 $0x0  }
0x14: {  	s2 =	sld [smem:$0x3F96];
	s0 =	simm.s32 @p1 $0x1  }
0x15: {  	[smem:$0x3FB3] =	sst s0;
	s0 =	simm.s32 @!p2 $0x0  }
0x16: {  	s3 =	sld [smem:$0x3FDB];
	s0 =	simm.s32 @p2 $0x1  }
0x17: {  	s4 =	simm.s32 $0x1BF5;
	[smem:$0x3FB5] =	sst s0  }
0x18: {  	s0 =	sld [smem:$0x3F98];
	_ =	swait.ge [sflag:s4], $0x0  }
0x19: {  	s7 =	sld [smem:$0x3F99]  }
0x1a: {  	s8 =	sadd.s32 $0xFFFFE003, lr  }
0x1b: {  	s9 =	sadd.s32 $0xFFFFFEF7, lr;
	s5 =	simm.s32 $0xFFFFFFFF;
	p2 =	slt.u32 s8, $0xFFFFF086  }
0x1c: {  	p1 =	slt.u32 s9, $0xF7A;
	s5 =	simm.s32 @!p2 $0x0  }
0x1d: {  	s5 =	simm.s32 @p1 $0x1;
	p0 =	seq.s32 s7, s2  }
0x1e: {  	s7 =	smul.u32 @!p0 $0xF7A, s2;
	p2 =	seq.s32 @!p0 s5, $0x0  }
0x1f: {  	s9 =	smul.u32 $0xF7A, s1;
	s8 =	simm.s32 @!p0 $0x1BF5;
	p2 =	por !p2, p0  }
0x20: {  	[sflag:s8] =	ssyncset.s32 @!p0 $0xFFFFF086;
	s6 =	sadd.s32 @!p0 s3, s7;
	s7 =	simm.s32 @!p0 $0x108  }
0x21: {  	s3 =	sadd.s32 s3, s9;
	s6 =	sadd.s32 @!p0 $0x88, s6;
	s7 =	simm.s32 @p2 $0x1082  }
0x22: {  	[simem:s7], [sflag:s8] =	dma.local @!p0 [hbm:s6], $0xF7A  }
0x23: {  	s9 =	sor.u32 $0xD0000000, s2;
	s6 =	simm.s32 $0x108;
	_ =	swait.ge @!p0 [sflag:s8], $0x0  }
0x24: {  	s3 =	sadd.s32 $0x88, s3;
	s6 =	simm.s32 @!p1 $0x1082;
	[sflag:s4] =	ssyncset.s32 $0xFFFFF086  }
0x25: {  	[simem:s6], [sflag:s4] =	dma.local [hbm:s3], $0xF7A  }
0x26: {  	[smem:$0x3F99] =	sst s1;
	(tag) =	ssettag s2;
	_ =	strace s9  }
0x27: {  	s1 =	sld [smem:$0x3FA9]  }
0x28: {  	s2 =	sld [smem:$0x3FAA]  }
0x29: {  	s4 =	sld [smem:$0x3FAC]  }
0x2a: {  	p0 =	seq.s32 s5, $0x0;
	s5 =	sld [smem:$0x3FAD]  }
0x2b: {  	s6 =	sld [smem:$0x3FAE]  }
0x2c: {  	s7 =	sld [smem:$0x3FAF]  }
0x2d: {  	s3 =	simm.s32 $0x108;
	s8 =	sld [smem:$0x3FB0]  }
0x2e: {  	s3 =	simm.s32 @!p0 $0x1082;
	s9 =	sld [smem:$0x3FB1]  }
0x2f: {  	lr =	sadd.s32 s0, s3;
	s0 =	sld [smem:$0x3FA8]  }
0x30: {  	s3 =	sld [smem:$0x3FAB]  }
0x31: {  	[smem:$0x3FB4] =	sst s10  }
0x32: {  	s10 =	sld [smem:$0x3FB2];
	_ =	sdelay $0x3  }
0x33: {  	p0 =	seq.s32 s10, $0x1;
	s10 =	sld [smem:$0x3FB4];
	_ =	sdelay $0x3  }
0x34: {  	[smem:$0x3FB4] =	sst s10  }
0x35: {  	s10 =	sld [smem:$0x3FB3];
	_ =	sdelay $0x3  }
0x36: {  	p1 =	seq.s32 s10, $0x1;
	s10 =	sld [smem:$0x3FB4];
	_ =	sdelay $0x3  }
0x37: {  	[smem:$0x3FB4] =	sst s10  }
0x38: {  	s10 =	sld [smem:$0x3FB5]  }
0x39: {  	_ = 	snop;
	(pc) =	sbr.ind lr, $3  }
0x3a: {  	_ = 	snop  }
0x3b: {  	_ = 	snop  }
0x3c: {  	p2 =	seq.s32 s10, $0x1;
	s10 =	sld [smem:$0x3FB4]  }
0x3d: {  	_ =	shalt  }
0x3e: {  	_ =	shalt  }
0x3f: {  	_ =	shalt  }
0x40: {  	_ =	shalt  }
0x41: {  	_ =	shalt  }
0x42: {  	_ =	shalt  }
0x43: {  	_ =	shalt  }
0x44: {  	_ =	shalt  }
0x45: {  	_ =	shalt  }
0x46: {  	_ =	shalt  }
0x47: {  	_ =	shalt  }
0x48: {  	_ =	shalt  }
0x49: {  	_ =	shalt  }
0x4a: {  	_ =	shalt  }
0x4b: {  	_ =	shalt  }
0x4c: {  	_ =	shalt  }
0x4d: {  	_ =	shalt  }
0x4e: {  	_ =	shalt  }
0x4f: {  	_ =	shalt  }
0x50: {  	_ =	shalt  }
0x51: {  	_ =	shalt  }
0x52: {  	_ =	shalt  }
0x53: {  	_ =	shalt  }
0x54: {  	_ =	shalt  }
0x55: {  	_ =	shalt  }
0x56: {  	_ =	shalt  }
0x57: {  	_ =	shalt  }
0x58: {  	_ =	shalt  }
0x59: {  	_ =	shalt  }
0x5a: {  	_ =	shalt  }
0x5b: {  	_ =	shalt  }
0x5c: {  	_ =	shalt  }
0x5d: {  	_ =	shalt  }
0x5e: {  	_ =	shalt  }
0x5f: {  	_ =	shalt  }
0x60: {  	_ =	shalt  }
0x61: {  	_ =	shalt  }
0x62: {  	_ =	shalt  }
0x63: {  	_ =	shalt  }
0x64: {  	_ =	shalt  }
0x65: {  	_ =	shalt  }
0x66: {  	_ =	shalt  }
0x67: {  	_ =	shalt  }
0x68: {  	_ =	shalt  }
0x69: {  	_ =	shalt  }
0x6a: {  	_ =	shalt  }
0x6b: {  	_ =	shalt  }
0x6c: {  	_ =	shalt  }
0x6d: {  	_ =	shalt  }
0x6e: {  	_ =	shalt  }
0x6f: {  	_ =	shalt  }
0x70: {  	_ =	shalt  }
0x71: {  	_ =	shalt  }
0x72: {  	_ =	shalt  }
0x73: {  	_ =	shalt  }
0x74: {  	_ =	shalt  }
0x75: {  	_ =	shalt  }
0x76: {  	_ =	shalt  }
0x77: {  	_ =	shalt  }
0x78: {  	_ =	shalt  }
0x79: {  	_ =	shalt  }
0x7a: {  	_ =	shalt  }
0x7b: {  	_ =	shalt  }
0x7c: {  	_ =	shalt  }
0x7d: {  	_ =	shalt  }
0x7e: {  	_ =	shalt  }
0x7f: {  	_ =	shalt  }
0x80: {  	_ =	shalt  }
0x81: {  	_ =	shalt  }
0x82: {  	_ =	shalt  }
0x83: {  	_ =	shalt  }
0x84: {  	_ =	shalt  }
0x85: {  	_ =	shalt  }
0x86: {  	_ =	shalt  }
0x87: {  	_ =	shalt  }
.Lfunc_end0:
.L_simem_size_0:
called_computation.1_lowered:
.L_overlay_start_0:
0x88: {  	s2 =	sld [smem:$0x3FD9]  }
0x89: {  	s3 =	sld [smem:$0x3FFE];
	_ =	sdelay $0x1  }
0x8a: {  	s1 =	srdreg.scid  }
0x8b: {  	s0 =	sand.u32 $0x1, s1  }
0x8c: {  	s17 =	sshll.u32 s0, $0xA;
	s2 =	sadd.s32 s3, s2  }
0x8d: {  	s2 =	sadd.s32 s2, s17  }
0x8e: {  	[smem:$0x3FC0] =	sst s2  }
0x8f: {  	_ = 	snop  }
0x90: {  	s2 =	sld [smem:$0x3FD0];
	(tm) =	ssettm $0x1  }
0x91: {  	s18 =	sld [smem:$0x3FFB];
	_ =	sdelay $0x3  }
0x92: {  	_ =	strace s18  }
0x93: {  	s3 =	sld [smem:$0x3FFC];
	_ =	sdelay $0x3  }
0x94: {  	_ =	strace s3  }
0x95: {  	s3 =	sld [smem:$0x3FFD];
	_ =	sdelay $0x3  }
0x96: {  	_ =	strace s3  }
0x97: {  	_ =	strace $0x8FFFFFFF  }
0x98: {  	s19 =	sld [smem:$0x3FDB];
	_ =	sdelay $0x1  }
0x99: {  	s4 =	simm.s32 $_scs_section_size  }
0x9a: {  	s5 =	simm.s32 $_size__tile_overlayer_lowered;
	s6 =	simm.s32 $_tile_overlayer_lowered  }
0x9b: {  	s22 =	simm.s32 $0x1BFF;
	s21 =	sshll.u32 s6, $0x1;
	s3 =	sadd.s32 s4, s19  }
0x9c: {  	s7 =	simm.s32 $0x0;
	s20 =	sshll.u32 s5, $0x1;
	s5 =	sadd.s32 s21, s3  }
0x9d: {  	[timem:s7], [sflag:s22] =	dma.local [hbm:s5], s20  }
0x9e: {  	_ =	swait.ge [sflag:s22], s20  }
0x9f: {  	s4 =	ssub.s32 $0x0, s20;
	[sflag:s22] =	ssyncset.done $0x0  }
0xa0: {  	[sflag:s22] =	ssyncadd.s32 s4;
	_ =	sdelay $0x1  }
0xa1: {  	s23 =	simm.s32 $0x1B8B  }
0xa2: {  	_ =	swait.ge [sflag:s23], $0x1  }
0xa3: {  	[sflag:s23] =	ssyncset.done $0x0  }
0xa4: {  	s25 =	simm.s32 $0x1B8E;
	s24 =	sld [smem:$0x3FFE];
	[sflag:s23] =	ssyncadd.s32 $0xFFFFFFFF  }
0xa5: {  	s26 =	simm.s32 $execute0_lowered;
	[smem:$0x3FD2] =	sst s25  }
0xa6: {  	s5 =	sshll.u32 s26, $0x1;
	_ =	strace $0x80000049;
	[dreg:$0x1] =	wrdreg $0xFFFFFFFF  }
0xa7: {  	s28 =	simm.s32 $_size_execute0_lowered;
	s3 =	sadd.s32 s3, s5;
	[dreg:$0x0] =	wrdreg $0x0  }
0xa8: {  	s5 =	sshll.u32 s28, $0x1;
	[dreg:$0x2] =	wrdreg s3  }
0xa9: {  	[dreg:$0x3] =	wrdreg s5  }
0xaa: {  	[dreg:$0x4] =	wrdreg $0xC0  }
0xab: {  	_ =	task [dreg:s7], $0x5FFFF  }
0xac: {  	[dreg:$0x1] =	wrdreg $0xFFFFFFFF  }
0xad: {  	[dreg:$0x0] =	wrdreg $0x60  }
0xae: {  	[dreg:$0x2] =	wrdreg s2  }
0xaf: {  	[dreg:$0x3] =	wrdreg s24  }
0xb0: {  	[dreg:$0x4] =	wrdreg $0x8CA00  }
0xb1: {  	[dreg:$0x5] =	wrdreg $0x9  }
0xb2: {  	_ =	task.clear_ibuf [dreg:s7], $0x6FFFF;
	_ =	strace $0x90000049  }
0xb3: {  	s29 =	simm.s32 $0x9;
	_ =	strace $0x8000004B  }
0xb4: {  	_ =	swait.ge [sflag:s29], $0x1  }
0xb5: {  	[sflag:s29] =	ssyncadd.s32 $0xFFFFFFFF  }
0xb6: {  	_ =	strace $0x9000004B  }
0xb7: {  	_ =	sfence  }
0xb8: {  	s30 =	sld [smem:$0x0];
	_ =	sdelay $0x2  }
0xb9: {  	s31 =	sshll.u32 s1, $0xD;
	s1 =	sshrl.u32 s1, $0x2  }
0xba: {  	s3 =	sand.u32 $0x4000, s31;
	s1 =	sadd.s32 s1, s30  }
0xbb: {  	s0 =	sor.u32 s3, s0;
	s1 =	sshll.u32 s1, $0x11  }
0xbc: {  	s0 =	sor.u32 s1, s0  }
0xbd: {  	s0 =	sadd.s32 $0x8F2B, s0  }
0xbe: {  	[sflag:s0] =	ssyncadd.remote.s32 $0x1  }
0xbf: {  	_ =	sfence.sel $0xFFFF  }
0xc0: {  	[dreg:$0x0] =	wrdreg $0xFFFFFFFF;
	(pc) =	sbr.abs _section_cstart, $3  }
0xc1: {  	[dreg:$0x1] =	wrdreg $0xFFFFFFFF  }
0xc2: {  	_ =	task.clear_ibuf [dreg:s7], $0x2FFFF;
	_ =	strace $0x9FFFFFFF  }
0xc3: {  	(tm) =	ssettm $0x7FFFFFFF  }
tec
execute0_lowered:
.L_overlay_start_1:
0x0: {  	(tag) =	ssettag $0x1  }
0x1: {  	s4 =	rddreg [dreg:$0x0]  }
0x2: {  	s8 =	rddreg [dreg:$0x1]  }
0x3: {  	s1 =	rddreg [dreg:$0x2]  }
0x4: {  	s2 =	simm.s32 $0x0;
	s3 =	srdreg.scid;
	s0 =	stileid.u32  }
0x5: {  	s14 =	simm.s32 $0x5;
	s16 =	simm.s32 $0x3E8;
	s17 =	simm.s32 $0xFA0  }
0x6: {  	s19 =	simm.s32 $0x7D0;
	s20 =	simm.s32 $0xBB8;
	s21 =	simm.s32 $0x1  }
0x7: {  	s22 =	simm.s32 $0x4E20;
	s23 =	simm.s32 $0x3;
	s26 =	simm.s32 $0x4  }
0x8: {  	s28 =	simm.s32 $0x0;
	[smem:$0x7FF] =	sst s2;
	s7 =	smul.u32 $0xC400, s0  }
0x9: {  	s5 =	sand.u32 $0x1, s3;
	s12 =	sadd.s32 $0x1A00, s8;
	s11 =	smul.u32 $0xC350, s0  }
0xa: {  	s31 =	sshll.u32 s0, $0x6;
	s6 =	smul.u32 $0x18800, s5;
	s5 =	ssub.s32 $0x2, s5  }
0xb: {  	s18 =	smul.u32 $0x186A, s0;
	_ =	strace $0x8000004A;
	s10 =	sshrl.u32 s5, $0x1  }
0xc: {  	s13 =	sadd.s32 s7, s1;
	s24 =	sshrl.u32 s7, $0x3;
	s15 =	sshrl.u32 s11, $0x3  }
0xd: {  	s11 =	sadd.s32 $0xBF68, s11;
	s9 =	sadd.s32 s6, s8;
	s10 =	ssub.s32 s5, s10  }
0xe: {  	s4 =	sadd.s32 s4, s6;
	s6 =	sor.u32 $0x1C05, s31;
	s7 =	sadd.s32 s12, s15  }
0xf: {  	s8 =	sadd.s32 $0x1A0A0, s8;
	s13 =	sshrl.u32 s13, $0x3;
	s5 =	sadd.s32 s24, s4  }
0x10: {  	s25 =	sadd.s32 $0x32800, s9;
	s9 =	sshrl.u32 s11, $0x3;
	s10 =	smax.u32 s10, $0x1  }
0x11: {  	s15 =	sadd.s32 s15, s8;
	s11 =	sadd.s32 s12, s9;
	s12 =	sadd.s32 s18, s12  }
0x12: {  	s18 =	sadd.s32 s8, s18;
	s24 =	sadd.s32 s24, s25;
	s25 =	simm.s32 $0x2  }
.LBB2_1:
0x13: {  	[spmem:s13], [sflag:s6] =	dma.local [hbm:s5], $0x1880  }
0x14: {  	_ =	swait.ge [sflag:s14], $0x1880  }
0x15: {  	[sflag:s14] =	ssyncset.done $0x0  }
0x16: {  	[sflag:s14] =	ssyncadd.s32 $0xFFFFE780  }
0x17: {  	[bflag:$0x0] =	sbarrier.arrive $0xFFFF  }
0x18: {  	[tilespmem:s2], [sflag:$0x5] =	stream.linear.gather [hbm4b:s7+s2], $0x3E8, $0x38;
	[tilespmem:$0x150A0] =	vst v63  }
0x19: {  	_ =	swait.ge [sflag:s14], $0x3E8  }
0x1a: {  	[sflag:s14] =	ssyncset.done $0x0  }
0x1b: {  	[sflag:s14] =	ssyncadd.s32 $0xFFFFFC18  }
0x1c: {  	[tilespmem:s16], [sflag:$0x5] =	stream.linear.gather [hbm4b:s15+s2], $0x3E8, $0x38;
	[tilespmem:$0x150A0] =	vst v63  }
0x1d: {  	_ =	swait.ge [sflag:s14], $0x3E8  }
0x1e: {  	[sflag:s14] =	ssyncset.done $0x0  }
0x1f: {  	s29 =	sadd.s32 $0xFFFFE890, s12;
	[sflag:s14] =	ssyncadd.s32 $0xFFFFFC18  }
0x20: {  	[tilespmem:s17], [sflag:$0x1] =	stream.indirect.gather [hbm4b:s4+s16], $0x10, s2, s16, $0xb8;
	[tilespmem:$0x150A0] =	vst v63  }
0x21: {  	s30 =	sadd.s32 $0x17ED, s29  }
0x22: {  	[tilespmem:s19], [sflag:$0x5] =	stream.linear.gather [hbm4b:s30+s2], $0x3E8, $0x38;
	[tilespmem:$0x150A0] =	vst v63  }
0x23: {  	_ =	swait.ge [sflag:s14], $0x3E8  }
0x24: {  	s3 =	sadd.s32 $0xFFFFE890, s18;
	[sflag:s14] =	ssyncset.done $0x0  }
0x25: {  	s31 =	sadd.s32 $0x17ED, s3;
	[sflag:s14] =	ssyncadd.s32 $0xFFFFFC18  }
0x26: {  	[tilespmem:s20], [sflag:$0x5] =	stream.linear.gather [hbm4b:s31+s2], $0x3E8, $0x38;
	[tilespmem:$0x150A0] =	vst v63  }
0x27: {  	_ =	swait.ge [sflag:s14], $0x3E8  }
0x28: {  	[sflag:s14] =	ssyncset.done $0x0  }
0x29: {  	[sflag:s14] =	ssyncadd.s32 $0xFFFFFC18  }
0x2a: {  	_ =	swait.ge [sflag:s21], $0x3E80  }
0x2b: {  	[sflag:s21] =	ssyncset.done $0x0  }
0x2c: {  	[sflag:s21] =	ssyncadd.s32 $0xFFFFC180  }
0x2d: {  	[spmem:s1] =	stream.indirect.scatter.add.f32 [tilespmem:s17], [sflag:$0x3], $0x10, s16, s16, $0xb8;
	[tilespmem:$0x150A0] =	vst v63  }
0x2e: {  	_ = 	snop  }
0x2f: {  	[tilespmem:s22], [sflag:$0x2] =	stream.indirect.gather [hbm4b:s4+s16], $0x10, s19, s16, $0xb8;
	[tilespmem:$0x150A0] =	vst v63  }
0x30: {  	_ =	swait.ge [sflag:s23], $0x3E80  }
0x31: {  	[sflag:s23] =	ssyncset.done $0x0  }
0x32: {  	s29 =	sadd.s32 $0x186A, s29;
	[sflag:s23] =	ssyncadd.s32 $0xFFFFC180  }
0x33: {  	[tilespmem:s2], [sflag:$0x5] =	stream.linear.gather [hbm4b:s29+s2], $0x3E8, $0x38;
	[tilespmem:$0x150A0] =	vst v63  }
0x34: {  	_ =	swait.ge [sflag:s14], $0x3E8  }
0x35: {  	[sflag:s14] =	ssyncset.done $0x0  }
0x36: {  	s29 =	sadd.s32 $0x186A, s3;
	[sflag:s14] =	ssyncadd.s32 $0xFFFFFC18  }
0x37: {  	[tilespmem:s16], [sflag:$0x5] =	stream.linear.gather [hbm4b:s29+s2], $0x3E8, $0x38;
	[tilespmem:$0x150A0] =	vst v63  }
0x38: {  	_ =	swait.ge [sflag:s14], $0x3E8  }
0x39: {  	[sflag:s14] =	ssyncset.done $0x0  }
0x3a: {  	[sflag:s14] =	ssyncadd.s32 $0xFFFFFC18  }
0x3b: {  	_ =	swait.ge [sflag:s25], $0x3E80  }
0x3c: {  	[sflag:s25] =	ssyncset.done $0x0  }
0x3d: {  	[sflag:s25] =	ssyncadd.s32 $0xFFFFC180  }
0x3e: {  	[spmem:s1] =	stream.indirect.scatter.add.f32 [tilespmem:s22], [sflag:$0x4], $0x10, s20, s16, $0xb8;
	[tilespmem:$0x150A0] =	vst v63  }
0x3f: {  	_ = 	snop  }
0x40: {  	[tilespmem:s17], [sflag:$0x1] =	stream.indirect.gather [hbm4b:s4+s16], $0x10, s2, s16, $0xb8;
	[tilespmem:$0x150A0] =	vst v63  }
0x41: {  	_ =	swait.ge [sflag:s26], $0x3E80  }
0x42: {  	s31 =	simm.s32 $0xFFFFEA84;
	s29 =	simm.s32 $0xFFFFE98A;
	[sflag:s26] =	ssyncset.done $0x0  }
.LBB2_2:
0x43: {  	s0 =	sadd.s32 s29, s12  }
0x44: {  	[sflag:s26] =	ssyncadd.s32 $0xFFFFC180;
	s3 =	smov.u32 s31;
	s30 =	sadd.s32 $0xFA, s31  }
0x45: {  	p0 =	sne.s32 s31, $0xFFFFFF06;
	s31 =	sadd.s32 $0x17ED, s0  }
0x46: {  	[tilespmem:s19], [sflag:$0x5] =	stream.linear.gather [hbm4b:s31+s2], $0x3E8, $0x38;
	[tilespmem:$0x150A0] =	vst v63  }
0x47: {  	_ =	swait.ge [sflag:s14], $0x3E8  }
0x48: {  	s31 =	sadd.s32 s29, s18;
	s29 =	smov.u32 s3;
	[sflag:s14] =	ssyncset.done $0x0  }
0x49: {  	s3 =	sadd.s32 $0x17ED, s31;
	[sflag:s14] =	ssyncadd.s32 $0xFFFFFC18  }
0x4a: {  	[tilespmem:s20], [sflag:$0x5] =	stream.linear.gather [hbm4b:s3+s2], $0x3E8, $0x38;
	[tilespmem:$0x150A0] =	vst v63  }
0x4b: {  	_ =	swait.ge [sflag:s14], $0x3E8  }
0x4c: {  	[sflag:s14] =	ssyncset.done $0x0  }
0x4d: {  	[sflag:s14] =	ssyncadd.s32 $0xFFFFFC18  }
0x4e: {  	_ =	swait.ge [sflag:s21], $0x3E80  }
0x4f: {  	[sflag:s21] =	ssyncset.done $0x0  }
0x50: {  	[sflag:s21] =	ssyncadd.s32 $0xFFFFC180  }
0x51: {  	[spmem:s1] =	stream.indirect.scatter.add.f32 [tilespmem:s17], [sflag:$0x3], $0x10, s16, s16, $0xb8;
	[tilespmem:$0x150A0] =	vst v63  }
0x52: {  	_ = 	snop  }
0x53: {  	[tilespmem:s22], [sflag:$0x2] =	stream.indirect.gather [hbm4b:s4+s16], $0x10, s19, s16, $0xb8;
	[tilespmem:$0x150A0] =	vst v63  }
0x54: {  	_ =	swait.ge [sflag:s23], $0x3E80  }
0x55: {  	[sflag:s23] =	ssyncset.done $0x0  }
0x56: {  	s0 =	sadd.s32 $0x186A, s0;
	[sflag:s23] =	ssyncadd.s32 $0xFFFFC180  }
0x57: {  	[tilespmem:s2], [sflag:$0x5] =	stream.linear.gather [hbm4b:s0+s2], $0x3E8, $0x38;
	[tilespmem:$0x150A0] =	vst v63  }
0x58: {  	_ =	swait.ge [sflag:s14], $0x3E8  }
0x59: {  	[sflag:s14] =	ssyncset.done $0x0  }
0x5a: {  	s0 =	sadd.s32 $0x186A, s31;
	[sflag:s14] =	ssyncadd.s32 $0xFFFFFC18  }
0x5b: {  	[tilespmem:s16], [sflag:$0x5] =	stream.linear.gather [hbm4b:s0+s2], $0x3E8, $0x38;
	[tilespmem:$0x150A0] =	vst v63  }
0x5c: {  	_ =	swait.ge [sflag:s14], $0x3E8  }
0x5d: {  	[sflag:s14] =	ssyncset.done $0x0  }
0x5e: {  	[sflag:s14] =	ssyncadd.s32 $0xFFFFFC18  }
0x5f: {  	_ =	swait.ge [sflag:s25], $0x3E80  }
0x60: {  	[sflag:s25] =	ssyncset.done $0x0  }
0x61: {  	[sflag:s25] =	ssyncadd.s32 $0xFFFFC180  }
0x62: {  	[spmem:s1] =	stream.indirect.scatter.add.f32 [tilespmem:s22], [sflag:$0x4], $0x10, s20, s16, $0xb8;
	[tilespmem:$0x150A0] =	vst v63  }
.Ltmp0:
0x63: {  	_ = 	snop;
	(pc) =	sbr.rel @p0 .LBB2_2-.Ltmp0, $4  }
0x64: {  	_ = 	snop  }
0x65: {  	[tilespmem:s17], [sflag:$0x1] =	stream.indirect.gather [hbm4b:s4+s16], $0x10, s2, s16, $0xb8;
	[tilespmem:$0x150A0] =	vst v63  }
0x66: {  	_ =	swait.ge [sflag:s26], $0x3E80  }
0x67: {  	s31 =	smov.u32 s30;
	[sflag:s26] =	ssyncset.done $0x0  }
0x68: {  	s0 =	sadd.s32 s29, s12  }
0x69: {  	[sflag:s26] =	ssyncadd.s32 $0xFFFFC180;
	s3 =	sadd.s32 $0x17ED, s0  }
0x6a: {  	[tilespmem:s19], [sflag:$0x5] =	stream.linear.gather [hbm4b:s3+s2], $0x3E8, $0x38;
	[tilespmem:$0x150A0] =	vst v63  }
0x6b: {  	_ =	swait.ge [sflag:s14], $0x3E8  }
0x6c: {  	s31 =	sadd.s32 s29, s18;
	[sflag:s14] =	ssyncset.done $0x0  }
0x6d: {  	s29 =	sadd.s32 $0x17ED, s31;
	[sflag:s14] =	ssyncadd.s32 $0xFFFFFC18  }
0x6e: {  	[tilespmem:s20], [sflag:$0x5] =	stream.linear.gather [hbm4b:s29+s2], $0x3E8, $0x38;
	[tilespmem:$0x150A0] =	vst v63  }
0x6f: {  	_ =	swait.ge [sflag:s14], $0x3E8  }
0x70: {  	[sflag:s14] =	ssyncset.done $0x0  }
0x71: {  	[sflag:s14] =	ssyncadd.s32 $0xFFFFFC18  }
0x72: {  	_ =	swait.ge [sflag:s21], $0x3E80  }
0x73: {  	[sflag:s21] =	ssyncset.done $0x0  }
0x74: {  	[sflag:s21] =	ssyncadd.s32 $0xFFFFC180  }
0x75: {  	[spmem:s1] =	stream.indirect.scatter.add.f32 [tilespmem:s17], [sflag:$0x3], $0x10, s16, s16, $0xb8;
	[tilespmem:$0x150A0] =	vst v63  }
0x76: {  	_ = 	snop  }
0x77: {  	[tilespmem:s22], [sflag:$0x2] =	stream.indirect.gather [hbm4b:s4+s16], $0x10, s19, s16, $0xb8;
	[tilespmem:$0x150A0] =	vst v63  }
0x78: {  	_ =	swait.ge [sflag:s23], $0x3E80  }
0x79: {  	[sflag:s23] =	ssyncset.done $0x0  }
0x7a: {  	s0 =	sadd.s32 $0x186A, s0;
	[sflag:s23] =	ssyncadd.s32 $0xFFFFC180  }
0x7b: {  	[tilespmem:s2], [sflag:$0x5] =	stream.linear.gather [hbm4b:s0+s2], $0x3E8, $0x38;
	[tilespmem:$0x150A0] =	vst v63  }
0x7c: {  	_ =	swait.ge [sflag:s14], $0x3E8  }
0x7d: {  	[sflag:s14] =	ssyncset.done $0x0  }
0x7e: {  	s30 =	sadd.s32 $0x186A, s31;
	[sflag:s14] =	ssyncadd.s32 $0xFFFFFC18  }
0x7f: {  	[tilespmem:s16], [sflag:$0x5] =	stream.linear.gather [hbm4b:s30+s2], $0x3E8, $0x38;
	[tilespmem:$0x150A0] =	vst v63  }
0x80: {  	_ =	swait.ge [sflag:s14], $0x3E8  }
0x81: {  	[sflag:s14] =	ssyncset.done $0x0  }
0x82: {  	[sflag:s14] =	ssyncadd.s32 $0xFFFFFC18  }
0x83: {  	_ =	swait.ge [sflag:s25], $0x3E80  }
0x84: {  	[sflag:s25] =	ssyncset.done $0x0  }
0x85: {  	[sflag:s25] =	ssyncadd.s32 $0xFFFFC180  }
0x86: {  	[spmem:s1] =	stream.indirect.scatter.add.f32 [tilespmem:s22], [sflag:$0x4], $0x10, s20, s16, $0xb8;
	[tilespmem:$0x150A0] =	vst v63  }
0x87: {  	_ = 	snop  }
0x88: {  	[tilespmem:s17], [sflag:$0x1] =	stream.indirect.gather [hbm4b:s4+s16], $0x10, s2, s16, $0xb8;
	[tilespmem:$0x150A0] =	vst v63  }
0x89: {  	_ =	swait.ge [sflag:s26], $0x3E80  }
0x8a: {  	[sflag:s26] =	ssyncset.done $0x0  }
0x8b: {  	[sflag:s26] =	ssyncadd.s32 $0xFFFFC180  }
0x8c: {  	[tilespmem:s19], [sflag:$0x5] =	stream.linear.gather [hbm4b:s11+s2], $0x3E8, $0x38;
	[tilespmem:$0x150A0] =	vst v63  }
0x8d: {  	_ =	swait.ge [sflag:s14], $0x3E8  }
0x8e: {  	[sflag:s14] =	ssyncset.done $0x0  }
0x8f: {  	s31 =	sadd.s32 s8, s9;
	[sflag:s14] =	ssyncadd.s32 $0xFFFFFC18  }
0x90: {  	[tilespmem:s20], [sflag:$0x5] =	stream.linear.gather [hbm4b:s31+s2], $0x3E8, $0x38;
	[tilespmem:$0x150A0] =	vst v63  }
0x91: {  	_ =	swait.ge [sflag:s14], $0x3E8  }
0x92: {  	[sflag:s14] =	ssyncset.done $0x0  }
0x93: {  	[sflag:s14] =	ssyncadd.s32 $0xFFFFFC18  }
0x94: {  	_ =	swait.ge [sflag:s21], $0x3E80  }
0x95: {  	[sflag:s21] =	ssyncset.done $0x0  }
0x96: {  	[sflag:s21] =	ssyncadd.s32 $0xFFFFC180  }
0x97: {  	[spmem:s1] =	stream.indirect.scatter.add.f32 [tilespmem:s17], [sflag:$0x3], $0x10, s16, s16, $0xb8;
	[tilespmem:$0x150A0] =	vst v63  }
0x98: {  	_ = 	snop  }
0x99: {  	[tilespmem:s22], [sflag:$0x2] =	stream.indirect.gather [hbm4b:s4+s16], $0x10, s19, s16, $0xb8;
	[tilespmem:$0x150A0] =	vst v63  }
0x9a: {  	_ =	swait.ge [sflag:s23], $0x3E80  }
0x9b: {  	[sflag:s23] =	ssyncset.done $0x0  }
0x9c: {  	[sflag:s23] =	ssyncadd.s32 $0xFFFFC180  }
0x9d: {  	_ =	swait.ge [sflag:s25], $0x3E80  }
0x9e: {  	[sflag:s25] =	ssyncset.done $0x0  }
0x9f: {  	[sflag:s25] =	ssyncadd.s32 $0xFFFFC180  }
0xa0: {  	[spmem:s1] =	stream.indirect.scatter.add.f32 [tilespmem:s22], [sflag:$0x4], $0x10, s20, s16, $0xb8;
	[tilespmem:$0x150A0] =	vst v63  }
0xa1: {  	_ =	swait.ge [sflag:s26], $0x3E80  }
0xa2: {  	s28 =	sadd.s32 $0x1, s28;
	[sflag:s26] =	ssyncset.done $0x0  }
0xa3: {  	p0 =	sne.s32 s28, s10;
	[sflag:s26] =	ssyncadd.s32 $0xFFFFC180  }
.Ltmp1:
0xa4: {  	[bflag:$0x0] =	sbarrier.arrive $0xFFFF;
	(pc) =	sbr.rel @p0 .LBB2_1-.Ltmp1, $4  }
0xa5: {  	[hbm:s24], [sflag:s6] =	dma.local [spmem:s13], $0x1880  }
0xa6: {  	_ =	swait.ge [sflag:s14], $0x1880  }
0xa7: {  	[sflag:s14] =	ssyncset.done $0x0  }
0xa8: {  	[sflag:s14] =	ssyncadd.s32 $0xFFFFE780  }
0xa9: {  	_ =	sfence.sel $0x180000  }
0xaa: {  	[bflag:$0x0] =	sbarrier.arrive $0xFFFF  }
0xab: {  	_ =	strace $0x9000004A  }
0xac: {  	s0 =	stileid.u32;
	[bflag:$0x2] =	sbarrier.arrive $0xFFFF  }
0xad: {  	p0 =	sne.s32 s0, $0x0;
	s0 =	rddreg [dreg:$0x3]  }
0xae: {  	s0 =	sadd.s32 @!p0 $0x100000, s0  }
0xaf: {  	[sflag:s0] =	ssyncadd.tile.s32 @!p0 $0x1;
	_ =	shalt  }
.Lfunc_end2:
_tile_overlayer_lowered:
.L_overlay_start_2:
0xb0: {  	(tag) =	ssettag $0x2  }
0xb1: {  	s0 =	rddreg [dreg:$0x0];
	s2 =	stileid.u32  }
0xb2: {  	s1 =	rddreg [dreg:$0x1];
	p0 =	sne.s32 s2, $0x0  }
0xb3: {  	s3 =	rddreg [dreg:$0x2];
	[bflag:$0x3] =	sbarrier.arrive $0xFFFF;
	s2 =	simm.s32 @!p0 $0x1C05  }
0xb4: {  	[timem:s3], [sflag:s2] =	dma.local @!p0 [hbm:s0], s1  }
0xb5: {  	s0 =	simm.s32 @!p0 $0x5  }
0xb6: {  	_ =	swait.ge @!p0 [sflag:s0], s1  }
0xb7: {  	s1 =	ssub.s32 @!p0 $0x0, s1;
	[sflag:s0] =	ssyncset.done @!p0 $0x0  }
0xb8: {  	[sflag:s0] =	ssyncadd.s32 @!p0 s1  }
0xb9: {  	[bflag:$0x3] =	sbarrier.arrive $0xFFFF  }
0xba: {  	_ =	shalt  }

// kernel: kernel.16.cloned.1.call-start
scs
__scs_entry_jumppad:
0x0: {  	(pc) =	sbr.rel $0x88, $3  }
0x1: {  	(tag) =	ssettag $0x0;
	lr =	simm.s32 $0x1  }
0x2: {  	[smem:$0x3F99] =	sst lr;
	_ =	strace $0xD0000000  }
0x3: {  	_ = 	snop  }
0x4: {  	_ = 	snop  }
0x5: {  	_ = 	snop  }
0x6: {  	_ = 	snop  }
0x7: {  	_ = 	snop  }
__scs_overlays_trampoline_lowered:
0x8: {  	[smem:$0x3FA8] =	sst s0  }
0x9: {  	[smem:$0x3FA9] =	sst s1  }
0xa: {  	[smem:$0x3FAA] =	sst s2  }
0xb: {  	[smem:$0x3FAB] =	sst s3  }
0xc: {  	[smem:$0x3FAC] =	sst s4  }
0xd: {  	[smem:$0x3FAD] =	sst s5  }
0xe: {  	[smem:$0x3FAE] =	sst s6  }
0xf: {  	[smem:$0x3FAF] =	sst s7  }
0x10: {  	[smem:$0x3FB0] =	sst s8  }
0x11: {  	[smem:$0x3FB1] =	sst s9;
	s0 =	simm.s32 @!p0 $0x0  }
0x12: {  	s1 =	sld [smem:$0x3F97];
	s0 =	simm.s32 @p0 $0x1  }
0x13: {  	[smem:$0x3FB2] =	sst s0;
	s0 =	simm.s32 @!p1 $0x0  }
0x14: {  	s2 =	sld [smem:$0x3F96];
	s0 =	simm.s32 @p1 $0x1  }
0x15: {  	[smem:$0x3FB3] =	sst s0;
	s0 =	simm.s32 @!p2 $0x0  }
0x16: {  	s3 =	sld [smem:$0x3FDB];
	s0 =	simm.s32 @p2 $0x1  }
0x17: {  	s4 =	simm.s32 $0x1BF5;
	[smem:$0x3FB5] =	sst s0  }
0x18: {  	s0 =	sld [smem:$0x3F98];
	_ =	swait.ge [sflag:s4], $0x0  }
0x19: {  	s7 =	sld [smem:$0x3F99]  }
0x1a: {  	s8 =	sadd.s32 $0xFFFFE003, lr  }
0x1b: {  	s9 =	sadd.s32 $0xFFFFFEF7, lr;
	s5 =	simm.s32 $0xFFFFFFFF;
	p2 =	slt.u32 s8, $0xFFFFF086  }
0x1c: {  	p1 =	slt.u32 s9, $0xF7A;
	s5 =	simm.s32 @!p2 $0x0  }
0x1d: {  	s5 =	simm.s32 @p1 $0x1;
	p0 =	seq.s32 s7, s2  }
0x1e: {  	s7 =	smul.u32 @!p0 $0xF7A, s2;
	p2 =	seq.s32 @!p0 s5, $0x0  }
0x1f: {  	s9 =	smul.u32 $0xF7A, s1;
	s8 =	simm.s32 @!p0 $0x1BF5;
	p2 =	por !p2, p0  }
0x20: {  	[sflag:s8] =	ssyncset.s32 @!p0 $0xFFFFF086;
	s6 =	sadd.s32 @!p0 s3, s7;
	s7 =	simm.s32 @!p0 $0x108  }
0x21: {  	s3 =	sadd.s32 s3, s9;
	s6 =	sadd.s32 @!p0 $0x88, s6;
	s7 =	simm.s32 @p2 $0x1082  }
0x22: {  	[simem:s7], [sflag:s8] =	dma.local @!p0 [hbm:s6], $0xF7A  }
0x23: {  	s9 =	sor.u32 $0xD0000000, s2;
	s6 =	simm.s32 $0x108;
	_ =	swait.ge @!p0 [sflag:s8], $0x0  }
0x24: {  	s3 =	sadd.s32 $0x88, s3;
	s6 =	simm.s32 @!p1 $0x1082;
	[sflag:s4] =	ssyncset.s32 $0xFFFFF086  }
0x25: {  	[simem:s6], [sflag:s4] =	dma.local [hbm:s3], $0xF7A  }
0x26: {  	[smem:$0x3F99] =	sst s1;
	(tag) =	ssettag s2;
	_ =	strace s9  }
0x27: {  	s1 =	sld [smem:$0x3FA9]  }
0x28: {  	s2 =	sld [smem:$0x3FAA]  }
0x29: {  	s4 =	sld [smem:$0x3FAC]  }
0x2a: {  	p0 =	seq.s32 s5, $0x0;
	s5 =	sld [smem:$0x3FAD]  }
0x2b: {  	s6 =	sld [smem:$0x3FAE]  }
0x2c: {  	s7 =	sld [smem:$0x3FAF]  }
0x2d: {  	s3 =	simm.s32 $0x108;
	s8 =	sld [smem:$0x3FB0]  }
0x2e: {  	s3 =	simm.s32 @!p0 $0x1082;
	s9 =	sld [smem:$0x3FB1]  }
0x2f: {  	lr =	sadd.s32 s0, s3;
	s0 =	sld [smem:$0x3FA8]  }
0x30: {  	s3 =	sld [smem:$0x3FAB]  }
0x31: {  	[smem:$0x3FB4] =	sst s10  }
0x32: {  	s10 =	sld [smem:$0x3FB2];
	_ =	sdelay $0x3  }
0x33: {  	p0 =	seq.s32 s10, $0x1;
	s10 =	sld [smem:$0x3FB4];
	_ =	sdelay $0x3  }
0x34: {  	[smem:$0x3FB4] =	sst s10  }
0x35: {  	s10 =	sld [smem:$0x3FB3];
	_ =	sdelay $0x3  }
0x36: {  	p1 =	seq.s32 s10, $0x1;
	s10 =	sld [smem:$0x3FB4];
	_ =	sdelay $0x3  }
0x37: {  	[smem:$0x3FB4] =	sst s10  }
0x38: {  	s10 =	sld [smem:$0x3FB5]  }
0x39: {  	_ = 	snop;
	(pc) =	sbr.ind lr, $3  }
0x3a: {  	_ = 	snop  }
0x3b: {  	_ = 	snop  }
0x3c: {  	p2 =	seq.s32 s10, $0x1;
	s10 =	sld [smem:$0x3FB4]  }
0x3d: {  	_ =	shalt  }
0x3e: {  	_ =	shalt  }
0x3f: {  	_ =	shalt  }
0x40: {  	_ =	shalt  }
0x41: {  	_ =	shalt  }
0x42: {  	_ =	shalt  }
0x43: {  	_ =	shalt  }
0x44: {  	_ =	shalt  }
0x45: {  	_ =	shalt  }
0x46: {  	_ =	shalt  }
0x47: {  	_ =	shalt  }
0x48: {  	_ =	shalt  }
0x49: {  	_ =	shalt  }
0x4a: {  	_ =	shalt  }
0x4b: {  	_ =	shalt  }
0x4c: {  	_ =	shalt  }
0x4d: {  	_ =	shalt  }
0x4e: {  	_ =	shalt  }
0x4f: {  	_ =	shalt  }
0x50: {  	_ =	shalt  }
0x51: {  	_ =	shalt  }
0x52: {  	_ =	shalt  }
0x53: {  	_ =	shalt  }
0x54: {  	_ =	shalt  }
0x55: {  	_ =	shalt  }
0x56: {  	_ =	shalt  }
0x57: {  	_ =	shalt  }
0x58: {  	_ =	shalt  }
0x59: {  	_ =	shalt  }
0x5a: {  	_ =	shalt  }
0x5b: {  	_ =	shalt  }
0x5c: {  	_ =	shalt  }
0x5d: {  	_ =	shalt  }
0x5e: {  	_ =	shalt  }
0x5f: {  	_ =	shalt  }
0x60: {  	_ =	shalt  }
0x61: {  	_ =	shalt  }
0x62: {  	_ =	shalt  }
0x63: {  	_ =	shalt  }
0x64: {  	_ =	shalt  }
0x65: {  	_ =	shalt  }
0x66: {  	_ =	shalt  }
0x67: {  	_ =	shalt  }
0x68: {  	_ =	shalt  }
0x69: {  	_ =	shalt  }
0x6a: {  	_ =	shalt  }
0x6b: {  	_ =	shalt  }
0x6c: {  	_ =	shalt  }
0x6d: {  	_ =	shalt  }
0x6e: {  	_ =	shalt  }
0x6f: {  	_ =	shalt  }
0x70: {  	_ =	shalt  }
0x71: {  	_ =	shalt  }
0x72: {  	_ =	shalt  }
0x73: {  	_ =	shalt  }
0x74: {  	_ =	shalt  }
0x75: {  	_ =	shalt  }
0x76: {  	_ =	shalt  }
0x77: {  	_ =	shalt  }
0x78: {  	_ =	shalt  }
0x79: {  	_ =	shalt  }
0x7a: {  	_ =	shalt  }
0x7b: {  	_ =	shalt  }
0x7c: {  	_ =	shalt  }
0x7d: {  	_ =	shalt  }
0x7e: {  	_ =	shalt  }
0x7f: {  	_ =	shalt  }
0x80: {  	_ =	shalt  }
0x81: {  	_ =	shalt  }
0x82: {  	_ =	shalt  }
0x83: {  	_ =	shalt  }
0x84: {  	_ =	shalt  }
0x85: {  	_ =	shalt  }
0x86: {  	_ =	shalt  }
0x87: {  	_ =	shalt  }
.Lfunc_end0:
.L_simem_size_0:
called_computation.2_lowered:
.L_overlay_start_0:
0x88: {  	s2 =	sld [smem:$0x3FD9]  }
0x89: {  	s3 =	sld [smem:$0x3FFE];
	_ =	sdelay $0x1  }
0x8a: {  	s1 =	srdreg.scid  }
0x8b: {  	s0 =	sand.u32 $0x1, s1  }
0x8c: {  	s16 =	sshll.u32 s0, $0xA;
	s2 =	sadd.s32 s3, s2  }
0x8d: {  	s2 =	sadd.s32 s2, s16  }
0x8e: {  	[smem:$0x3FC0] =	sst s2  }
0x8f: {  	_ = 	snop  }
0x90: {  	(tm) =	ssettm $0x1  }
0x91: {  	s17 =	sld [smem:$0x3FFB];
	_ =	sdelay $0x3  }
0x92: {  	_ =	strace s17  }
0x93: {  	s2 =	sld [smem:$0x3FFC];
	_ =	sdelay $0x3  }
0x94: {  	_ =	strace s2  }
0x95: {  	s2 =	sld [smem:$0x3FFD];
	_ =	sdelay $0x3  }
0x96: {  	_ =	strace s2  }
0x97: {  	_ =	strace $0x8FFFFFFF  }
0x98: {  	s18 =	sld [smem:$0x3FDB];
	_ =	sdelay $0x1  }
0x99: {  	s19 =	simm.s32 $_scs_section_size  }
0x9a: {  	s4 =	simm.s32 $_size__tile_overlayer_lowered;
	s5 =	simm.s32 $_tile_overlayer_lowered  }
0x9b: {  	s22 =	simm.s32 $0x1BFF;
	s21 =	sshll.u32 s5, $0x1;
	s2 =	sadd.s32 s19, s18  }
0x9c: {  	s6 =	simm.s32 $0x0;
	s20 =	sshll.u32 s4, $0x1;
	s4 =	sadd.s32 s21, s2  }
0x9d: {  	[timem:s6], [sflag:s22] =	dma.local [hbm:s4], s20  }
0x9e: {  	_ =	swait.ge [sflag:s22], s20  }
0x9f: {  	s3 =	ssub.s32 $0x0, s20;
	[sflag:s22] =	ssyncset.done $0x0  }
0xa0: {  	[sflag:s22] =	ssyncadd.s32 s3;
	_ =	sdelay $0x1  }
0xa1: {  	s23 =	simm.s32 $0x1B8B  }
0xa2: {  	_ =	swait.ge [sflag:s23], $0x1  }
0xa3: {  	[sflag:s23] =	ssyncset.done $0x0  }
0xa4: {  	s25 =	simm.s32 $0x1B8E;
	s24 =	sld [smem:$0x3FFE];
	[sflag:s23] =	ssyncadd.s32 $0xFFFFFFFF  }
0xa5: {  	s26 =	simm.s32 $execute0_lowered;
	[smem:$0x3FD2] =	sst s25  }
0xa6: {  	s4 =	sshll.u32 s26, $0x1;
	_ =	strace $0x8000004C;
	[dreg:$0x1] =	wrdreg $0xFFFFFFFF  }
0xa7: {  	s28 =	simm.s32 $_size_execute0_lowered;
	s2 =	sadd.s32 s2, s4;
	[dreg:$0x0] =	wrdreg $0x0  }
0xa8: {  	s4 =	sshll.u32 s28, $0x1;
	[dreg:$0x2] =	wrdreg s2  }
0xa9: {  	[dreg:$0x3] =	wrdreg s4  }
0xaa: {  	[dreg:$0x4] =	wrdreg $0xC0  }
0xab: {  	_ =	task [dreg:s6], $0x5FFFF  }
0xac: {  	[dreg:$0x1] =	wrdreg $0xFFFFFFFF  }
0xad: {  	[dreg:$0x0] =	wrdreg $0x60  }
0xae: {  	[dreg:$0x2] =	wrdreg s24  }
0xaf: {  	[dreg:$0x3] =	wrdreg $0x35200  }
0xb0: {  	[dreg:$0x4] =	wrdreg $0x9  }
0xb1: {  	_ =	task.clear_ibuf [dreg:s6], $0x5FFFF;
	_ =	strace $0x9000004C  }
0xb2: {  	s29 =	simm.s32 $0x9;
	_ =	strace $0x8000004E  }
0xb3: {  	_ =	swait.ge [sflag:s29], $0x1  }
0xb4: {  	[sflag:s29] =	ssyncadd.s32 $0xFFFFFFFF  }
0xb5: {  	_ =	strace $0x9000004E  }
0xb6: {  	_ =	sfence  }
0xb7: {  	s30 =	sld [smem:$0x0];
	_ =	sdelay $0x2  }
0xb8: {  	s31 =	sshll.u32 s1, $0xD;
	s1 =	sshrl.u32 s1, $0x2  }
0xb9: {  	s3 =	sand.u32 $0x4000, s31;
	s1 =	sadd.s32 s1, s30  }
0xba: {  	s0 =	sor.u32 s3, s0;
	s1 =	sshll.u32 s1, $0x11  }
0xbb: {  	s0 =	sor.u32 s1, s0  }
0xbc: {  	s0 =	sadd.s32 $0x8F2B, s0  }
0xbd: {  	[sflag:s0] =	ssyncadd.remote.s32 $0x1  }
0xbe: {  	_ =	sfence.sel $0xFFFF  }
0xbf: {  	[dreg:$0x0] =	wrdreg $0xFFFFFFFF;
	(pc) =	sbr.abs _section_cstart, $3  }
0xc0: {  	[dreg:$0x1] =	wrdreg $0xFFFFFFFF  }
0xc1: {  	_ =	task.clear_ibuf [dreg:s6], $0x2FFFF;
	_ =	strace $0x9FFFFFFF  }
0xc2: {  	(tm) =	ssettm $0x7FFFFFFF  }
0xc3: {  	_ =	shalt  }
tec
execute0_lowered:
.L_overlay_start_1:
0x0: {  	(tag) =	ssettag $0x1  }
0x1: {  	s8 =	rddreg [dreg:$0x0]  }
0x2: {  	s1 =	rddreg [dreg:$0x1]  }
0x3: {  	s2 =	simm.s32 $0x0;
	s3 =	srdreg.scid;
	s0 =	stileid.u32  }
0x4: {  	s14 =	simm.s32 $0x5;
	s16 =	simm.s32 $0xC8;
	s17 =	simm.s32 $0x320  }
0x5: {  	s19 =	simm.s32 $0x190;
	s20 =	simm.s32 $0x258;
	s21 =	simm.s32 $0x1  }
0x6: {  	s22 =	simm.s32 $0x1C20;
	s23 =	simm.s32 $0x3;
	s26 =	simm.s32 $0x4  }
0x7: {  	s28 =	simm.s32 $0x0;
	[smem:$0x7FF] =	sst s2;
	s6 =	smul.u32 $0x18800, s0  }
0x8: {  	s4 =	sand.u32 $0x1, s3;
	s12 =	sadd.s32 $0x1A00, s8;
	s11 =	smul.u32 $0xC350, s0  }
0x9: {  	s31 =	sshll.u32 s0, $0x6;
	s5 =	smul.u32 $0x31000, s4;
	s4 =	ssub.s32 $0x2, s4  }
0xa: {  	s18 =	smul.u32 $0x186A, s0;
	_ =	strace $0x8000004D;
	s30 =	sshrl.u32 s4, $0x1  }
0xb: {  	s13 =	sadd.s32 s6, s1;
	s24 =	sshrl.u32 s6, $0x3;
	s6 =	sor.u32 $0x1C05, s31  }
0xc: {  	s15 =	sshrl.u32 s11, $0x3;
	s11 =	sadd.s32 $0xC288, s11;
	s9 =	sadd.s32 s5, s8  }
0xd: {  	s10 =	ssub.s32 s4, s30;
	s7 =	sadd.s32 s12, s15;
	s8 =	sadd.s32 $0x1A0A0, s8  }
0xe: {  	s13 =	sshrl.u32 s13, $0x3;
	s4 =	sadd.s32 $0x1BA800, s9;
	s25 =	sadd.s32 $0x32800, s9  }
0xf: {  	s9 =	sshrl.u32 s11, $0x3;
	s10 =	smax.u32 s10, $0x1;
	s15 =	sadd.s32 s15, s8  }
0x10: {  	s5 =	sadd.s32 s24, s4;
	s11 =	sadd.s32 s12, s9;
	s12 =	sadd.s32 s18, s12  }
0x11: {  	s18 =	sadd.s32 s8, s18;
	s24 =	sadd.s32 s24, s25;
	s25 =	simm.s32 $0x2  }
.LBB2_1:
0x12: {  	[spmem:s13], [sflag:s6] =	dma.local [hbm:s5], $0x3100  }
0x13: {  	_ =	swait.ge [sflag:s14], $0x3100  }
0x14: {  	[sflag:s14] =	ssyncset.done $0x0  }
0x15: {  	[sflag:s14] =	ssyncadd.s32 $0xFFFFCF00  }
0x16: {  	[bflag:$0x0] =	sbarrier.arrive $0xFFFF  }
0x17: {  	[tilespmem:s2], [sflag:$0x5] =	stream.linear.gather [hbm4b:s7+s2], $0xC8, $0x38;
	[tilespmem:$0x1BD20] =	vst v63  }
0x18: {  	_ =	swait.ge [sflag:s14], $0xC8  }
0x19: {  	[sflag:s14] =	ssyncset.done $0x0  }
0x1a: {  	[sflag:s14] =	ssyncadd.s32 $0xFFFFFF38  }
0x1b: {  	[tilespmem:s16], [sflag:$0x5] =	stream.linear.gather [hbm4b:s15+s2], $0xC8, $0x38;
	[tilespmem:$0x1BD20] =	vst v63  }
0x1c: {  	_ =	swait.ge [sflag:s14], $0xC8  }
0x1d: {  	[sflag:s14] =	ssyncset.done $0x0  }
0x1e: {  	s29 =	sadd.s32 $0xFFFFE7C8, s12;
	[sflag:s14] =	ssyncadd.s32 $0xFFFFFF38  }
0x1f: {  	[tilespmem:s17], [sflag:$0x1] =	stream.indirect.gather [hbm4b:s4+s16], $0x20, s2, s16, $0xb8;
	[tilespmem:$0x1BD20] =	vst v63  }
0x20: {  	s30 =	sadd.s32 $0x1851, s29  }
0x21: {  	[tilespmem:s19], [sflag:$0x5] =	stream.linear.gather [hbm4b:s30+s2], $0xC8, $0x38;
	[tilespmem:$0x1BD20] =	vst v63  }
0x22: {  	_ =	swait.ge [sflag:s14], $0xC8  }
0x23: {  	s3 =	sadd.s32 $0xFFFFE7C8, s18;
	[sflag:s14] =	ssyncset.done $0x0  }
0x24: {  	s31 =	sadd.s32 $0x1851, s3;
	[sflag:s14] =	ssyncadd.s32 $0xFFFFFF38  }
0x25: {  	[tilespmem:s20], [sflag:$0x5] =	stream.linear.gather [hbm4b:s31+s2], $0xC8, $0x38;
	[tilespmem:$0x1BD20] =	vst v63  }
0x26: {  	_ =	swait.ge [sflag:s14], $0xC8  }
0x27: {  	[sflag:s14] =	ssyncset.done $0x0  }
0x28: {  	[sflag:s14] =	ssyncadd.s32 $0xFFFFFF38  }
0x29: {  	_ =	swait.ge [sflag:s21], $0x1900  }
0x2a: {  	[sflag:s21] =	ssyncset.done $0x0  }
0x2b: {  	[sflag:s21] =	ssyncadd.s32 $0xFFFFE700  }
0x2c: {  	[spmem:s1] =	stream.indirect.scatter.add.f32 [tilespmem:s17], [sflag:$0x3], $0x20, s16, s16, $0xb8;
	[tilespmem:$0x1BD20] =	vst v63  }
0x2d: {  	_ = 	snop  }
0x2e: {  	[tilespmem:s22], [sflag:$0x2] =	stream.indirect.gather [hbm4b:s4+s16], $0x20, s19, s16, $0xb8;
	[tilespmem:$0x1BD20] =	vst v63  }
0x2f: {  	_ =	swait.ge [sflag:s23], $0x1900  }
0x30: {  	[sflag:s23] =	ssyncset.done $0x0  }
0x31: {  	s29 =	sadd.s32 $0x186A, s29;
	[sflag:s23] =	ssyncadd.s32 $0xFFFFE700  }
0x32: {  	[tilespmem:s2], [sflag:$0x5] =	stream.linear.gather [hbm4b:s29+s2], $0xC8, $0x38;
	[tilespmem:$0x1BD20] =	vst v63  }
0x33: {  	_ =	swait.ge [sflag:s14], $0xC8  }
0x34: {  	[sflag:s14] =	ssyncset.done $0x0  }
0x35: {  	s29 =	sadd.s32 $0x186A, s3;
	[sflag:s14] =	ssyncadd.s32 $0xFFFFFF38  }
0x36: {  	[tilespmem:s16], [sflag:$0x5] =	stream.linear.gather [hbm4b:s29+s2], $0xC8, $0x38;
	[tilespmem:$0x1BD20] =	vst v63  }
0x37: {  	_ =	swait.ge [sflag:s14], $0xC8  }
0x38: {  	[sflag:s14] =	ssyncset.done $0x0  }
0x39: {  	[sflag:s14] =	ssyncadd.s32 $0xFFFFFF38  }
0x3a: {  	_ =	swait.ge [sflag:s25], $0x1900  }
0x3b: {  	[sflag:s25] =	ssyncset.done $0x0  }
0x3c: {  	[sflag:s25] =	ssyncadd.s32 $0xFFFFE700  }
0x3d: {  	[spmem:s1] =	stream.indirect.scatter.add.f32 [tilespmem:s22], [sflag:$0x4], $0x20, s20, s16, $0xb8;
	[tilespmem:$0x1BD20] =	vst v63  }
0x3e: {  	_ = 	snop  }
0x3f: {  	[tilespmem:s17], [sflag:$0x1] =	stream.indirect.gather [hbm4b:s4+s16], $0x20, s2, s16, $0xb8;
	[tilespmem:$0x1BD20] =	vst v63  }
0x40: {  	_ =	swait.ge [sflag:s26], $0x1900  }
0x41: {  	s31 =	simm.s32 $0xFFFFE82C;
	s29 =	simm.s32 $0xFFFFE7FA;
	[sflag:s26] =	ssyncset.done $0x0  }
.LBB2_2:
0x42: {  	s0 =	sadd.s32 s29, s12  }
0x43: {  	[sflag:s26] =	ssyncadd.s32 $0xFFFFE700;
	s3 =	smov.u32 s31;
	s30 =	sadd.s32 $0x32, s31  }
0x44: {  	p0 =	sne.s32 s31, $0xFFFFFFCE;
	s31 =	sadd.s32 $0x1851, s0  }
0x45: {  	[tilespmem:s19], [sflag:$0x5] =	stream.linear.gather [hbm4b:s31+s2], $0xC8, $0x38;
	[tilespmem:$0x1BD20] =	vst v63  }
0x46: {  	_ =	swait.ge [sflag:s14], $0xC8  }
0x47: {  	s31 =	sadd.s32 s29, s18;
	s29 =	smov.u32 s3;
	[sflag:s14] =	ssyncset.done $0x0  }
0x48: {  	s3 =	sadd.s32 $0x1851, s31;
	[sflag:s14] =	ssyncadd.s32 $0xFFFFFF38  }
0x49: {  	[tilespmem:s20], [sflag:$0x5] =	stream.linear.gather [hbm4b:s3+s2], $0xC8, $0x38;
	[tilespmem:$0x1BD20] =	vst v63  }
0x4a: {  	_ =	swait.ge [sflag:s14], $0xC8  }
0x4b: {  	[sflag:s14] =	ssyncset.done $0x0  }
0x4c: {  	[sflag:s14] =	ssyncadd.s32 $0xFFFFFF38  }
0x4d: {  	_ =	swait.ge [sflag:s21], $0x1900  }
0x4e: {  	[sflag:s21] =	ssyncset.done $0x0  }
0x4f: {  	[sflag:s21] =	ssyncadd.s32 $0xFFFFE700  }
0x50: {  	[spmem:s1] =	stream.indirect.scatter.add.f32 [tilespmem:s17], [sflag:$0x3], $0x20, s16, s16, $0xb8;
	[tilespmem:$0x1BD20] =	vst v63  }
0x51: {  	_ = 	snop  }
0x52: {  	[tilespmem:s22], [sflag:$0x2] =	stream.indirect.gather [hbm4b:s4+s16], $0x20, s19, s16, $0xb8;
	[tilespmem:$0x1BD20] =	vst v63  }
0x53: {  	_ =	swait.ge [sflag:s23], $0x1900  }
0x54: {  	[sflag:s23] =	ssyncset.done $0x0  }
0x55: {  	s0 =	sadd.s32 $0x186A, s0;
	[sflag:s23] =	ssyncadd.s32 $0xFFFFE700  }
0x56: {  	[tilespmem:s2], [sflag:$0x5] =	stream.linear.gather [hbm4b:s0+s2], $0xC8, $0x38;
	[tilespmem:$0x1BD20] =	vst v63  }
0x57: {  	_ =	swait.ge [sflag:s14], $0xC8  }
0x58: {  	[sflag:s14] =	ssyncset.done $0x0  }
0x59: {  	s0 =	sadd.s32 $0x186A, s31;
	[sflag:s14] =	ssyncadd.s32 $0xFFFFFF38  }
0x5a: {  	[tilespmem:s16], [sflag:$0x5] =	stream.linear.gather [hbm4b:s0+s2], $0xC8, $0x38;
	[tilespmem:$0x1BD20] =	vst v63  }
0x5b: {  	_ =	swait.ge [sflag:s14], $0xC8  }
0x5c: {  	[sflag:s14] =	ssyncset.done $0x0  }
0x5d: {  	[sflag:s14] =	ssyncadd.s32 $0xFFFFFF38  }
0x5e: {  	_ =	swait.ge [sflag:s25], $0x1900  }
0x5f: {  	[sflag:s25] =	ssyncset.done $0x0  }
0x60: {  	[sflag:s25] =	ssyncadd.s32 $0xFFFFE700  }
0x61: {  	[spmem:s1] =	stream.indirect.scatter.add.f32 [tilespmem:s22], [sflag:$0x4], $0x20, s20, s16, $0xb8;
	[tilespmem:$0x1BD20] =	vst v63  }
.Ltmp0:
0x62: {  	_ = 	snop;
	(pc) =	sbr.rel @p0 .LBB2_2-.Ltmp0, $4  }
0x63: {  	_ = 	snop  }
0x64: {  	[tilespmem:s17], [sflag:$0x1] =	stream.indirect.gather [hbm4b:s4+s16], $0x20, s2, s16, $0xb8;
	[tilespmem:$0x1BD20] =	vst v63  }
0x65: {  	_ =	swait.ge [sflag:s26], $0x1900  }
0x66: {  	s31 =	smov.u32 s30;
	[sflag:s26] =	ssyncset.done $0x0  }
0x67: {  	s0 =	sadd.s32 s29, s12  }
0x68: {  	[sflag:s26] =	ssyncadd.s32 $0xFFFFE700;
	s3 =	sadd.s32 $0x1851, s0  }
0x69: {  	[tilespmem:s19], [sflag:$0x5] =	stream.linear.gather [hbm4b:s3+s2], $0xC8, $0x38;
	[tilespmem:$0x1BD20] =	vst v63  }
0x6a: {  	_ =	swait.ge [sflag:s14], $0xC8  }
0x6b: {  	s31 =	sadd.s32 s29, s18;
	[sflag:s14] =	ssyncset.done $0x0  }
0x6c: {  	s29 =	sadd.s32 $0x1851, s31;
	[sflag:s14] =	ssyncadd.s32 $0xFFFFFF38  }
0x6d: {  	[tilespmem:s20], [sflag:$0x5] =	stream.linear.gather [hbm4b:s29+s2], $0xC8, $0x38;
	[tilespmem:$0x1BD20] =	vst v63  }
0x6e: {  	_ =	swait.ge [sflag:s14], $0xC8  }
0x6f: {  	[sflag:s14] =	ssyncset.done $0x0  }
0x70: {  	[sflag:s14] =	ssyncadd.s32 $0xFFFFFF38  }
0x71: {  	_ =	swait.ge [sflag:s21], $0x1900  }
0x72: {  	[sflag:s21] =	ssyncset.done $0x0  }
0x73: {  	[sflag:s21] =	ssyncadd.s32 $0xFFFFE700  }
0x74: {  	[spmem:s1] =	stream.indirect.scatter.add.f32 [tilespmem:s17], [sflag:$0x3], $0x20, s16, s16, $0xb8;
	[tilespmem:$0x1BD20] =	vst v63  }
0x75: {  	_ = 	snop  }
0x76: {  	[tilespmem:s22], [sflag:$0x2] =	stream.indirect.gather [hbm4b:s4+s16], $0x20, s19, s16, $0xb8;
	[tilespmem:$0x1BD20] =	vst v63  }
0x77: {  	_ =	swait.ge [sflag:s23], $0x1900  }
0x78: {  	[sflag:s23] =	ssyncset.done $0x0  }
0x79: {  	s0 =	sadd.s32 $0x186A, s0;
	[sflag:s23] =	ssyncadd.s32 $0xFFFFE700  }
0x7a: {  	[tilespmem:s2], [sflag:$0x5] =	stream.linear.gather [hbm4b:s0+s2], $0xC8, $0x38;
	[tilespmem:$0x1BD20] =	vst v63  }
0x7b: {  	_ =	swait.ge [sflag:s14], $0xC8  }
0x7c: {  	[sflag:s14] =	ssyncset.done $0x0  }
0x7d: {  	s30 =	sadd.s32 $0x186A, s31;
	[sflag:s14] =	ssyncadd.s32 $0xFFFFFF38  }
0x7e: {  	[tilespmem:s16], [sflag:$0x5] =	stream.linear.gather [hbm4b:s30+s2], $0xC8, $0x38;
	[tilespmem:$0x1BD20] =	vst v63  }
0x7f: {  	_ =	swait.ge [sflag:s14], $0xC8  }
0x80: {  	[sflag:s14] =	ssyncset.done $0x0  }
0x81: {  	[sflag:s14] =	ssyncadd.s32 $0xFFFFFF38  }
0x82: {  	_ =	swait.ge [sflag:s25], $0x1900  }
0x83: {  	[sflag:s25] =	ssyncset.done $0x0  }
0x84: {  	[sflag:s25] =	ssyncadd.s32 $0xFFFFE700  }
0x85: {  	[spmem:s1] =	stream.indirect.scatter.add.f32 [tilespmem:s22], [sflag:$0x4], $0x20, s20, s16, $0xb8;
	[tilespmem:$0x1BD20] =	vst v63  }
0x86: {  	_ = 	snop  }
0x87: {  	[tilespmem:s17], [sflag:$0x1] =	stream.indirect.gather [hbm4b:s4+s16], $0x20, s2, s16, $0xb8;
	[tilespmem:$0x1BD20] =	vst v63  }
0x88: {  	_ =	swait.ge [sflag:s26], $0x1900  }
0x89: {  	[sflag:s26] =	ssyncset.done $0x0  }
0x8a: {  	[sflag:s26] =	ssyncadd.s32 $0xFFFFE700  }
0x8b: {  	[tilespmem:s19], [sflag:$0x5] =	stream.linear.gather [hbm4b:s11+s2], $0xC8, $0x38;
	[tilespmem:$0x1BD20] =	vst v63  }
0x8c: {  	_ =	swait.ge [sflag:s14], $0xC8  }
0x8d: {  	[sflag:s14] =	ssyncset.done $0x0  }
0x8e: {  	s31 =	sadd.s32 s8, s9;
	[sflag:s14] =	ssyncadd.s32 $0xFFFFFF38  }
0x8f: {  	[tilespmem:s20], [sflag:$0x5] =	stream.linear.gather [hbm4b:s31+s2], $0xC8, $0x38;
	[tilespmem:$0x1BD20] =	vst v63  }
0x90: {  	_ =	swait.ge [sflag:s14], $0xC8  }
0x91: {  	[sflag:s14] =	ssyncset.done $0x0  }
0x92: {  	[sflag:s14] =	ssyncadd.s32 $0xFFFFFF38  }
0x93: {  	_ =	swait.ge [sflag:s21], $0x1900  }
0x94: {  	[sflag:s21] =	ssyncset.done $0x0  }
0x95: {  	[sflag:s21] =	ssyncadd.s32 $0xFFFFE700  }
0x96: {  	[spmem:s1] =	stream.indirect.scatter.add.f32 [tilespmem:s17], [sflag:$0x3], $0x20, s16, s16, $0xb8;
	[tilespmem:$0x1BD20] =	vst v63  }
0x97: {  	_ = 	snop  }
0x98: {  	[tilespmem:s22], [sflag:$0x2] =	stream.indirect.gather [hbm4b:s4+s16], $0x20, s19, s16, $0xb8;
	[tilespmem:$0x1BD20] =	vst v63  }
0x99: {  	_ =	swait.ge [sflag:s23], $0x1900  }
0x9a: {  	[sflag:s23] =	ssyncset.done $0x0  }
0x9b: {  	[sflag:s23] =	ssyncadd.s32 $0xFFFFE700  }
0x9c: {  	_ =	swait.ge [sflag:s25], $0x1900  }
0x9d: {  	[sflag:s25] =	ssyncset.done $0x0  }
0x9e: {  	[sflag:s25] =	ssyncadd.s32 $0xFFFFE700  }
0x9f: {  	[spmem:s1] =	stream.indirect.scatter.add.f32 [tilespmem:s22], [sflag:$0x4], $0x20, s20, s16, $0xb8;
	[tilespmem:$0x1BD20] =	vst v63  }
0xa0: {  	_ =	swait.ge [sflag:s26], $0x1900  }
0xa1: {  	s28 =	sadd.s32 $0x1, s28;
	[sflag:s26] =	ssyncset.done $0x0  }
0xa2: {  	p0 =	sne.s32 s28, s10;
	[sflag:s26] =	ssyncadd.s32 $0xFFFFE700  }
.Ltmp1:
0xa3: {  	[bflag:$0x0] =	sbarrier.arrive $0xFFFF;
	(pc) =	sbr.rel @p0 .LBB2_1-.Ltmp1, $4  }
0xa4: {  	[hbm:s24], [sflag:s6] =	dma.local [spmem:s13], $0x3100  }
0xa5: {  	_ =	swait.ge [sflag:s14], $0x3100  }
0xa6: {  	[sflag:s14] =	ssyncset.done $0x0  }
0xa7: {  	[sflag:s14] =	ssyncadd.s32 $0xFFFFCF00  }
0xa8: {  	_ =	sfence.sel $0x180000  }
0xa9: {  	[bflag:$0x0] =	sbarrier.arrive $0xFFFF  }
0xaa: {  	_ =	strace $0x9000004D  }
0xab: {  	s0 =	stileid.u32;
	[bflag:$0x2] =	sbarrier.arrive $0xFFFF  }
0xac: {  	p0 =	sne.s32 s0, $0x0;
	s0 =	rddreg [dreg:$0x2]  }
0xad: {  	s0 =	sadd.s32 @!p0 $0x100000, s0  }
0xae: {  	[sflag:s0] =	ssyncadd.tile.s32 @!p0 $0x1;
	_ =	shalt  }
.Lfunc_end2:
_tile_overlayer_lowered:
.L_overlay_start_2:
0xaf: {  	(tag) =	ssettag $0x2  }
0xb0: {  	s0 =	rddreg [dreg:$0x0];
	s2 =	stileid.u32  }
0xb1: {  	s1 =	rddreg [dreg:$0x1];
	p0 =	sne.s32 s2, $0x0  }
0xb2: {  	s3 =	rddreg [dreg:$0x2];
	[bflag:$0x3] =	sbarrier.arrive $0xFFFF;
	s2 =	simm.s32 @!p0 $0x1C05  }
0xb3: {  	[timem:s3], [sflag:s2] =	dma.local @!p0 [hbm:s0], s1  }
0xb4: {  	s0 =	simm.s32 @!p0 $0x5  }
0xb5: {  	_ =	swait.ge @!p0 [sflag:s0], s1  }
0xb6: {  	s1 =	ssub.s32 @!p0 $0x0, s1;
	[sflag:s0] =	ssyncset.done @!p0 $0x0  }
0xb7: {  	[sflag:s0] =	ssyncadd.s32 @!p0 s1  }
0xb8: {  	[bflag:$0x3] =	sbarrier.arrive $0xFFFF  }
0xb9: {  	_ =	shalt  }

// kernel: kernel.19.cloned.1.call-start
scs
__scs_entry_jumppad:
0x0: {  	(pc) =	sbr.rel $0x88, $3  }
0x1: {  	(tag) =	ssettag $0x0;
	lr =	simm.s32 $0x1  }
0x2: {  	[smem:$0x3F99] =	sst lr;
	_ =	strace $0xD0000000  }
0x3: {  	_ = 	snop  }
0x4: {  	_ = 	snop  }
0x5: {  	_ = 	snop  }
0x6: {  	_ = 	snop  }
0x7: {  	_ = 	snop  }
__scs_overlays_trampoline_lowered:
0x8: {  	[smem:$0x3FA8] =	sst s0  }
0x9: {  	[smem:$0x3FA9] =	sst s1  }
0xa: {  	[smem:$0x3FAA] =	sst s2  }
0xb: {  	[smem:$0x3FAB] =	sst s3  }
0xc: {  	[smem:$0x3FAC] =	sst s4  }
0xd: {  	[smem:$0x3FAD] =	sst s5  }
0xe: {  	[smem:$0x3FAE] =	sst s6  }
0xf: {  	[smem:$0x3FAF] =	sst s7  }
0x10: {  	[smem:$0x3FB0] =	sst s8  }
0x11: {  	[smem:$0x3FB1] =	sst s9;
	s0 =	simm.s32 @!p0 $0x0  }
0x12: {  	s1 =	sld [smem:$0x3F97];
	s0 =	simm.s32 @p0 $0x1  }
0x13: {  	[smem:$0x3FB2] =	sst s0;
	s0 =	simm.s32 @!p1 $0x0  }
0x14: {  	s2 =	sld [smem:$0x3F96];
	s0 =	simm.s32 @p1 $0x1  }
0x15: {  	[smem:$0x3FB3] =	sst s0;
	s0 =	simm.s32 @!p2 $0x0  }
0x16: {  	s3 =	sld [smem:$0x3FDB];
	s0 =	simm.s32 @p2 $0x1  }
0x17: {  	s4 =	simm.s32 $0x1BF5;
	[smem:$0x3FB5] =	sst s0  }
0x18: {  	s0 =	sld [smem:$0x3F98];
	_ =	swait.ge [sflag:s4], $0x0  }
0x19: {  	s7 =	sld [smem:$0x3F99]  }
0x1a: {  	s8 =	sadd.s32 $0xFFFFE003, lr  }
0x1b: {  	s9 =	sadd.s32 $0xFFFFFEF7, lr;
	s5 =	simm.s32 $0xFFFFFFFF;
	p2 =	slt.u32 s8, $0xFFFFF086  }
0x1c: {  	p1 =	slt.u32 s9, $0xF7A;
	s5 =	simm.s32 @!p2 $0x0  }
0x1d: {  	s5 =	simm.s32 @p1 $0x1;
	p0 =	seq.s32 s7, s2  }
0x1e: {  	s7 =	smul.u32 @!p0 $0xF7A, s2;
	p2 =	seq.s32 @!p0 s5, $0x0  }
0x1f: {  	s9 =	smul.u32 $0xF7A, s1;
	s8 =	simm.s32 @!p0 $0x1BF5;
	p2 =	por !p2, p0  }
0x20: {  	[sflag:s8] =	ssyncset.s32 @!p0 $0xFFFFF086;
	s6 =	sadd.s32 @!p0 s3, s7;
	s7 =	simm.s32 @!p0 $0x108  }
0x21: {  	s3 =	sadd.s32 s3, s9;
	s6 =	sadd.s32 @!p0 $0x88, s6;
	s7 =	simm.s32 @p2 $0x1082  }
0x22: {  	[simem:s7], [sflag:s8] =	dma.local @!p0 [hbm:s6], $0xF7A  }
0x23: {  	s9 =	sor.u32 $0xD0000000, s2;
	s6 =	simm.s32 $0x108;
	_ =	swait.ge @!p0 [sflag:s8], $0x0  }
0x24: {  	s3 =	sadd.s32 $0x88, s3;
	s6 =	simm.s32 @!p1 $0x1082;
	[sflag:s4] =	ssyncset.s32 $0xFFFFF086  }
0x25: {  	[simem:s6], [sflag:s4] =	dma.local [hbm:s3], $0xF7A  }
0x26: {  	[smem:$0x3F99] =	sst s1;
	(tag) =	ssettag s2;
	_ =	strace s9  }
0x27: {  	s1 =	sld [smem:$0x3FA9]  }
0x28: {  	s2 =	sld [smem:$0x3FAA]  }
0x29: {  	s4 =	sld [smem:$0x3FAC]  }
0x2a: {  	p0 =	seq.s32 s5, $0x0;
	s5 =	sld [smem:$0x3FAD]  }
0x2b: {  	s6 =	sld [smem:$0x3FAE]  }
0x2c: {  	s7 =	sld [smem:$0x3FAF]  }
0x2d: {  	s3 =	simm.s32 $0x108;
	s8 =	sld [smem:$0x3FB0]  }
0x2e: {  	s3 =	simm.s32 @!p0 $0x1082;
	s9 =	sld [smem:$0x3FB1]  }
0x2f: {  	lr =	sadd.s32 s0, s3;
	s0 =	sld [smem:$0x3FA8]  }
0x30: {  	s3 =	sld [smem:$0x3FAB]  }
0x31: {  	[smem:$0x3FB4] =	sst s10  }
0x32: {  	s10 =	sld [smem:$0x3FB2];
	_ =	sdelay $0x3  }
0x33: {  	p0 =	seq.s32 s10, $0x1;
	s10 =	sld [smem:$0x3FB4];
	_ =	sdelay $0x3  }
0x34: {  	[smem:$0x3FB4] =	sst s10  }
0x35: {  	s10 =	sld [smem:$0x3FB3];
	_ =	sdelay $0x3  }
0x36: {  	p1 =	seq.s32 s10, $0x1;
	s10 =	sld [smem:$0x3FB4];
	_ =	sdelay $0x3  }
0x37: {  	[smem:$0x3FB4] =	sst s10  }
0x38: {  	s10 =	sld [smem:$0x3FB5]  }
0x39: {  	_ = 	snop;
	(pc) =	sbr.ind lr, $3  }
0x3a: {  	_ = 	snop  }
0x3b: {  	_ = 	snop  }
0x3c: {  	p2 =	seq.s32 s10, $0x1;
	s10 =	sld [smem:$0x3FB4]  }
0x3d: {  	_ =	shalt  }
0x3e: {  	_ =	shalt  }
0x3f: {  	_ =	shalt  }
0x40: {  	_ =	shalt  }
0x41: {  	_ =	shalt  }
0x42: {  	_ =	shalt  }
0x43: {  	_ =	shalt  }
0x44: {  	_ =	shalt  }
0x45: {  	_ =	shalt  }
0x46: {  	_ =	shalt  }
0x47: {  	_ =	shalt  }
0x48: {  	_ =	shalt  }
0x49: {  	_ =	shalt  }
0x4a: {  	_ =	shalt  }
0x4b: {  	_ =	shalt  }
0x4c: {  	_ =	shalt  }
0x4d: {  	_ =	shalt  }
0x4e: {  	_ =	shalt  }
0x4f: {  	_ =	shalt  }
0x50: {  	_ =	shalt  }
0x51: {  	_ =	shalt  }
0x52: {  	_ =	shalt  }
0x53: {  	_ =	shalt  }
0x54: {  	_ =	shalt  }
0x55: {  	_ =	shalt  }
0x56: {  	_ =	shalt  }
0x57: {  	_ =	shalt  }
0x58: {  	_ =	shalt  }
0x59: {  	_ =	shalt  }
0x5a: {  	_ =	shalt  }
0x5b: {  	_ =	shalt  }
0x5c: {  	_ =	shalt  }
0x5d: {  	_ =	shalt  }
0x5e: {  	_ =	shalt  }
0x5f: {  	_ =	shalt  }
0x60: {  	_ =	shalt  }
0x61: {  	_ =	shalt  }
0x62: {  	_ =	shalt  }
0x63: {  	_ =	shalt  }
0x64: {  	_ =	shalt  }
0x65: {  	_ =	shalt  }
0x66: {  	_ =	shalt  }
0x67: {  	_ =	shalt  }
0x68: {  	_ =	shalt  }
0x69: {  	_ =	shalt  }
0x6a: {  	_ =	shalt  }
0x6b: {  	_ =	shalt  }
0x6c: {  	_ =	shalt  }
0x6d: {  	_ =	shalt  }
0x6e: {  	_ =	shalt  }
0x6f: {  	_ =	shalt  }
0x70: {  	_ =	shalt  }
0x71: {  	_ =	shalt  }
0x72: {  	_ =	shalt  }
0x73: {  	_ =	shalt  }
0x74: {  	_ =	shalt  }
0x75: {  	_ =	shalt  }
0x76: {  	_ =	shalt  }
0x77: {  	_ =	shalt  }
0x78: {  	_ =	shalt  }
0x79: {  	_ =	shalt  }
0x7a: {  	_ =	shalt  }
0x7b: {  	_ =	shalt  }
0x7c: {  	_ =	shalt  }
0x7d: {  	_ =	shalt  }
0x7e: {  	_ =	shalt  }
0x7f: {  	_ =	shalt  }
0x80: {  	_ =	shalt  }
0x81: {  	_ =	shalt  }
0x82: {  	_ =	shalt  }
0x83: {  	_ =	shalt  }
0x84: {  	_ =	shalt  }
0x85: {  	_ =	shalt  }
0x86: {  	_ =	shalt  }
0x87: {  	_ =	shalt  }
.Lfunc_end0:
.L_simem_size_0:
called_computation.3_lowered:
.L_overlay_start_0:
0x88: {  	s2 =	sld [smem:$0x3FD9]  }
0x89: {  	s3 =	sld [smem:$0x3FFE];
	_ =	sdelay $0x1  }
0x8a: {  	s1 =	srdreg.scid  }
0x8b: {  	s0 =	sand.u32 $0x1, s1  }
0x8c: {  	s16 =	sshll.u32 s0, $0xA;
	s2 =	sadd.s32 s3, s2  }
0x8d: {  	s2 =	sadd.s32 s2, s16  }
0x8e: {  	[smem:$0x3FC0] =	sst s2  }
0x8f: {  	_ = 	snop  }
0x90: {  	(tm) =	ssettm $0x1  }
0x91: {  	s17 =	sld [smem:$0x3FFB];
	_ =	sdelay $0x3  }
0x92: {  	_ =	strace s17  }
0x93: {  	s2 =	sld [smem:$0x3FFC];
	_ =	sdelay $0x3  }
0x94: {  	_ =	strace s2  }
0x95: {  	s2 =	sld [smem:$0x3FFD];
	_ =	sdelay $0x3  }
0x96: {  	_ =	strace s2  }
0x97: {  	_ =	strace $0x8FFFFFFF  }
0x98: {  	s18 =	sld [smem:$0x3FDB];
	_ =	sdelay $0x1  }
0x99: {  	s19 =	simm.s32 $_scs_section_size  }
0x9a: {  	s4 =	simm.s32 $_size__tile_overlayer_lowered;
	s5 =	simm.s32 $_tile_overlayer_lowered  }
0x9b: {  	s22 =	simm.s32 $0x1BFF;
	s21 =	sshll.u32 s5, $0x1;
	s2 =	sadd.s32 s19, s18  }
0x9c: {  	s6 =	simm.s32 $0x0;
	s20 =	sshll.u32 s4, $0x1;
	s4 =	sadd.s32 s21, s2  }
0x9d: {  	[timem:s6], [sflag:s22] =	dma.local [hbm:s4], s20  }
0x9e: {  	_ =	swait.ge [sflag:s22], s20  }
0x9f: {  	s3 =	ssub.s32 $0x0, s20;
	[sflag:s22] =	ssyncset.done $0x0  }
0xa0: {  	[sflag:s22] =	ssyncadd.s32 s3;
	_ =	sdelay $0x1  }
0xa1: {  	s23 =	simm.s32 $0x1B8B  }
0xa2: {  	_ =	swait.ge [sflag:s23], $0x1  }
0xa3: {  	[sflag:s23] =	ssyncset.done $0x0  }
0xa4: {  	s25 =	simm.s32 $0x1B8E;
	s24 =	sld [smem:$0x3FFE];
	[sflag:s23] =	ssyncadd.s32 $0xFFFFFFFF  }
0xa5: {  	s26 =	simm.s32 $execute0_lowered;
	[smem:$0x3FD2] =	sst s25  }
0xa6: {  	s4 =	sshll.u32 s26, $0x1;
	_ =	strace $0x8000004F;
	[dreg:$0x1] =	wrdreg $0xFFFFFFFF  }
0xa7: {  	s28 =	simm.s32 $_size_execute0_lowered;
	s2 =	sadd.s32 s2, s4;
	[dreg:$0x0] =	wrdreg $0x0  }
0xa8: {  	s4 =	sshll.u32 s28, $0x1;
	[dreg:$0x2] =	wrdreg s2  }
0xa9: {  	[dreg:$0x3] =	wrdreg s4  }
0xaa: {  	[dreg:$0x4] =	wrdreg $0xC0  }
0xab: {  	_ =	task [dreg:s6], $0x5FFFF  }
0xac: {  	[dreg:$0x1] =	wrdreg $0xFFFFFFFF  }
0xad: {  	[dreg:$0x0] =	wrdreg $0x60  }
0xae: {  	[dreg:$0x2] =	wrdreg s24  }
0xaf: {  	[dreg:$0x3] =	wrdreg $0x35200  }
0xb0: {  	[dreg:$0x4] =	wrdreg $0x9  }
0xb1: {  	_ =	task.clear_ibuf [dreg:s6], $0x5FFFF;
	_ =	strace $0x9000004F  }
0xb2: {  	s29 =	simm.s32 $0x9;
	_ =	strace $0x80000051  }
0xb3: {  	_ =	swait.ge [sflag:s29], $0x1  }
0xb4: {  	[sflag:s29] =	ssyncadd.s32 $0xFFFFFFFF  }
0xb5: {  	_ =	strace $0x90000051  }
0xb6: {  	_ =	sfence  }
0xb7: {  	s30 =	sld [smem:$0x0];
	_ =	sdelay $0x2  }
0xb8: {  	s31 =	sshll.u32 s1, $0xD;
	s1 =	sshrl.u32 s1, $0x2  }
0xb9: {  	s3 =	sand.u32 $0x4000, s31;
	s1 =	sadd.s32 s1, s30  }
0xba: {  	s0 =	sor.u32 s3, s0;
	s1 =	sshll.u32 s1, $0x11  }
0xbb: {  	s0 =	sor.u32 s1, s0  }
0xbc: {  	s0 =	sadd.s32 $0x8F2B, s0  }
0xbd: {  	[sflag:s0] =	ssyncadd.remote.s32 $0x1  }
0xbe: {  	_ =	sfence.sel $0xFFFF  }
0xbf: {  	[dreg:$0x0] =	wrdreg $0xFFFFFFFF;
	(pc) =	sbr.abs _section_cstart, $3  }
0xc0: {  	[dreg:$0x1] =	wrdreg $0xFFFFFFFF  }
0xc1: {  	_ =	task.clear_ibuf [dreg:s6], $0x2FFFF;
	_ =	strace $0x9FFFFFFF  }
0xc2: {  	(tm) =	ssettm $0x7FFFFFFF  }
0xc3: {  	_ =	shalt  }
tec
execute0_lowered:
.L_overlay_start_1:
0x0: {  	(tag) =	ssettag $0x1  }
0x1: {  	s8 =	rddreg [dreg:$0x0]  }
0x2: {  	s1 =	rddreg [dreg:$0x1]  }
0x3: {  	s2 =	simm.s32 $0x0;
	s3 =	srdreg.scid;
	s0 =	stileid.u32  }
0x4: {  	s14 =	simm.s32 $0x5;
	s16 =	simm.s32 $0xC8;
	s17 =	simm.s32 $0x320  }
0x5: {  	s19 =	simm.s32 $0x190;
	s20 =	simm.s32 $0x258;
	s21 =	simm.s32 $0x1  }
0x6: {  	s22 =	simm.s32 $0x1C20;
	s23 =	simm.s32 $0x3;
	s26 =	simm.s32 $0x4  }
0x7: {  	s28 =	simm.s32 $0x0;
	[smem:$0x7FF] =	sst s2;
	s6 =	smul.u32 $0x18800, s0  }
0x8: {  	s4 =	sand.u32 $0x1, s3;
	s12 =	sadd.s32 $0x1A00, s8;
	s11 =	smul.u32 $0xC350, s0  }
0x9: {  	s31 =	sshll.u32 s0, $0x6;
	s5 =	smul.u32 $0x31000, s4;
	s4 =	ssub.s32 $0x2, s4  }
0xa: {  	s18 =	smul.u32 $0x186A, s0;
	_ =	strace $0x80000050;
	s30 =	sshrl.u32 s4, $0x1  }
0xb: {  	s13 =	sadd.s32 s6, s1;
	s24 =	sshrl.u32 s6, $0x3;
	s6 =	sor.u32 $0x1C05, s31  }
0xc: {  	s15 =	sshrl.u32 s11, $0x3;
	s11 =	sadd.s32 $0xC288, s11;
	s9 =	sadd.s32 s5, s8  }
0xd: {  	s10 =	ssub.s32 s4, s30;
	s7 =	sadd.s32 s12, s15;
	s8 =	sadd.s32 $0x1A0A0, s8  }
0xe: {  	s13 =	sshrl.u32 s13, $0x3;
	s4 =	sadd.s32 $0x1BA800, s9;
	s25 =	sadd.s32 $0x32800, s9  }
0xf: {  	s9 =	sshrl.u32 s11, $0x3;
	s10 =	smax.u32 s10, $0x1;
	s15 =	sadd.s32 s15, s8  }
0x10: {  	s5 =	sadd.s32 s24, s4;
	s11 =	sadd.s32 s12, s9;
	s12 =	sadd.s32 s18, s12  }
0x11: {  	s18 =	sadd.s32 s8, s18;
	s24 =	sadd.s32 s24, s25;
	s25 =	simm.s32 $0x2  }
.LBB2_1:
0x12: {  	[spmem:s13], [sflag:s6] =	dma.local [hbm:s5], $0x3100  }
0x13: {  	_ =	swait.ge [sflag:s14], $0x3100  }
0x14: {  	[sflag:s14] =	ssyncset.done $0x0  }
0x15: {  	[sflag:s14] =	ssyncadd.s32 $0xFFFFCF00  }
0x16: {  	[bflag:$0x0] =	sbarrier.arrive $0xFFFF  }
0x17: {  	[tilespmem:s2], [sflag:$0x5] =	stream.linear.gather [hbm4b:s7+s2], $0xC8, $0x38;
	[tilespmem:$0x1BD20] =	vst v63  }
0x18: {  	_ =	swait.ge [sflag:s14], $0xC8  }
0x19: {  	[sflag:s14] =	ssyncset.done $0x0  }
0x1a: {  	[sflag:s14] =	ssyncadd.s32 $0xFFFFFF38  }
0x1b: {  	[tilespmem:s16], [sflag:$0x5] =	stream.linear.gather [hbm4b:s15+s2], $0xC8, $0x38;
	[tilespmem:$0x1BD20] =	vst v63  }
0x1c: {  	_ =	swait.ge [sflag:s14], $0xC8  }
0x1d: {  	[sflag:s14] =	ssyncset.done $0x0  }
0x1e: {  	s29 =	sadd.s32 $0xFFFFE7C8, s12;
	[sflag:s14] =	ssyncadd.s32 $0xFFFFFF38  }
0x1f: {  	[tilespmem:s17], [sflag:$0x1] =	stream.indirect.gather [hbm4b:s4+s16], $0x20, s2, s16, $0xb8;
	[tilespmem:$0x1BD20] =	vst v63  }
0x20: {  	s30 =	sadd.s32 $0x1851, s29  }
0x21: {  	[tilespmem:s19], [sflag:$0x5] =	stream.linear.gather [hbm4b:s30+s2], $0xC8, $0x38;
	[tilespmem:$0x1BD20] =	vst v63  }
0x22: {  	_ =	swait.ge [sflag:s14], $0xC8  }
0x23: {  	s3 =	sadd.s32 $0xFFFFE7C8, s18;
	[sflag:s14] =	ssyncset.done $0x0  }
0x24: {  	s31 =	sadd.s32 $0x1851, s3;
	[sflag:s14] =	ssyncadd.s32 $0xFFFFFF38  }
0x25: {  	[tilespmem:s20], [sflag:$0x5] =	stream.linear.gather [hbm4b:s31+s2], $0xC8, $0x38;
	[tilespmem:$0x1BD20] =	vst v63  }
0x26: {  	_ =	swait.ge [sflag:s14], $0xC8  }
0x27: {  	[sflag:s14] =	ssyncset.done $0x0  }
0x28: {  	[sflag:s14] =	ssyncadd.s32 $0xFFFFFF38  }
0x29: {  	_ =	swait.ge [sflag:s21], $0x1900  }
0x2a: {  	[sflag:s21] =	ssyncset.done $0x0  }
0x2b: {  	[sflag:s21] =	ssyncadd.s32 $0xFFFFE700  }
0x2c: {  	[spmem:s1] =	stream.indirect.scatter.add.f32 [tilespmem:s17], [sflag:$0x3], $0x20, s16, s16, $0xb8;
	[tilespmem:$0x1BD20] =	vst v63  }
0x2d: {  	_ = 	snop  }
0x2e: {  	[tilespmem:s22], [sflag:$0x2] =	stream.indirect.gather [hbm4b:s4+s16], $0x20, s19, s16, $0xb8;
	[tilespmem:$0x1BD20] =	vst v63  }
0x2f: {  	_ =	swait.ge [sflag:s23], $0x1900  }
0x30: {  	[sflag:s23] =	ssyncset.done $0x0  }
0x31: {  	s29 =	sadd.s32 $0x186A, s29;
	[sflag:s23] =	ssyncadd.s32 $0xFFFFE700  }
0x32: {  	[tilespmem:s2], [sflag:$0x5] =	stream.linear.gather [hbm4b:s29+s2], $0xC8, $0x38;
	[tilespmem:$0x1BD20] =	vst v63  }
0x33: {  	_ =	swait.ge [sflag:s14], $0xC8  }
0x34: {  	[sflag:s14] =	ssyncset.done $0x0  }
0x35: {  	s29 =	sadd.s32 $0x186A, s3;
	[sflag:s14] =	ssyncadd.s32 $0xFFFFFF38  }
0x36: {  	[tilespmem:s16], [sflag:$0x5] =	stream.linear.gather [hbm4b:s29+s2], $0xC8, $0x38;
	[tilespmem:$0x1BD20] =	vst v63  }
0x37: {  	_ =	swait.ge [sflag:s14], $0xC8  }
0x38: {  	[sflag:s14] =	ssyncset.done $0x0  }
0x39: {  	[sflag:s14] =	ssyncadd.s32 $0xFFFFFF38  }
0x3a: {  	_ =	swait.ge [sflag:s25], $0x1900  }
0x3b: {  	[sflag:s25] =	ssyncset.done $0x0  }
0x3c: {  	[sflag:s25] =	ssyncadd.s32 $0xFFFFE700  }
0x3d: {  	[spmem:s1] =	stream.indirect.scatter.add.f32 [tilespmem:s22], [sflag:$0x4], $0x20, s20, s16, $0xb8;
	[tilespmem:$0x1BD20] =	vst v63  }
0x3e: {  	_ = 	snop  }
0x3f: {  	[tilespmem:s17], [sflag:$0x1] =	stream.indirect.gather [hbm4b:s4+s16], $0x20, s2, s16, $0xb8;
	[tilespmem:$0x1BD20] =	vst v63  }
0x40: {  	_ =	swait.ge [sflag:s26], $0x1900  }
0x41: {  	s31 =	simm.s32 $0xFFFFE82C;
	s29 =	simm.s32 $0xFFFFE7FA;
	[sflag:s26] =	ssyncset.done $0x0  }
.LBB2_2:
0x42: {  	s0 =	sadd.s32 s29, s12  }
0x43: {  	[sflag:s26] =	ssyncadd.s32 $0xFFFFE700;
	s3 =	smov.u32 s31;
	s30 =	sadd.s32 $0x32, s31  }
0x44: {  	p0 =	sne.s32 s31, $0xFFFFFFCE;
	s31 =	sadd.s32 $0x1851, s0  }
0x45: {  	[tilespmem:s19], [sflag:$0x5] =	stream.linear.gather [hbm4b:s31+s2], $0xC8, $0x38;
	[tilespmem:$0x1BD20] =	vst v63  }
0x46: {  	_ =	swait.ge [sflag:s14], $0xC8  }
0x47: {  	s31 =	sadd.s32 s29, s18;
	s29 =	smov.u32 s3;
	[sflag:s14] =	ssyncset.done $0x0  }
0x48: {  	s3 =	sadd.s32 $0x1851, s31;
	[sflag:s14] =	ssyncadd.s32 $0xFFFFFF38  }
0x49: {  	[tilespmem:s20], [sflag:$0x5] =	stream.linear.gather [hbm4b:s3+s2], $0xC8, $0x38;
	[tilespmem:$0x1BD20] =	vst v63  }
0x4a: {  	_ =	swait.ge [sflag:s14], $0xC8  }
0x4b: {  	[sflag:s14] =	ssyncset.done $0x0  }
0x4c: {  	[sflag:s14] =	ssyncadd.s32 $0xFFFFFF38  }
0x4d: {  	_ =	swait.ge [sflag:s21], $0x1900  }
0x4e: {  	[sflag:s21] =	ssyncset.done $0x0  }
0x4f: {  	[sflag:s21] =	ssyncadd.s32 $0xFFFFE700  }
0x50: {  	[spmem:s1] =	stream.indirect.scatter.add.f32 [tilespmem:s17], [sflag:$0x3], $0x20, s16, s16, $0xb8;
	[tilespmem:$0x1BD20] =	vst v63  }
0x51: {  	_ = 	snop  }
0x52: {  	[tilespmem:s22], [sflag:$0x2] =	stream.indirect.gather [hbm4b:s4+s16], $0x20, s19, s16, $0xb8;
	[tilespmem:$0x1BD20] =	vst v63  }
0x53: {  	_ =	swait.ge [sflag:s23], $0x1900  }
0x54: {  	[sflag:s23] =	ssyncset.done $0x0  }
0x55: {  	s0 =	sadd.s32 $0x186A, s0;
	[sflag:s23] =	ssyncadd.s32 $0xFFFFE700  }
0x56: {  	[tilespmem:s2], [sflag:$0x5] =	stream.linear.gather [hbm4b:s0+s2], $0xC8, $0x38;
	[tilespmem:$0x1BD20] =	vst v63  }
0x57: {  	_ =	swait.ge [sflag:s14], $0xC8  }
0x58: {  	[sflag:s14] =	ssyncset.done $0x0  }
0x59: {  	s0 =	sadd.s32 $0x186A, s31;
	[sflag:s14] =	ssyncadd.s32 $0xFFFFFF38  }
0x5a: {  	[tilespmem:s16], [sflag:$0x5] =	stream.linear.gather [hbm4b:s0+s2], $0xC8, $0x38;
	[tilespmem:$0x1BD20] =	vst v63  }
0x5b: {  	_ =	swait.ge [sflag:s14], $0xC8  }
0x5c: {  	[sflag:s14] =	ssyncset.done $0x0  }
0x5d: {  	[sflag:s14] =	ssyncadd.s32 $0xFFFFFF38  }
0x5e: {  	_ =	swait.ge [sflag:s25], $0x1900  }
0x5f: {  	[sflag:s25] =	ssyncset.done $0x0  }
0x60: {  	[sflag:s25] =	ssyncadd.s32 $0xFFFFE700  }
0x61: {  	[spmem:s1] =	stream.indirect.scatter.add.f32 [tilespmem:s22], [sflag:$0x4], $0x20, s20, s16, $0xb8;
	[tilespmem:$0x1BD20] =	vst v63  }
.Ltmp0:
0x62: {  	_ = 	snop;
	(pc) =	sbr.rel @p0 .LBB2_2-.Ltmp0, $4  }
0x63: {  	_ = 	snop  }
0x64: {  	[tilespmem:s17], [sflag:$0x1] =	stream.indirect.gather [hbm4b:s4+s16], $0x20, s2, s16, $0xb8;
	[tilespmem:$0x1BD20] =	vst v63  }
0x65: {  	_ =	swait.ge [sflag:s26], $0x1900  }
0x66: {  	s31 =	smov.u32 s30;
	[sflag:s26] =	ssyncset.done $0x0  }
0x67: {  	s0 =	sadd.s32 s29, s12  }
0x68: {  	[sflag:s26] =	ssyncadd.s32 $0xFFFFE700;
	s3 =	sadd.s32 $0x1851, s0  }
0x69: {  	[tilespmem:s19], [sflag:$0x5] =	stream.linear.gather [hbm4b:s3+s2], $0xC8, $0x38;
	[tilespmem:$0x1BD20] =	vst v63  }
0x6a: {  	_ =	swait.ge [sflag:s14], $0xC8  }
0x6b: {  	s31 =	sadd.s32 s29, s18;
	[sflag:s14] =	ssyncset.done $0x0  }
0x6c: {  	s29 =	sadd.s32 $0x1851, s31;
	[sflag:s14] =	ssyncadd.s32 $0xFFFFFF38  }
0x6d: {  	[tilespmem:s20], [sflag:$0x5] =	stream.linear.gather [hbm4b:s29+s2], $0xC8, $0x38;
	[tilespmem:$0x1BD20] =	vst v63  }
0x6e: {  	_ =	swait.ge [sflag:s14], $0xC8  }
0x6f: {  	[sflag:s14] =	ssyncset.done $0x0  }
0x70: {  	[sflag:s14] =	ssyncadd.s32 $0xFFFFFF38  }
0x71: {  	_ =	swait.ge [sflag:s21], $0x1900  }
0x72: {  	[sflag:s21] =	ssyncset.done $0x0  }
0x73: {  	[sflag:s21] =	ssyncadd.s32 $0xFFFFE700  }
0x74: {  	[spmem:s1] =	stream.indirect.scatter.add.f32 [tilespmem:s17], [sflag:$0x3], $0x20, s16, s16, $0xb8;
	[tilespmem:$0x1BD20] =	vst v63  }
0x75: {  	_ = 	snop  }
0x76: {  	[tilespmem:s22], [sflag:$0x2] =	stream.indirect.gather [hbm4b:s4+s16], $0x20, s19, s16, $0xb8;
	[tilespmem:$0x1BD20] =	vst v63  }
0x77: {  	_ =	swait.ge [sflag:s23], $0x1900  }
0x78: {  	[sflag:s23] =	ssyncset.done $0x0  }
0x79: {  	s0 =	sadd.s32 $0x186A, s0;
	[sflag:s23] =	ssyncadd.s32 $0xFFFFE700  }
0x7a: {  	[tilespmem:s2], [sflag:$0x5] =	stream.linear.gather [hbm4b:s0+s2], $0xC8, $0x38;
	[tilespmem:$0x1BD20] =	vst v63  }
0x7b: {  	_ =	swait.ge [sflag:s14], $0xC8  }
0x7c: {  	[sflag:s14] =	ssyncset.done $0x0  }
0x7d: {  	s30 =	sadd.s32 $0x186A, s31;
	[sflag:s14] =	ssyncadd.s32 $0xFFFFFF38  }
0x7e: {  	[tilespmem:s16], [sflag:$0x5] =	stream.linear.gather [hbm4b:s30+s2], $0xC8, $0x38;
	[tilespmem:$0x1BD20] =	vst v63  }
0x7f: {  	_ =	swait.ge [sflag:s14], $0xC8  }
0x80: {  	[sflag:s14] =	ssyncset.done $0x0  }
0x81: {  	[sflag:s14] =	ssyncadd.s32 $0xFFFFFF38  }
0x82: {  	_ =	swait.ge [sflag:s25], $0x1900  }
0x83: {  	[sflag:s25] =	ssyncset.done $0x0  }
0x84: {  	[sflag:s25] =	ssyncadd.s32 $0xFFFFE700  }
0x85: {  	[spmem:s1] =	stream.indirect.scatter.add.f32 [tilespmem:s22], [sflag:$0x4], $0x20, s20, s16, $0xb8;
	[tilespmem:$0x1BD20] =	vst v63  }
0x86: {  	_ = 	snop  }
0x87: {  	[tilespmem:s17], [sflag:$0x1] =	stream.indirect.gather [hbm4b:s4+s16], $0x20, s2, s16, $0xb8;
	[tilespmem:$0x1BD20] =	vst v63  }
0x88: {  	_ =	swait.ge [sflag:s26], $0x1900  }
0x89: {  	[sflag:s26] =	ssyncset.done $0x0  }
0x8a: {  	[sflag:s26] =	ssyncadd.s32 $0xFFFFE700  }
0x8b: {  	[tilespmem:s19], [sflag:$0x5] =	stream.linear.gather [hbm4b:s11+s2], $0xC8, $0x38;
	[tilespmem:$0x1BD20] =	vst v63  }
0x8c: {  	_ =	swait.ge [sflag:s14], $0xC8  }
0x8d: {  	[sflag:s14] =	ssyncset.done $0x0  }
0x8e: {  	s31 =	sadd.s32 s8, s9;
	[sflag:s14] =	ssyncadd.s32 $0xFFFFFF38  }
0x8f: {  	[tilespmem:s20], [sflag:$0x5] =	stream.linear.gather [hbm4b:s31+s2], $0xC8, $0x38;
	[tilespmem:$0x1BD20] =	vst v63  }
0x90: {  	_ =	swait.ge [sflag:s14], $0xC8  }
0x91: {  	[sflag:s14] =	ssyncset.done $0x0  }
0x92: {  	[sflag:s14] =	ssyncadd.s32 $0xFFFFFF38  }
0x93: {  	_ =	swait.ge [sflag:s21], $0x1900  }
0x94: {  	[sflag:s21] =	ssyncset.done $0x0  }
0x95: {  	[sflag:s21] =	ssyncadd.s32 $0xFFFFE700  }
0x96: {  	[spmem:s1] =	stream.indirect.scatter.add.f32 [tilespmem:s17], [sflag:$0x3], $0x20, s16, s16, $0xb8;
	[tilespmem:$0x1BD20] =	vst v63  }
0x97: {  	_ = 	snop  }
0x98: {  	[tilespmem:s22], [sflag:$0x2] =	stream.indirect.gather [hbm4b:s4+s16], $0x20, s19, s16, $0xb8;
	[tilespmem:$0x1BD20] =	vst v63  }
0x99: {  	_ =	swait.ge [sflag:s23], $0x1900  }
0x9a: {  	[sflag:s23] =	ssyncset.done $0x0  }
0x9b: {  	[sflag:s23] =	ssyncadd.s32 $0xFFFFE700  }
0x9c: {  	_ =	swait.ge [sflag:s25], $0x1900  }
0x9d: {  	[sflag:s25] =	ssyncset.done $0x0  }
0x9e: {  	[sflag:s25] =	ssyncadd.s32 $0xFFFFE700  }
0x9f: {  	[spmem:s1] =	stream.indirect.scatter.add.f32 [tilespmem:s22], [sflag:$0x4], $0x20, s20, s16, $0xb8;
	[tilespmem:$0x1BD20] =	vst v63  }
0xa0: {  	_ =	swait.ge [sflag:s26], $0x1900  }
0xa1: {  	s28 =	sadd.s32 $0x1, s28;
	[sflag:s26] =	ssyncset.done $0x0  }
0xa2: {  	p0 =	sne.s32 s28, s10;
	[sflag:s26] =	ssyncadd.s32 $0xFFFFE700  }
.Ltmp1:
0xa3: {  	[bflag:$0x0] =	sbarrier.arrive $0xFFFF;
	(pc) =	sbr.rel @p0 .LBB2_1-.Ltmp1, $4  }
0xa4: {  	[hbm:s24], [sflag:s6] =	dma.local [spmem:s13], $0x3100  }
0xa5: {  	_ =	swait.ge [sflag:s14], $0x3100  }
0xa6: {  	[sflag:s14] =	ssyncset.done $0x0  }
0xa7: {  	[sflag:s14] =	ssyncadd.s32 $0xFFFFCF00  }
0xa8: {  	_ =	sfence.sel $0x180000  }
0xa9: {  	[bflag:$0x0] =	sbarrier.arrive $0xFFFF  }
0xaa: {  	_ =	strace $0x90000050  }
0xab: {  	s0 =	stileid.u32;
	[bflag:$0x2] =	sbarrier.arrive $0xFFFF  }
0xac: {  	p0 =	sne.s32 s0, $0x0;
	s0 =	rddreg [dreg:$0x2]  }
0xad: {  	s0 =	sadd.s32 @!p0 $0x100000, s0  }
0xae: {  	[sflag:s0] =	ssyncadd.tile.s32 @!p0 $0x1;
	_ =	shalt  }
.Lfunc_end2:
_tile_overlayer_lowered:
.L_overlay_start_2:
0xaf: {  	(tag) =	ssettag $0x2  }
0xb0: {  	s0 =	rddreg [dreg:$0x0];
	s2 =	stileid.u32  }
0xb1: {  	s1 =	rddreg [dreg:$0x1];
	p0 =	sne.s32 s2, $0x0  }
0xb2: {  	s3 =	rddreg [dreg:$0x2];
	[bflag:$0x3] =	sbarrier.arrive $0xFFFF;
	s2 =	simm.s32 @!p0 $0x1C05  }
0xb3: {  	[timem:s3], [sflag:s2] =	dma.local @!p0 [hbm:s0], s1  }
0xb4: {  	s0 =	simm.s32 @!p0 $0x5  }
0xb5: {  	_ =	swait.ge @!p0 [sflag:s0], s1  }
0xb6: {  	s1 =	ssub.s32 @!p0 $0x0, s1;
	[sflag:s0] =	ssyncset.done @!p0 $0x0  }
0xb7: {  	[sflag:s0] =	ssyncadd.s32 @!p0 s1  }
0xb8: {  	[bflag:$0x3] =	sbarrier.arrive $0xFFFF  }
0xb9: {  	_ =	shalt  }

</sc_bundles>
